<compile_context>
chip_gen: v7x
topology: tpu7x:2x2x1
jax: 0.10.2.dev20260603
libtpu: 0.0.44.dev20260713+nightly
codegen_flags: <defaults>
</compile_context>

<pallas_src>
import jax
import jax.numpy as jnp
from jax import lax
from jax.experimental import pallas as pl
from jax.experimental.pallas import tpu as pltpu
from jax.experimental.pallas import tpu_sc as plsc

_NS = 16
_B = 128
_K = 4
_DH = 64


import functools


@functools.lru_cache(maxsize=None)
def _make_sc_agg(n_nodes, n_acc, ep, with_deg):
    per_tile = ep // _NS
    kc = per_tile // (_K * _B)
    zrows = n_acc // _NS
    mesh = plsc.VectorSubcoreMesh(core_axis_name="c", subcore_axis_name="s")

    rows_pt = per_tile // _B
    ih = rows_pt // 2
    out_type = [jax.ShapeDtypeStruct((2, n_acc, _DH), jnp.float32)]
    scratch = [
        pltpu.VMEM((ih, _B), jnp.int32),
        pltpu.VMEM((ih, _B), jnp.int32),
        pltpu.VMEM((_K * _B, _DH), jnp.float32),
        pltpu.VMEM((128, _DH), jnp.float32),
        pltpu.VMEM_SHARED((n_acc, _DH), jnp.float32),
        pltpu.SemaphoreType.DMA,
    ]
    if with_deg:
        out_type.append(jax.ShapeDtypeStruct((2, n_acc, 16), jnp.float32))
        scratch += [
            pltpu.VMEM((_B, 16), jnp.float32),
            pltpu.VMEM((128, 16), jnp.float32),
            pltpu.VMEM_SHARED((n_acc, 16), jnp.float32),
        ]

    def body(src_hbm, dst_hbm, feat_hbm, *refs):
        if with_deg:
            (out_acc, out_deg, srca, dsta, rows0, zb, acc, sem_g,
             tpl, zd, dacc) = refs
        else:
            out_acc, srca, dsta, rows0, zb, acc, sem_g = refs
        c = lax.axis_index("c")
        s = lax.axis_index("s")

        zvec = jnp.zeros((16,), jnp.float32)

        def zrow(r, _):
            def zcol(cc, _):
                zb[r, pl.ds(cc * 16, 16)] = zvec
                return 0
            return lax.fori_loop(0, _DH // 16, zcol, 0)

        lax.fori_loop(0, 128, zrow, 0)
        zbase = s * zrows
        for i in range(zrows // 128):
            pltpu.sync_copy(zb, acc.at[pl.ds(zbase + i * 128, 128)])

        if with_deg:
            idx16 = lax.iota(jnp.int32, 16)
            half1 = jnp.where(idx16 == 0, 0.5, 0.0).astype(jnp.float32)

            def trow(r, _):
                tpl[r, pl.ds(0, 16)] = half1
                zd[r, pl.ds(0, 16)] = zvec
                return 0

            lax.fori_loop(0, 128, trow, 0)
            for i in range(zrows // 128):
                pltpu.sync_copy(zd, dacc.at[pl.ds(zbase + i * 128, 128)])

        plsc.subcore_barrier()

        def chunk(i, _):
            for cp in [
                pltpu.async_copy(
                    feat_hbm.at[srca.at[i * _K + j]],
                    rows0.at[pl.ds(j * _B, _B)], sem_g,
                )
                for j in range(_K)
            ]:
                cp.wait()
            for j in range(_K):
                pltpu.sync_copy(
                    rows0.at[pl.ds(j * _B, _B)], acc.at[dsta.at[i * _K + j]],
                    add=True,
                )
            if with_deg:
                for j in range(_K):
                    pltpu.sync_copy(tpl, dacc.at[dsta.at[i * _K + j]], add=True)
            return 0

        for h in range(2):
            pltpu.sync_copy(src_hbm.at[c, s, pl.ds(h * ih, ih)], srca)
            pltpu.sync_copy(dst_hbm.at[s, pl.ds(h * ih, ih)], dsta)
            lax.fori_loop(0, kc // 2, chunk, 0)

        plsc.subcore_barrier()

        ob = s * zrows
        pltpu.sync_copy(acc.at[pl.ds(ob, zrows)], out_acc.at[c, pl.ds(ob, zrows)])
        if with_deg:
            pltpu.sync_copy(dacc.at[pl.ds(ob, zrows)], out_deg.at[c, pl.ds(ob, zrows)])

    return pl.kernel(
        body, out_type=out_type, mesh=mesh, scratch_types=scratch,
        compiler_params=pltpu.CompilerParams(use_tc_tiling_on_sc=False),
    )


def _tc_layer(acc, deg, x, wl_t, bl, wr_t, relu):
    n, d = x.shape
    rb = 2000
    assert n % rb == 0

    def body(acc_ref, deg_ref, x_ref, wl_ref, b_ref, wr_ref, o_ref):
        dg = jnp.maximum(deg_ref[0][:, 0:1] + deg_ref[1][:, 0:1], 1.0)
        out = jnp.dot(acc_ref[0] / dg, wl_ref[0:_DH, :],
                      preferred_element_type=jnp.float32)
        out += jnp.dot(acc_ref[1] / dg, wl_ref[_DH:, :],
                       preferred_element_type=jnp.float32)
        out += b_ref[...]
        out += jnp.dot(x_ref[...], wr_ref[...], preferred_element_type=jnp.float32)
        if relu:
            out = jnp.maximum(out, 0.0)
        o_ref[...] = out

    return pl.pallas_call(
        body,
        grid=(n // rb,),
        in_specs=[
            pl.BlockSpec((2, rb, _DH), lambda i: (0, i, 0)),
            pl.BlockSpec((2, rb, 16), lambda i: (0, i, 0)),
            pl.BlockSpec((rb, d), lambda i: (i, 0)),
            pl.BlockSpec((d, d), lambda i: (0, 0)),
            pl.BlockSpec((1, d), lambda i: (0, 0)),
            pl.BlockSpec((d, d), lambda i: (0, 0)),
        ],
        out_specs=pl.BlockSpec((rb, d), lambda i: (i, 0)),
        out_shape=jax.ShapeDtypeStruct((n, d), jnp.float32),
    )(acc, deg, x, wl_t, bl, wr_t)


def _split_cols(f):
    return jnp.concatenate([f[:, :_DH], f[:, _DH:]], axis=0)


def kernel(x, edge_index, W1_l, b1_l, W1_r, W2_l, b2_l, W2_r):
    n, d = x.shape
    e = edge_index.shape[1]
    chunk_e = _NS * _K * _B * 2
    ep = chunk_e * (-(-e // chunk_e))
    n_acc = (_NS * 128) * (-(-(n + 1) // (_NS * 128)))

    src = edge_index[0]
    dst = edge_index[1]
    pad = ep - e
    if pad:
        src = jnp.concatenate([src, jnp.zeros((pad,), src.dtype)])
        dst = jnp.concatenate([dst, jnp.full((pad,), n, dst.dtype)])
    srcr = src.reshape(_NS, -1, _B)
    srcr2 = jnp.stack([srcr, srcr + n])
    dstr = dst.reshape(_NS, -1, _B)

    acc1, deg = _make_sc_agg(n, n_acc, ep, True)(srcr2, dstr, _split_cols(x))
    h = _tc_layer(acc1, deg, x, W1_l.T, b1_l.reshape(1, -1), W1_r.T, True)
    acc2 = _make_sc_agg(n, n_acc, ep, False)(srcr2, dstr, _split_cols(h))
    if isinstance(acc2, (tuple, list)):
        acc2 = acc2[0]
    return _tc_layer(acc2, deg, h, W2_l.T, b2_l.reshape(1, -1), W2_r.T, False)

# --- scband reference (transcript-rebuilt; emitter-appended) ---
"""Pipeline reference for scband-graph-sage-35072702939338 (READ-ONLY COPY).

The authoritative reference and input builder live on the scoring server;
editing this copy changes nothing except your own understanding.
"""

import jax, jax.numpy as jnp
import numpy as np

N = 10000
E = 320000
D_IN = 128
D_H = 128
D_OUT = 128


def _sage_conv(x, edge_index, W_l, b_l, W_r):
    # PyG SAGEConv (mean aggregation):
    #   out = lin_l(mean_{j in N(i)} x_j) + lin_r(x_i)
    # lin_l has bias, lin_r has no bias.
    src = edge_index[0]
    dst = edge_index[1]
    msgs = x[src]  # gather source node features per edge
    agg = jax.ops.segment_sum(msgs, dst, num_segments=x.shape[0])
    deg = jax.ops.segment_sum(jnp.ones((edge_index.shape[1],), dtype=x.dtype), dst, num_segments=x.shape[0])
    mean = agg / jnp.maximum(deg, 1.0)[:, None]
    return mean @ W_l.T + b_l + x @ W_r.T


def setup_inputs(seed: int = 0) -> dict:
    key = jax.random.key(seed)
    ks = jax.random.split(key, 9)
    x = jax.random.normal(ks[0], (N, D_IN), dtype=jnp.float32)
    edge_index = jax.random.randint(ks[1], (2, E), 0, N, dtype=jnp.int32)
    # layer 1 params (SAGEConv dim_in -> dim_h)
    W1_l = jax.random.normal(ks[2], (D_H, D_IN), dtype=jnp.float32) * 0.05
    b1_l = jnp.zeros((D_H,), dtype=jnp.float32)
    W1_r = jax.random.normal(ks[3], (D_H, D_IN), dtype=jnp.float32) * 0.05
    # layer 2 params (SAGEConv dim_h -> dim_out)
    W2_l = jax.random.normal(ks[4], (D_OUT, D_H), dtype=jnp.float32) * 0.05
    b2_l = jnp.zeros((D_OUT,), dtype=jnp.float32)
    W2_r = jax.random.normal(ks[5], (D_OUT, D_H), dtype=jnp.float32) * 0.05
    return {"x": x, "edge_index": edge_index, "W1_l": W1_l, "b1_l": b1_l, "W1_r": W1_r,
            "W2_l": W2_l, "b2_l": b2_l, "W2_r": W2_r}


def reference(x, edge_index, W1_l, b1_l, W1_r, W2_l, b2_l, W2_r):
    h = _sage_conv(x, edge_index, W1_l, b1_l, W1_r)
    h = jax.nn.relu(h)
    # F.dropout(p=0.5) is identity in eval mode
    h = _sage_conv(h, edge_index, W2_l, b2_l, W2_r)
    return h

if __name__ == "__main__":
    import jax
    _d = setup_inputs()
    print(jax.jit(kernel)(*tuple(_d.values())))

</pallas_src>

<mosaic_0001>
#map = affine_map<(d0, d1) -> (0, 0, 0, 0)>
#map1 = affine_map<(d0, d1) -> (0, 0, 0)>
#map2 = affine_map<(d0, d1) -> (0, 0)>
module attributes {stable_mosaic.version = 14 : i64} {
  func.func @body(%arg0: i32, %arg1: i32, %arg2: memref<2x16x160x128xi32, #tpu.memory_space<hbm>>, %arg3: memref<16x160x128xi32, #tpu.memory_space<hbm>>, %arg4: memref<20000x64xf32, #tpu.memory_space<hbm>>, %arg5: memref<2x10240x64xf32, #tpu.memory_space<hbm>>, %arg6: memref<80x128xi32, #tpu.memory_space<vmem>>, %arg7: memref<80x128xi32, #tpu.memory_space<vmem>>, %arg8: memref<512x64xf32, #tpu.memory_space<vmem>>, %arg9: memref<128x64xf32, #tpu.memory_space<vmem>>, %arg10: memref<10240x64xf32, #tpu.memory_space<vmem_shared>>, %arg11: memref<!tpu.dma_semaphore, #tpu.memory_space<semaphore_mem>>) attributes {dimension_semantics = [#tpu.dimension_semantics<core_parallel>, #tpu.dimension_semantics<subcore_parallel>], iteration_bounds = array<i64: 2, 16>, scalar_prefetch = 0 : i64, scratch_operands = 6 : i64, tpu.core_type = #tpu.core_type<sc_vector_subcore>, window_params = [{transform_indices = #map}, {transform_indices = #map1}, {transform_indices = #map2}, {transform_indices = #map1}]} {
    %broadcast_in_dim3A = arith.constant 0.000000e+00 : f32
    %broadcast_in_dim3A_0 = vector.broadcast %broadcast_in_dim3A : f32 to vector<16xf32>
    %scan3A = arith.constant 0 : i32
    %scan3A_1 = arith.constant 0 : i32
    %scan3A_2 = arith.constant 128 : i32
    %scan3A_3 = arith.addi %scan3A_1, %scan3A_2 : i32
    %scan3A_4 = arith.constant 1 : i32
    %scan3A_5 = scf.for %scan3A_34 = %scan3A_1 to %scan3A_3 step %scan3A_4 iter_args(%scan3A_35 = %scan3A) -> (i32)  : i32 {
      %scan3A_36 = arith.constant 0 : i32
      %scan3A_37 = arith.constant 0 : i32
      %scan3A_38 = arith.constant 4 : i32
      %scan3A_39 = arith.addi %scan3A_37, %scan3A_38 : i32
      %scan3A_40 = arith.constant 1 : i32
      %scan3A_41 = scf.for %scan3A_43 = %scan3A_37 to %scan3A_39 step %scan3A_40 iter_args(%scan3A_44 = %scan3A_36) -> (i32)  : i32 {
        %mul3A_45 = arith.constant 16 : i32
        %mul3A_46 = arith.muli %scan3A_43, %mul3A_45 : i32
        %swap3A = arith.index_cast %scan3A_34 : i32 to index
        %swap3A_47 = arith.index_cast %mul3A_46 : i32 to index
        %swap3A_48 = tpu.vector_load %arg9[%swap3A, %swap3A_47] {strides = array<i32>} : memref<128x64xf32, #tpu.memory_space<vmem>>, vector<1x16xf32>,
        %swap3A_49 = vector.shape_cast %swap3A_48 : vector<1x16xf32> to vector<16xf32>
        %swap3A_50 = vector.shape_cast %broadcast_in_dim3A_0 : vector<16xf32> to vector<1x16xf32>
        tpu.vector_store %arg9[%swap3A, %swap3A_47], %swap3A_50 {strides = array<i32>} : memref<128x64xf32, #tpu.memory_space<vmem>>, vector<1x16xf32>,
        %scan3A_51 = arith.constant 0 : i32
        scf.yield %scan3A_51 : i32
      }
      %scan3A_42 = arith.constant 4 : i32
      scf.yield %scan3A_41 : i32
    }
    %scan3A_6 = arith.constant 128 : i32
    %mul3A = arith.constant 640 : i32
    %mul3A_7 = arith.muli %arg1, %mul3A : i32
    %add3A = arith.constant 0 : i32
    %add3A_8 = arith.addi %mul3A_7, %add3A : i32
    "tpu.region"() ({
      %run_scoped3A = tpu.sem_alloc : memref<!tpu.dma_semaphore, #tpu.memory_space<semaphore_mem>>
      %dma_start3A = arith.constant 0 : i32
      %dma_start3A_34 = tpu.memref_slice %arg10[%add3A_8, %dma_start3A] : memref<10240x64xf32, #tpu.memory_space<vmem_shared>> -> memref<128x64xf32, #tpu.memory_space<vmem_shared>>
      %dma_start3A_35 = arith.constant 0 : i32
      %dma_start3A_36 = tpu.memref_slice %arg10[%add3A_8, %dma_start3A_35] : memref<10240x64xf32, #tpu.memory_space<vmem_shared>> -> memref<128x64xf32, #tpu.memory_space<vmem_shared>>
      tpu.enqueue_dma source(%arg9 : memref<128x64xf32, #tpu.memory_space<vmem>>) target(%dma_start3A_36 : memref<128x64xf32, #tpu.memory_space<vmem_shared>>) target_semaphore(%run_scoped3A : memref<!tpu.dma_semaphore, #tpu.memory_space<semaphore_mem>>)
      %dma_wait3A = arith.constant 0 : i32
      %dma_wait3A_37 = tpu.memref_slice %arg10[%add3A_8, %dma_wait3A] : memref<10240x64xf32, #tpu.memory_space<vmem_shared>> -> memref<128x64xf32, #tpu.memory_space<vmem_shared>>
      %dma_wait3A_38 = arith.constant 0 : i32
      %dma_wait3A_39 = tpu.memref_slice %arg10[%add3A_8, %dma_wait3A_38] : memref<10240x64xf32, #tpu.memory_space<vmem_shared>> -> memref<128x64xf32, #tpu.memory_space<vmem_shared>>
      tpu.wait_dma2 semaphore(%run_scoped3A : memref<!tpu.dma_semaphore, #tpu.memory_space<semaphore_mem>>) src(%arg9 : memref<128x64xf32, #tpu.memory_space<vmem>>) dst(%dma_wait3A_39 : memref<128x64xf32, #tpu.memory_space<vmem_shared>>)
      tpu.yield
    }) : () -> ()
    %add3A_9 = arith.constant 128 : i32
    %add3A_10 = arith.addi %mul3A_7, %add3A_9 : i32
    "tpu.region"() ({
      %run_scoped3A = tpu.sem_alloc : memref<!tpu.dma_semaphore, #tpu.memory_space<semaphore_mem>>
      %dma_start3A = arith.constant 0 : i32
      %dma_start3A_34 = tpu.memref_slice %arg10[%add3A_10, %dma_start3A] : memref<10240x64xf32, #tpu.memory_space<vmem_shared>> -> memref<128x64xf32, #tpu.memory_space<vmem_shared>>
      %dma_start3A_35 = arith.constant 0 : i32
      %dma_start3A_36 = tpu.memref_slice %arg10[%add3A_10, %dma_start3A_35] : memref<10240x64xf32, #tpu.memory_space<vmem_shared>> -> memref<128x64xf32, #tpu.memory_space<vmem_shared>>
      tpu.enqueue_dma source(%arg9 : memref<128x64xf32, #tpu.memory_space<vmem>>) target(%dma_start3A_36 : memref<128x64xf32, #tpu.memory_space<vmem_shared>>) target_semaphore(%run_scoped3A : memref<!tpu.dma_semaphore, #tpu.memory_space<semaphore_mem>>)
      %dma_wait3A = arith.constant 0 : i32
      %dma_wait3A_37 = tpu.memref_slice %arg10[%add3A_10, %dma_wait3A] : memref<10240x64xf32, #tpu.memory_space<vmem_shared>> -> memref<128x64xf32, #tpu.memory_space<vmem_shared>>
      %dma_wait3A_38 = arith.constant 0 : i32
      %dma_wait3A_39 = tpu.memref_slice %arg10[%add3A_10, %dma_wait3A_38] : memref<10240x64xf32, #tpu.memory_space<vmem_shared>> -> memref<128x64xf32, #tpu.memory_space<vmem_shared>>
      tpu.wait_dma2 semaphore(%run_scoped3A : memref<!tpu.dma_semaphore, #tpu.memory_space<semaphore_mem>>) src(%arg9 : memref<128x64xf32, #tpu.memory_space<vmem>>) dst(%dma_wait3A_39 : memref<128x64xf32, #tpu.memory_space<vmem_shared>>)
      tpu.yield
    }) : () -> ()
    %add3A_11 = arith.constant 256 : i32
    %add3A_12 = arith.addi %mul3A_7, %add3A_11 : i32
    "tpu.region"() ({
      %run_scoped3A = tpu.sem_alloc : memref<!tpu.dma_semaphore, #tpu.memory_space<semaphore_mem>>
      %dma_start3A = arith.constant 0 : i32
      %dma_start3A_34 = tpu.memref_slice %arg10[%add3A_12, %dma_start3A] : memref<10240x64xf32, #tpu.memory_space<vmem_shared>> -> memref<128x64xf32, #tpu.memory_space<vmem_shared>>
      %dma_start3A_35 = arith.constant 0 : i32
      %dma_start3A_36 = tpu.memref_slice %arg10[%add3A_12, %dma_start3A_35] : memref<10240x64xf32, #tpu.memory_space<vmem_shared>> -> memref<128x64xf32, #tpu.memory_space<vmem_shared>>
      tpu.enqueue_dma source(%arg9 : memref<128x64xf32, #tpu.memory_space<vmem>>) target(%dma_start3A_36 : memref<128x64xf32, #tpu.memory_space<vmem_shared>>) target_semaphore(%run_scoped3A : memref<!tpu.dma_semaphore, #tpu.memory_space<semaphore_mem>>)
      %dma_wait3A = arith.constant 0 : i32
      %dma_wait3A_37 = tpu.memref_slice %arg10[%add3A_12, %dma_wait3A] : memref<10240x64xf32, #tpu.memory_space<vmem_shared>> -> memref<128x64xf32, #tpu.memory_space<vmem_shared>>
      %dma_wait3A_38 = arith.constant 0 : i32
      %dma_wait3A_39 = tpu.memref_slice %arg10[%add3A_12, %dma_wait3A_38] : memref<10240x64xf32, #tpu.memory_space<vmem_shared>> -> memref<128x64xf32, #tpu.memory_space<vmem_shared>>
      tpu.wait_dma2 semaphore(%run_scoped3A : memref<!tpu.dma_semaphore, #tpu.memory_space<semaphore_mem>>) src(%arg9 : memref<128x64xf32, #tpu.memory_space<vmem>>) dst(%dma_wait3A_39 : memref<128x64xf32, #tpu.memory_space<vmem_shared>>)
      tpu.yield
    }) : () -> ()
    %add3A_13 = arith.constant 384 : i32
    %add3A_14 = arith.addi %mul3A_7, %add3A_13 : i32
    "tpu.region"() ({
      %run_scoped3A = tpu.sem_alloc : memref<!tpu.dma_semaphore, #tpu.memory_space<semaphore_mem>>
      %dma_start3A = arith.constant 0 : i32
      %dma_start3A_34 = tpu.memref_slice %arg10[%add3A_14, %dma_start3A] : memref<10240x64xf32, #tpu.memory_space<vmem_shared>> -> memref<128x64xf32, #tpu.memory_space<vmem_shared>>
      %dma_start3A_35 = arith.constant 0 : i32
      %dma_start3A_36 = tpu.memref_slice %arg10[%add3A_14, %dma_start3A_35] : memref<10240x64xf32, #tpu.memory_space<vmem_shared>> -> memref<128x64xf32, #tpu.memory_space<vmem_shared>>
      tpu.enqueue_dma source(%arg9 : memref<128x64xf32, #tpu.memory_space<vmem>>) target(%dma_start3A_36 : memref<128x64xf32, #tpu.memory_space<vmem_shared>>) target_semaphore(%run_scoped3A : memref<!tpu.dma_semaphore, #tpu.memory_space<semaphore_mem>>)
      %dma_wait3A = arith.constant 0 : i32
      %dma_wait3A_37 = tpu.memref_slice %arg10[%add3A_14, %dma_wait3A] : memref<10240x64xf32, #tpu.memory_space<vmem_shared>> -> memref<128x64xf32, #tpu.memory_space<vmem_shared>>
      %dma_wait3A_38 = arith.constant 0 : i32
      %dma_wait3A_39 = tpu.memref_slice %arg10[%add3A_14, %dma_wait3A_38] : memref<10240x64xf32, #tpu.memory_space<vmem_shared>> -> memref<128x64xf32, #tpu.memory_space<vmem_shared>>
      tpu.wait_dma2 semaphore(%run_scoped3A : memref<!tpu.dma_semaphore, #tpu.memory_space<semaphore_mem>>) src(%arg9 : memref<128x64xf32, #tpu.memory_space<vmem>>) dst(%dma_wait3A_39 : memref<128x64xf32, #tpu.memory_space<vmem_shared>>)
      tpu.yield
    }) : () -> ()
    %add3A_15 = arith.constant 512 : i32
    %add3A_16 = arith.addi %mul3A_7, %add3A_15 : i32
    "tpu.region"() ({
      %run_scoped3A = tpu.sem_alloc : memref<!tpu.dma_semaphore, #tpu.memory_space<semaphore_mem>>
      %dma_start3A = arith.constant 0 : i32
      %dma_start3A_34 = tpu.memref_slice %arg10[%add3A_16, %dma_start3A] : memref<10240x64xf32, #tpu.memory_space<vmem_shared>> -> memref<128x64xf32, #tpu.memory_space<vmem_shared>>
      %dma_start3A_35 = arith.constant 0 : i32
      %dma_start3A_36 = tpu.memref_slice %arg10[%add3A_16, %dma_start3A_35] : memref<10240x64xf32, #tpu.memory_space<vmem_shared>> -> memref<128x64xf32, #tpu.memory_space<vmem_shared>>
      tpu.enqueue_dma source(%arg9 : memref<128x64xf32, #tpu.memory_space<vmem>>) target(%dma_start3A_36 : memref<128x64xf32, #tpu.memory_space<vmem_shared>>) target_semaphore(%run_scoped3A : memref<!tpu.dma_semaphore, #tpu.memory_space<semaphore_mem>>)
      %dma_wait3A = arith.constant 0 : i32
      %dma_wait3A_37 = tpu.memref_slice %arg10[%add3A_16, %dma_wait3A] : memref<10240x64xf32, #tpu.memory_space<vmem_shared>> -> memref<128x64xf32, #tpu.memory_space<vmem_shared>>
      %dma_wait3A_38 = arith.constant 0 : i32
      %dma_wait3A_39 = tpu.memref_slice %arg10[%add3A_16, %dma_wait3A_38] : memref<10240x64xf32, #tpu.memory_space<vmem_shared>> -> memref<128x64xf32, #tpu.memory_space<vmem_shared>>
      tpu.wait_dma2 semaphore(%run_scoped3A : memref<!tpu.dma_semaphore, #tpu.memory_space<semaphore_mem>>) src(%arg9 : memref<128x64xf32, #tpu.memory_space<vmem>>) dst(%dma_wait3A_39 : memref<128x64xf32, #tpu.memory_space<vmem_shared>>)
      tpu.yield
    }) : () -> ()
    %barrier3A = arith.constant 0 : index
    tpu.barrier barrier_id(%barrier3A)
    "tpu.region"() ({
      %run_scoped3A = tpu.sem_alloc : memref<!tpu.dma_semaphore, #tpu.memory_space<semaphore_mem>>
      %dma_start3A = arith.constant 0 : i32
      %dma_start3A_34 = arith.constant 0 : i32
      %dma_start3A_35 = tpu.memref_slice %arg2[%arg0, %arg1, %dma_start3A, %dma_start3A_34] : memref<2x16x160x128xi32, #tpu.memory_space<hbm>> -> memref<1x1x80x128xi32, #tpu.memory_space<hbm>>
      %dma_start3A_36 = tpu.memref_squeeze %dma_start3A_35 : memref<1x1x80x128xi32, #tpu.memory_space<hbm>> -> memref<80x128xi32, #tpu.memory_space<hbm>>
      %dma_start3A_37 = arith.constant 0 : i32
      %dma_start3A_38 = arith.constant 0 : i32
      %dma_start3A_39 = tpu.memref_slice %arg2[%arg0, %arg1, %dma_start3A_37, %dma_start3A_38] : memref<2x16x160x128xi32, #tpu.memory_space<hbm>> -> memref<1x1x80x128xi32, #tpu.memory_space<hbm>>
      %dma_start3A_40 = tpu.memref_squeeze %dma_start3A_39 : memref<1x1x80x128xi32, #tpu.memory_space<hbm>> -> memref<80x128xi32, #tpu.memory_space<hbm>>
      tpu.enqueue_dma source(%dma_start3A_40 : memref<80x128xi32, #tpu.memory_space<hbm>>) target(%arg6 : memref<80x128xi32, #tpu.memory_space<vmem>>) target_semaphore(%run_scoped3A : memref<!tpu.dma_semaphore, #tpu.memory_space<semaphore_mem>>)
      %dma_wait3A = arith.constant 0 : i32
      %dma_wait3A_41 = arith.constant 0 : i32
      %dma_wait3A_42 = tpu.memref_slice %arg2[%arg0, %arg1, %dma_wait3A, %dma_wait3A_41] : memref<2x16x160x128xi32, #tpu.memory_space<hbm>> -> memref<1x1x80x128xi32, #tpu.memory_space<hbm>>
      %dma_wait3A_43 = tpu.memref_squeeze %dma_wait3A_42 : memref<1x1x80x128xi32, #tpu.memory_space<hbm>> -> memref<80x128xi32, #tpu.memory_space<hbm>>
      %dma_wait3A_44 = arith.constant 0 : i32
      %dma_wait3A_45 = arith.constant 0 : i32
      %dma_wait3A_46 = tpu.memref_slice %arg2[%arg0, %arg1, %dma_wait3A_44, %dma_wait3A_45] : memref<2x16x160x128xi32, #tpu.memory_space<hbm>> -> memref<1x1x80x128xi32, #tpu.memory_space<hbm>>
      %dma_wait3A_47 = tpu.memref_squeeze %dma_wait3A_46 : memref<1x1x80x128xi32, #tpu.memory_space<hbm>> -> memref<80x128xi32, #tpu.memory_space<hbm>>
      tpu.wait_dma2 semaphore(%run_scoped3A : memref<!tpu.dma_semaphore, #tpu.memory_space<semaphore_mem>>) src(%dma_wait3A_47 : memref<80x128xi32, #tpu.memory_space<hbm>>) dst(%arg6 : memref<80x128xi32, #tpu.memory_space<vmem>>)
      tpu.yield
    }) : () -> ()
    "tpu.region"() ({
      %run_scoped3A = tpu.sem_alloc : memref<!tpu.dma_semaphore, #tpu.memory_space<semaphore_mem>>
      %dma_start3A = arith.constant 0 : i32
      %dma_start3A_34 = arith.constant 0 : i32
      %dma_start3A_35 = tpu.memref_slice %arg3[%arg1, %dma_start3A, %dma_start3A_34] : memref<16x160x128xi32, #tpu.memory_space<hbm>> -> memref<1x80x128xi32, #tpu.memory_space<hbm>>
      %dma_start3A_36 = tpu.memref_squeeze %dma_start3A_35 : memref<1x80x128xi32, #tpu.memory_space<hbm>> -> memref<80x128xi32, #tpu.memory_space<hbm>>
      %dma_start3A_37 = arith.constant 0 : i32
      %dma_start3A_38 = arith.constant 0 : i32
      %dma_start3A_39 = tpu.memref_slice %arg3[%arg1, %dma_start3A_37, %dma_start3A_38] : memref<16x160x128xi32, #tpu.memory_space<hbm>> -> memref<1x80x128xi32, #tpu.memory_space<hbm>>
      %dma_start3A_40 = tpu.memref_squeeze %dma_start3A_39 : memref<1x80x128xi32, #tpu.memory_space<hbm>> -> memref<80x128xi32, #tpu.memory_space<hbm>>
      tpu.enqueue_dma source(%dma_start3A_40 : memref<80x128xi32, #tpu.memory_space<hbm>>) target(%arg7 : memref<80x128xi32, #tpu.memory_space<vmem>>) target_semaphore(%run_scoped3A : memref<!tpu.dma_semaphore, #tpu.memory_space<semaphore_mem>>)
      %dma_wait3A = arith.constant 0 : i32
      %dma_wait3A_41 = arith.constant 0 : i32
      %dma_wait3A_42 = tpu.memref_slice %arg3[%arg1, %dma_wait3A, %dma_wait3A_41] : memref<16x160x128xi32, #tpu.memory_space<hbm>> -> memref<1x80x128xi32, #tpu.memory_space<hbm>>
      %dma_wait3A_43 = tpu.memref_squeeze %dma_wait3A_42 : memref<1x80x128xi32, #tpu.memory_space<hbm>> -> memref<80x128xi32, #tpu.memory_space<hbm>>
      %dma_wait3A_44 = arith.constant 0 : i32
      %dma_wait3A_45 = arith.constant 0 : i32
      %dma_wait3A_46 = tpu.memref_slice %arg3[%arg1, %dma_wait3A_44, %dma_wait3A_45] : memref<16x160x128xi32, #tpu.memory_space<hbm>> -> memref<1x80x128xi32, #tpu.memory_space<hbm>>
      %dma_wait3A_47 = tpu.memref_squeeze %dma_wait3A_46 : memref<1x80x128xi32, #tpu.memory_space<hbm>> -> memref<80x128xi32, #tpu.memory_space<hbm>>
      tpu.wait_dma2 semaphore(%run_scoped3A : memref<!tpu.dma_semaphore, #tpu.memory_space<semaphore_mem>>) src(%dma_wait3A_47 : memref<80x128xi32, #tpu.memory_space<hbm>>) dst(%arg7 : memref<80x128xi32, #tpu.memory_space<vmem>>)
      tpu.yield
    }) : () -> ()
    %scan3A_17 = arith.constant 0 : i32
    %scan3A_18 = arith.constant 0 : i32
    %scan3A_19 = arith.constant 20 : i32
    %scan3A_20 = arith.addi %scan3A_18, %scan3A_19 : i32
    %scan3A_21 = arith.constant 1 : i32
    %scan3A_22 = scf.for %scan3A_34 = %scan3A_18 to %scan3A_20 step %scan3A_21 iter_args(%scan3A_35 = %scan3A_17) -> (i32)  : i32 {
      %mul3A_36 = arith.constant 4 : i32
      %mul3A_37 = arith.muli %scan3A_34, %mul3A_36 : i32
      %add3A_38 = arith.constant 0 : i32
      %add3A_39 = arith.addi %mul3A_37, %add3A_38 : i32
      %dma_start3A = arith.constant 0 : i32
      %dma_start3A_40 = arith.constant 0 : i32
      %dma_start3A_41 = tpu.memref_slice %arg8[%dma_start3A, %dma_start3A_40] : memref<512x64xf32, #tpu.memory_space<vmem>> -> memref<128x64xf32, #tpu.memory_space<vmem>>
      %dma_start3A_42 = arith.constant 0 : i32
      %dma_start3A_43 = tpu.memref_slice %arg6[%add3A_39, %dma_start3A_42] : memref<80x128xi32, #tpu.memory_space<vmem>> -> memref<1x128xi32, #tpu.memory_space<vmem>>
      %dma_start3A_44 = tpu.memref_squeeze %dma_start3A_43 : memref<1x128xi32, #tpu.memory_space<vmem>> -> memref<128xi32, #tpu.memory_space<vmem>>
      %dma_start3A_45 = arith.constant 0 : i32
      %dma_start3A_46 = arith.constant 0 : i32
      %dma_start3A_47 = tpu.memref_slice %arg4[%dma_start3A_45, %dma_start3A_46] : memref<20000x64xf32, #tpu.memory_space<hbm>> -> memref<20000x64xf32, #tpu.memory_space<hbm>>
      tpu.enqueue_indirect_dma source(%dma_start3A_47 : memref<20000x64xf32, #tpu.memory_space<hbm>>) target(%dma_start3A_41 : memref<128x64xf32, #tpu.memory_space<vmem>>) offsets(%dma_start3A_44 : memref<128xi32, #tpu.memory_space<vmem>>) semaphore(%arg11 : memref<!tpu.dma_semaphore, #tpu.memory_space<semaphore_mem>>)
      %mul3A_48 = arith.constant 4 : i32
      %mul3A_49 = arith.muli %scan3A_34, %mul3A_48 : i32
      %add3A_50 = arith.constant 1 : i32
      %add3A_51 = arith.addi %mul3A_49, %add3A_50 : i32
      %dma_start3A_52 = arith.constant 128 : i32
      %dma_start3A_53 = arith.constant 0 : i32
      %dma_start3A_54 = tpu.memref_slice %arg8[%dma_start3A_52, %dma_start3A_53] : memref<512x64xf32, #tpu.memory_space<vmem>> -> memref<128x64xf32, #tpu.memory_space<vmem>>
      %dma_start3A_55 = arith.constant 0 : i32
      %dma_start3A_56 = tpu.memref_slice %arg6[%add3A_51, %dma_start3A_55] : memref<80x128xi32, #tpu.memory_space<vmem>> -> memref<1x128xi32, #tpu.memory_space<vmem>>
      %dma_start3A_57 = tpu.memref_squeeze %dma_start3A_56 : memref<1x128xi32, #tpu.memory_space<vmem>> -> memref<128xi32, #tpu.memory_space<vmem>>
      %dma_start3A_58 = arith.constant 0 : i32
      %dma_start3A_59 = arith.constant 0 : i32
      %dma_start3A_60 = tpu.memref_slice %arg4[%dma_start3A_58, %dma_start3A_59] : memref<20000x64xf32, #tpu.memory_space<hbm>> -> memref<20000x64xf32, #tpu.memory_space<hbm>>
      tpu.enqueue_indirect_dma source(%dma_start3A_60 : memref<20000x64xf32, #tpu.memory_space<hbm>>) target(%dma_start3A_54 : memref<128x64xf32, #tpu.memory_space<vmem>>) offsets(%dma_start3A_57 : memref<128xi32, #tpu.memory_space<vmem>>) semaphore(%arg11 : memref<!tpu.dma_semaphore, #tpu.memory_space<semaphore_mem>>)
      %mul3A_61 = arith.constant 4 : i32
      %mul3A_62 = arith.muli %scan3A_34, %mul3A_61 : i32
      %add3A_63 = arith.constant 2 : i32
      %add3A_64 = arith.addi %mul3A_62, %add3A_63 : i32
      %dma_start3A_65 = arith.constant 256 : i32
      %dma_start3A_66 = arith.constant 0 : i32
      %dma_start3A_67 = tpu.memref_slice %arg8[%dma_start3A_65, %dma_start3A_66] : memref<512x64xf32, #tpu.memory_space<vmem>> -> memref<128x64xf32, #tpu.memory_space<vmem>>
      %dma_start3A_68 = arith.constant 0 : i32
      %dma_start3A_69 = tpu.memref_slice %arg6[%add3A_64, %dma_start3A_68] : memref<80x128xi32, #tpu.memory_space<vmem>> -> memref<1x128xi32, #tpu.memory_space<vmem>>
      %dma_start3A_70 = tpu.memref_squeeze %dma_start3A_69 : memref<1x128xi32, #tpu.memory_space<vmem>> -> memref<128xi32, #tpu.memory_space<vmem>>
      %dma_start3A_71 = arith.constant 0 : i32
      %dma_start3A_72 = arith.constant 0 : i32
      %dma_start3A_73 = tpu.memref_slice %arg4[%dma_start3A_71, %dma_start3A_72] : memref<20000x64xf32, #tpu.memory_space<hbm>> -> memref<20000x64xf32, #tpu.memory_space<hbm>>
      tpu.enqueue_indirect_dma source(%dma_start3A_73 : memref<20000x64xf32, #tpu.memory_space<hbm>>) target(%dma_start3A_67 : memref<128x64xf32, #tpu.memory_space<vmem>>) offsets(%dma_start3A_70 : memref<128xi32, #tpu.memory_space<vmem>>) semaphore(%arg11 : memref<!tpu.dma_semaphore, #tpu.memory_space<semaphore_mem>>)
      %mul3A_74 = arith.constant 4 : i32
      %mul3A_75 = arith.muli %scan3A_34, %mul3A_74 : i32
      %add3A_76 = arith.constant 3 : i32
      %add3A_77 = arith.addi %mul3A_75, %add3A_76 : i32
      %dma_start3A_78 = arith.constant 384 : i32
      %dma_start3A_79 = arith.constant 0 : i32
      %dma_start3A_80 = tpu.memref_slice %arg8[%dma_start3A_78, %dma_start3A_79] : memref<512x64xf32, #tpu.memory_space<vmem>> -> memref<128x64xf32, #tpu.memory_space<vmem>>
      %dma_start3A_81 = arith.constant 0 : i32
      %dma_start3A_82 = tpu.memref_slice %arg6[%add3A_77, %dma_start3A_81] : memref<80x128xi32, #tpu.memory_space<vmem>> -> memref<1x128xi32, #tpu.memory_space<vmem>>
      %dma_start3A_83 = tpu.memref_squeeze %dma_start3A_82 : memref<1x128xi32, #tpu.memory_space<vmem>> -> memref<128xi32, #tpu.memory_space<vmem>>
      %dma_start3A_84 = arith.constant 0 : i32
      %dma_start3A_85 = arith.constant 0 : i32
      %dma_start3A_86 = tpu.memref_slice %arg4[%dma_start3A_84, %dma_start3A_85] : memref<20000x64xf32, #tpu.memory_space<hbm>> -> memref<20000x64xf32, #tpu.memory_space<hbm>>
      tpu.enqueue_indirect_dma source(%dma_start3A_86 : memref<20000x64xf32, #tpu.memory_space<hbm>>) target(%dma_start3A_80 : memref<128x64xf32, #tpu.memory_space<vmem>>) offsets(%dma_start3A_83 : memref<128xi32, #tpu.memory_space<vmem>>) semaphore(%arg11 : memref<!tpu.dma_semaphore, #tpu.memory_space<semaphore_mem>>)
      %dma_wait3A = arith.constant 0 : i32
      %dma_wait3A_87 = arith.constant 0 : i32
      %dma_wait3A_88 = tpu.memref_slice %arg8[%dma_wait3A, %dma_wait3A_87] : memref<512x64xf32, #tpu.memory_space<vmem>> -> memref<128x64xf32, #tpu.memory_space<vmem>>
      %dma_wait3A_89 = arith.constant 0 : i32
      %dma_wait3A_90 = tpu.memref_slice %arg6[%add3A_39, %dma_wait3A_89] : memref<80x128xi32, #tpu.memory_space<vmem>> -> memref<1x128xi32, #tpu.memory_space<vmem>>
      %dma_wait3A_91 = tpu.memref_squeeze %dma_wait3A_90 : memref<1x128xi32, #tpu.memory_space<vmem>> -> memref<128xi32, #tpu.memory_space<vmem>>
      %dma_wait3A_92 = arith.constant 0 : i32
      %dma_wait3A_93 = arith.constant 0 : i32
      %dma_wait3A_94 = tpu.memref_slice %arg4[%dma_wait3A_92, %dma_wait3A_93] : memref<20000x64xf32, #tpu.memory_space<hbm>> -> memref<20000x64xf32, #tpu.memory_space<hbm>>
      tpu.wait_indirect_dma semaphore(%arg11 : memref<!tpu.dma_semaphore, #tpu.memory_space<semaphore_mem>>) src(%dma_wait3A_94 : memref<20000x64xf32, #tpu.memory_space<hbm>>) dst(%dma_wait3A_88 : memref<128x64xf32, #tpu.memory_space<vmem>>)
      %dma_wait3A_95 = arith.constant 128 : i32
      %dma_wait3A_96 = arith.constant 0 : i32
      %dma_wait3A_97 = tpu.memref_slice %arg8[%dma_wait3A_95, %dma_wait3A_96] : memref<512x64xf32, #tpu.memory_space<vmem>> -> memref<128x64xf32, #tpu.memory_space<vmem>>
      %dma_wait3A_98 = arith.constant 0 : i32
      %dma_wait3A_99 = tpu.memref_slice %arg6[%add3A_51, %dma_wait3A_98] : memref<80x128xi32, #tpu.memory_space<vmem>> -> memref<1x128xi32, #tpu.memory_space<vmem>>
      %dma_wait3A_100 = tpu.memref_squeeze %dma_wait3A_99 : memref<1x128xi32, #tpu.memory_space<vmem>> -> memref<128xi32, #tpu.memory_space<vmem>>
      %dma_wait3A_101 = arith.constant 0 : i32
      %dma_wait3A_102 = arith.constant 0 : i32
      %dma_wait3A_103 = tpu.memref_slice %arg4[%dma_wait3A_101, %dma_wait3A_102] : memref<20000x64xf32, #tpu.memory_space<hbm>> -> memref<20000x64xf32, #tpu.memory_space<hbm>>
      tpu.wait_indirect_dma semaphore(%arg11 : memref<!tpu.dma_semaphore, #tpu.memory_space<semaphore_mem>>) src(%dma_wait3A_103 : memref<20000x64xf32, #tpu.memory_space<hbm>>) dst(%dma_wait3A_97 : memref<128x64xf32, #tpu.memory_space<vmem>>)
      %dma_wait3A_104 = arith.constant 256 : i32
      %dma_wait3A_105 = arith.constant 0 : i32
      %dma_wait3A_106 = tpu.memref_slice %arg8[%dma_wait3A_104, %dma_wait3A_105] : memref<512x64xf32, #tpu.memory_space<vmem>> -> memref<128x64xf32, #tpu.memory_space<vmem>>
      %dma_wait3A_107 = arith.constant 0 : i32
      %dma_wait3A_108 = tpu.memref_slice %arg6[%add3A_64, %dma_wait3A_107] : memref<80x128xi32, #tpu.memory_space<vmem>> -> memref<1x128xi32, #tpu.memory_space<vmem>>
      %dma_wait3A_109 = tpu.memref_squeeze %dma_wait3A_108 : memref<1x128xi32, #tpu.memory_space<vmem>> -> memref<128xi32, #tpu.memory_space<vmem>>
      %dma_wait3A_110 = arith.constant 0 : i32
      %dma_wait3A_111 = arith.constant 0 : i32
      %dma_wait3A_112 = tpu.memref_slice %arg4[%dma_wait3A_110, %dma_wait3A_111] : memref<20000x64xf32, #tpu.memory_space<hbm>> -> memref<20000x64xf32, #tpu.memory_space<hbm>>
      tpu.wait_indirect_dma semaphore(%arg11 : memref<!tpu.dma_semaphore, #tpu.memory_space<semaphore_mem>>) src(%dma_wait3A_112 : memref<20000x64xf32, #tpu.memory_space<hbm>>) dst(%dma_wait3A_106 : memref<128x64xf32, #tpu.memory_space<vmem>>)
      %dma_wait3A_113 = arith.constant 384 : i32
      %dma_wait3A_114 = arith.constant 0 : i32
      %dma_wait3A_115 = tpu.memref_slice %arg8[%dma_wait3A_113, %dma_wait3A_114] : memref<512x64xf32, #tpu.memory_space<vmem>> -> memref<128x64xf32, #tpu.memory_space<vmem>>
      %dma_wait3A_116 = arith.constant 0 : i32
      %dma_wait3A_117 = tpu.memref_slice %arg6[%add3A_77, %dma_wait3A_116] : memref<80x128xi32, #tpu.memory_space<vmem>> -> memref<1x128xi32, #tpu.memory_space<vmem>>
      %dma_wait3A_118 = tpu.memref_squeeze %dma_wait3A_117 : memref<1x128xi32, #tpu.memory_space<vmem>> -> memref<128xi32, #tpu.memory_space<vmem>>
      %dma_wait3A_119 = arith.constant 0 : i32
      %dma_wait3A_120 = arith.constant 0 : i32
      %dma_wait3A_121 = tpu.memref_slice %arg4[%dma_wait3A_119, %dma_wait3A_120] : memref<20000x64xf32, #tpu.memory_space<hbm>> -> memref<20000x64xf32, #tpu.memory_space<hbm>>
      tpu.wait_indirect_dma semaphore(%arg11 : memref<!tpu.dma_semaphore, #tpu.memory_space<semaphore_mem>>) src(%dma_wait3A_121 : memref<20000x64xf32, #tpu.memory_space<hbm>>) dst(%dma_wait3A_115 : memref<128x64xf32, #tpu.memory_space<vmem>>)
      %mul3A_122 = arith.constant 4 : i32
      %mul3A_123 = arith.muli %scan3A_34, %mul3A_122 : i32
      %add3A_124 = arith.constant 0 : i32
      %add3A_125 = arith.addi %mul3A_123, %add3A_124 : i32
      "tpu.region"() ({
        %run_scoped3A = tpu.sem_alloc : memref<!tpu.dma_semaphore, #tpu.memory_space<semaphore_mem>>
        %dma_start3A_139 = arith.constant 0 : i32
        %dma_start3A_140 = arith.constant 0 : i32
        %dma_start3A_141 = tpu.memref_slice %arg8[%dma_start3A_139, %dma_start3A_140] : memref<512x64xf32, #tpu.memory_space<vmem>> -> memref<128x64xf32, #tpu.memory_space<vmem>>
        %dma_start3A_142 = arith.constant 0 : i32
        %dma_start3A_143 = tpu.memref_slice %arg7[%add3A_125, %dma_start3A_142] : memref<80x128xi32, #tpu.memory_space<vmem>> -> memref<1x128xi32, #tpu.memory_space<vmem>>
        %dma_start3A_144 = tpu.memref_squeeze %dma_start3A_143 : memref<1x128xi32, #tpu.memory_space<vmem>> -> memref<128xi32, #tpu.memory_space<vmem>>
        %dma_start3A_145 = arith.constant 0 : i32
        %dma_start3A_146 = arith.constant 0 : i32
        %dma_start3A_147 = tpu.memref_slice %arg10[%dma_start3A_145, %dma_start3A_146] : memref<10240x64xf32, #tpu.memory_space<vmem_shared>> -> memref<10240x64xf32, #tpu.memory_space<vmem_shared>>
        tpu.enqueue_indirect_dma source(%dma_start3A_141 : memref<128x64xf32, #tpu.memory_space<vmem>>) target(%dma_start3A_147 : memref<10240x64xf32, #tpu.memory_space<vmem_shared>>) offsets(%dma_start3A_144 : memref<128xi32, #tpu.memory_space<vmem>>) semaphore(%run_scoped3A : memref<!tpu.dma_semaphore, #tpu.memory_space<semaphore_mem>>) {add = true}
        %dma_wait3A_148 = arith.constant 0 : i32
        %dma_wait3A_149 = arith.constant 0 : i32
        %dma_wait3A_150 = tpu.memref_slice %arg8[%dma_wait3A_148, %dma_wait3A_149] : memref<512x64xf32, #tpu.memory_space<vmem>> -> memref<128x64xf32, #tpu.memory_space<vmem>>
        %dma_wait3A_151 = arith.constant 0 : i32
        %dma_wait3A_152 = tpu.memref_slice %arg7[%add3A_125, %dma_wait3A_151] : memref<80x128xi32, #tpu.memory_space<vmem>> -> memref<1x128xi32, #tpu.memory_space<vmem>>
        %dma_wait3A_153 = tpu.memref_squeeze %dma_wait3A_152 : memref<1x128xi32, #tpu.memory_space<vmem>> -> memref<128xi32, #tpu.memory_space<vmem>>
        %dma_wait3A_154 = arith.constant 0 : i32
        %dma_wait3A_155 = arith.constant 0 : i32
        %dma_wait3A_156 = tpu.memref_slice %arg10[%dma_wait3A_154, %dma_wait3A_155] : memref<10240x64xf32, #tpu.memory_space<vmem_shared>> -> memref<10240x64xf32, #tpu.memory_space<vmem_shared>>
        tpu.wait_indirect_dma semaphore(%run_scoped3A : memref<!tpu.dma_semaphore, #tpu.memory_space<semaphore_mem>>) src(%dma_wait3A_150 : memref<128x64xf32, #tpu.memory_space<vmem>>) dst(%dma_wait3A_156 : memref<10240x64xf32, #tpu.memory_space<vmem_shared>>)
        tpu.yield
      }) : () -> ()
      %mul3A_126 = arith.constant 4 : i32
      %mul3A_127 = arith.muli %scan3A_34, %mul3A_126 : i32
      %add3A_128 = arith.constant 1 : i32
      %add3A_129 = arith.addi %mul3A_127, %add3A_128 : i32
      "tpu.region"() ({
        %run_scoped3A = tpu.sem_alloc : memref<!tpu.dma_semaphore, #tpu.memory_space<semaphore_mem>>
        %dma_start3A_139 = arith.constant 128 : i32
        %dma_start3A_140 = arith.constant 0 : i32
        %dma_start3A_141 = tpu.memref_slice %arg8[%dma_start3A_139, %dma_start3A_140] : memref<512x64xf32, #tpu.memory_space<vmem>> -> memref<128x64xf32, #tpu.memory_space<vmem>>
        %dma_start3A_142 = arith.constant 0 : i32
        %dma_start3A_143 = tpu.memref_slice %arg7[%add3A_129, %dma_start3A_142] : memref<80x128xi32, #tpu.memory_space<vmem>> -> memref<1x128xi32, #tpu.memory_space<vmem>>
        %dma_start3A_144 = tpu.memref_squeeze %dma_start3A_143 : memref<1x128xi32, #tpu.memory_space<vmem>> -> memref<128xi32, #tpu.memory_space<vmem>>
        %dma_start3A_145 = arith.constant 0 : i32
        %dma_start3A_146 = arith.constant 0 : i32
        %dma_start3A_147 = tpu.memref_slice %arg10[%dma_start3A_145, %dma_start3A_146] : memref<10240x64xf32, #tpu.memory_space<vmem_shared>> -> memref<10240x64xf32, #tpu.memory_space<vmem_shared>>
        tpu.enqueue_indirect_dma source(%dma_start3A_141 : memref<128x64xf32, #tpu.memory_space<vmem>>) target(%dma_start3A_147 : memref<10240x64xf32, #tpu.memory_space<vmem_shared>>) offsets(%dma_start3A_144 : memref<128xi32, #tpu.memory_space<vmem>>) semaphore(%run_scoped3A : memref<!tpu.dma_semaphore, #tpu.memory_space<semaphore_mem>>) {add = true}
        %dma_wait3A_148 = arith.constant 128 : i32
        %dma_wait3A_149 = arith.constant 0 : i32
        %dma_wait3A_150 = tpu.memref_slice %arg8[%dma_wait3A_148, %dma_wait3A_149] : memref<512x64xf32, #tpu.memory_space<vmem>> -> memref<128x64xf32, #tpu.memory_space<vmem>>
        %dma_wait3A_151 = arith.constant 0 : i32
        %dma_wait3A_152 = tpu.memref_slice %arg7[%add3A_129, %dma_wait3A_151] : memref<80x128xi32, #tpu.memory_space<vmem>> -> memref<1x128xi32, #tpu.memory_space<vmem>>
        %dma_wait3A_153 = tpu.memref_squeeze %dma_wait3A_152 : memref<1x128xi32, #tpu.memory_space<vmem>> -> memref<128xi32, #tpu.memory_space<vmem>>
        %dma_wait3A_154 = arith.constant 0 : i32
        %dma_wait3A_155 = arith.constant 0 : i32
        %dma_wait3A_156 = tpu.memref_slice %arg10[%dma_wait3A_154, %dma_wait3A_155] : memref<10240x64xf32, #tpu.memory_space<vmem_shared>> -> memref<10240x64xf32, #tpu.memory_space<vmem_shared>>
        tpu.wait_indirect_dma semaphore(%run_scoped3A : memref<!tpu.dma_semaphore, #tpu.memory_space<semaphore_mem>>) src(%dma_wait3A_150 : memref<128x64xf32, #tpu.memory_space<vmem>>) dst(%dma_wait3A_156 : memref<10240x64xf32, #tpu.memory_space<vmem_shared>>)
        tpu.yield
      }) : () -> ()
      %mul3A_130 = arith.constant 4 : i32
      %mul3A_131 = arith.muli %scan3A_34, %mul3A_130 : i32
      %add3A_132 = arith.constant 2 : i32
      %add3A_133 = arith.addi %mul3A_131, %add3A_132 : i32
      "tpu.region"() ({
        %run_scoped3A = tpu.sem_alloc : memref<!tpu.dma_semaphore, #tpu.memory_space<semaphore_mem>>
        %dma_start3A_139 = arith.constant 256 : i32
        %dma_start3A_140 = arith.constant 0 : i32
        %dma_start3A_141 = tpu.memref_slice %arg8[%dma_start3A_139, %dma_start3A_140] : memref<512x64xf32, #tpu.memory_space<vmem>> -> memref<128x64xf32, #tpu.memory_space<vmem>>
        %dma_start3A_142 = arith.constant 0 : i32
        %dma_start3A_143 = tpu.memref_slice %arg7[%add3A_133, %dma_start3A_142] : memref<80x128xi32, #tpu.memory_space<vmem>> -> memref<1x128xi32, #tpu.memory_space<vmem>>
        %dma_start3A_144 = tpu.memref_squeeze %dma_start3A_143 : memref<1x128xi32, #tpu.memory_space<vmem>> -> memref<128xi32, #tpu.memory_space<vmem>>
        %dma_start3A_145 = arith.constant 0 : i32
        %dma_start3A_146 = arith.constant 0 : i32
        %dma_start3A_147 = tpu.memref_slice %arg10[%dma_start3A_145, %dma_start3A_146] : memref<10240x64xf32, #tpu.memory_space<vmem_shared>> -> memref<10240x64xf32, #tpu.memory_space<vmem_shared>>
        tpu.enqueue_indirect_dma source(%dma_start3A_141 : memref<128x64xf32, #tpu.memory_space<vmem>>) target(%dma_start3A_147 : memref<10240x64xf32, #tpu.memory_space<vmem_shared>>) offsets(%dma_start3A_144 : memref<128xi32, #tpu.memory_space<vmem>>) semaphore(%run_scoped3A : memref<!tpu.dma_semaphore, #tpu.memory_space<semaphore_mem>>) {add = true}
        %dma_wait3A_148 = arith.constant 256 : i32
        %dma_wait3A_149 = arith.constant 0 : i32
        %dma_wait3A_150 = tpu.memref_slice %arg8[%dma_wait3A_148, %dma_wait3A_149] : memref<512x64xf32, #tpu.memory_space<vmem>> -> memref<128x64xf32, #tpu.memory_space<vmem>>
        %dma_wait3A_151 = arith.constant 0 : i32
        %dma_wait3A_152 = tpu.memref_slice %arg7[%add3A_133, %dma_wait3A_151] : memref<80x128xi32, #tpu.memory_space<vmem>> -> memref<1x128xi32, #tpu.memory_space<vmem>>
        %dma_wait3A_153 = tpu.memref_squeeze %dma_wait3A_152 : memref<1x128xi32, #tpu.memory_space<vmem>> -> memref<128xi32, #tpu.memory_space<vmem>>
        %dma_wait3A_154 = arith.constant 0 : i32
        %dma_wait3A_155 = arith.constant 0 : i32
        %dma_wait3A_156 = tpu.memref_slice %arg10[%dma_wait3A_154, %dma_wait3A_155] : memref<10240x64xf32, #tpu.memory_space<vmem_shared>> -> memref<10240x64xf32, #tpu.memory_space<vmem_shared>>
        tpu.wait_indirect_dma semaphore(%run_scoped3A : memref<!tpu.dma_semaphore, #tpu.memory_space<semaphore_mem>>) src(%dma_wait3A_150 : memref<128x64xf32, #tpu.memory_space<vmem>>) dst(%dma_wait3A_156 : memref<10240x64xf32, #tpu.memory_space<vmem_shared>>)
        tpu.yield
      }) : () -> ()
      %mul3A_134 = arith.constant 4 : i32
      %mul3A_135 = arith.muli %scan3A_34, %mul3A_134 : i32
      %add3A_136 = arith.constant 3 : i32
      %add3A_137 = arith.addi %mul3A_135, %add3A_136 : i32
      "tpu.region"() ({
        %run_scoped3A = tpu.sem_alloc : memref<!tpu.dma_semaphore, #tpu.memory_space<semaphore_mem>>
        %dma_start3A_139 = arith.constant 384 : i32
        %dma_start3A_140 = arith.constant 0 : i32
        %dma_start3A_141 = tpu.memref_slice %arg8[%dma_start3A_139, %dma_start3A_140] : memref<512x64xf32, #tpu.memory_space<vmem>> -> memref<128x64xf32, #tpu.memory_space<vmem>>
        %dma_start3A_142 = arith.constant 0 : i32
        %dma_start3A_143 = tpu.memref_slice %arg7[%add3A_137, %dma_start3A_142] : memref<80x128xi32, #tpu.memory_space<vmem>> -> memref<1x128xi32, #tpu.memory_space<vmem>>
        %dma_start3A_144 = tpu.memref_squeeze %dma_start3A_143 : memref<1x128xi32, #tpu.memory_space<vmem>> -> memref<128xi32, #tpu.memory_space<vmem>>
        %dma_start3A_145 = arith.constant 0 : i32
        %dma_start3A_146 = arith.constant 0 : i32
        %dma_start3A_147 = tpu.memref_slice %arg10[%dma_start3A_145, %dma_start3A_146] : memref<10240x64xf32, #tpu.memory_space<vmem_shared>> -> memref<10240x64xf32, #tpu.memory_space<vmem_shared>>
        tpu.enqueue_indirect_dma source(%dma_start3A_141 : memref<128x64xf32, #tpu.memory_space<vmem>>) target(%dma_start3A_147 : memref<10240x64xf32, #tpu.memory_space<vmem_shared>>) offsets(%dma_start3A_144 : memref<128xi32, #tpu.memory_space<vmem>>) semaphore(%run_scoped3A : memref<!tpu.dma_semaphore, #tpu.memory_space<semaphore_mem>>) {add = true}
        %dma_wait3A_148 = arith.constant 384 : i32
        %dma_wait3A_149 = arith.constant 0 : i32
        %dma_wait3A_150 = tpu.memref_slice %arg8[%dma_wait3A_148, %dma_wait3A_149] : memref<512x64xf32, #tpu.memory_space<vmem>> -> memref<128x64xf32, #tpu.memory_space<vmem>>
        %dma_wait3A_151 = arith.constant 0 : i32
        %dma_wait3A_152 = tpu.memref_slice %arg7[%add3A_137, %dma_wait3A_151] : memref<80x128xi32, #tpu.memory_space<vmem>> -> memref<1x128xi32, #tpu.memory_space<vmem>>
        %dma_wait3A_153 = tpu.memref_squeeze %dma_wait3A_152 : memref<1x128xi32, #tpu.memory_space<vmem>> -> memref<128xi32, #tpu.memory_space<vmem>>
        %dma_wait3A_154 = arith.constant 0 : i32
        %dma_wait3A_155 = arith.constant 0 : i32
        %dma_wait3A_156 = tpu.memref_slice %arg10[%dma_wait3A_154, %dma_wait3A_155] : memref<10240x64xf32, #tpu.memory_space<vmem_shared>> -> memref<10240x64xf32, #tpu.memory_space<vmem_shared>>
        tpu.wait_indirect_dma semaphore(%run_scoped3A : memref<!tpu.dma_semaphore, #tpu.memory_space<semaphore_mem>>) src(%dma_wait3A_150 : memref<128x64xf32, #tpu.memory_space<vmem>>) dst(%dma_wait3A_156 : memref<10240x64xf32, #tpu.memory_space<vmem_shared>>)
        tpu.yield
      }) : () -> ()
      %scan3A_138 = arith.constant 0 : i32
      scf.yield %scan3A_138 : i32
    }
    %scan3A_23 = arith.constant 20 : i32
    "tpu.region"() ({
      %run_scoped3A = tpu.sem_alloc : memref<!tpu.dma_semaphore, #tpu.memory_space<semaphore_mem>>
      %dma_start3A = arith.constant 80 : i32
      %dma_start3A_34 = arith.constant 0 : i32
      %dma_start3A_35 = tpu.memref_slice %arg2[%arg0, %arg1, %dma_start3A, %dma_start3A_34] : memref<2x16x160x128xi32, #tpu.memory_space<hbm>> -> memref<1x1x80x128xi32, #tpu.memory_space<hbm>>
      %dma_start3A_36 = tpu.memref_squeeze %dma_start3A_35 : memref<1x1x80x128xi32, #tpu.memory_space<hbm>> -> memref<80x128xi32, #tpu.memory_space<hbm>>
      %dma_start3A_37 = arith.constant 80 : i32
      %dma_start3A_38 = arith.constant 0 : i32
      %dma_start3A_39 = tpu.memref_slice %arg2[%arg0, %arg1, %dma_start3A_37, %dma_start3A_38] : memref<2x16x160x128xi32, #tpu.memory_space<hbm>> -> memref<1x1x80x128xi32, #tpu.memory_space<hbm>>
      %dma_start3A_40 = tpu.memref_squeeze %dma_start3A_39 : memref<1x1x80x128xi32, #tpu.memory_space<hbm>> -> memref<80x128xi32, #tpu.memory_space<hbm>>
      tpu.enqueue_dma source(%dma_start3A_40 : memref<80x128xi32, #tpu.memory_space<hbm>>) target(%arg6 : memref<80x128xi32, #tpu.memory_space<vmem>>) target_semaphore(%run_scoped3A : memref<!tpu.dma_semaphore, #tpu.memory_space<semaphore_mem>>)
      %dma_wait3A = arith.constant 80 : i32
      %dma_wait3A_41 = arith.constant 0 : i32
      %dma_wait3A_42 = tpu.memref_slice %arg2[%arg0, %arg1, %dma_wait3A, %dma_wait3A_41] : memref<2x16x160x128xi32, #tpu.memory_space<hbm>> -> memref<1x1x80x128xi32, #tpu.memory_space<hbm>>
      %dma_wait3A_43 = tpu.memref_squeeze %dma_wait3A_42 : memref<1x1x80x128xi32, #tpu.memory_space<hbm>> -> memref<80x128xi32, #tpu.memory_space<hbm>>
      %dma_wait3A_44 = arith.constant 80 : i32
      %dma_wait3A_45 = arith.constant 0 : i32
      %dma_wait3A_46 = tpu.memref_slice %arg2[%arg0, %arg1, %dma_wait3A_44, %dma_wait3A_45] : memref<2x16x160x128xi32, #tpu.memory_space<hbm>> -> memref<1x1x80x128xi32, #tpu.memory_space<hbm>>
      %dma_wait3A_47 = tpu.memref_squeeze %dma_wait3A_46 : memref<1x1x80x128xi32, #tpu.memory_space<hbm>> -> memref<80x128xi32, #tpu.memory_space<hbm>>
      tpu.wait_dma2 semaphore(%run_scoped3A : memref<!tpu.dma_semaphore, #tpu.memory_space<semaphore_mem>>) src(%dma_wait3A_47 : memref<80x128xi32, #tpu.memory_space<hbm>>) dst(%arg6 : memref<80x128xi32, #tpu.memory_space<vmem>>)
      tpu.yield
    }) : () -> ()
    "tpu.region"() ({
      %run_scoped3A = tpu.sem_alloc : memref<!tpu.dma_semaphore, #tpu.memory_space<semaphore_mem>>
      %dma_start3A = arith.constant 80 : i32
      %dma_start3A_34 = arith.constant 0 : i32
      %dma_start3A_35 = tpu.memref_slice %arg3[%arg1, %dma_start3A, %dma_start3A_34] : memref<16x160x128xi32, #tpu.memory_space<hbm>> -> memref<1x80x128xi32, #tpu.memory_space<hbm>>
      %dma_start3A_36 = tpu.memref_squeeze %dma_start3A_35 : memref<1x80x128xi32, #tpu.memory_space<hbm>> -> memref<80x128xi32, #tpu.memory_space<hbm>>
      %dma_start3A_37 = arith.constant 80 : i32
      %dma_start3A_38 = arith.constant 0 : i32
      %dma_start3A_39 = tpu.memref_slice %arg3[%arg1, %dma_start3A_37, %dma_start3A_38] : memref<16x160x128xi32, #tpu.memory_space<hbm>> -> memref<1x80x128xi32, #tpu.memory_space<hbm>>
      %dma_start3A_40 = tpu.memref_squeeze %dma_start3A_39 : memref<1x80x128xi32, #tpu.memory_space<hbm>> -> memref<80x128xi32, #tpu.memory_space<hbm>>
      tpu.enqueue_dma source(%dma_start3A_40 : memref<80x128xi32, #tpu.memory_space<hbm>>) target(%arg7 : memref<80x128xi32, #tpu.memory_space<vmem>>) target_semaphore(%run_scoped3A : memref<!tpu.dma_semaphore, #tpu.memory_space<semaphore_mem>>)
      %dma_wait3A = arith.constant 80 : i32
      %dma_wait3A_41 = arith.constant 0 : i32
      %dma_wait3A_42 = tpu.memref_slice %arg3[%arg1, %dma_wait3A, %dma_wait3A_41] : memref<16x160x128xi32, #tpu.memory_space<hbm>> -> memref<1x80x128xi32, #tpu.memory_space<hbm>>
      %dma_wait3A_43 = tpu.memref_squeeze %dma_wait3A_42 : memref<1x80x128xi32, #tpu.memory_space<hbm>> -> memref<80x128xi32, #tpu.memory_space<hbm>>
      %dma_wait3A_44 = arith.constant 80 : i32
      %dma_wait3A_45 = arith.constant 0 : i32
      %dma_wait3A_46 = tpu.memref_slice %arg3[%arg1, %dma_wait3A_44, %dma_wait3A_45] : memref<16x160x128xi32, #tpu.memory_space<hbm>> -> memref<1x80x128xi32, #tpu.memory_space<hbm>>
      %dma_wait3A_47 = tpu.memref_squeeze %dma_wait3A_46 : memref<1x80x128xi32, #tpu.memory_space<hbm>> -> memref<80x128xi32, #tpu.memory_space<hbm>>
      tpu.wait_dma2 semaphore(%run_scoped3A : memref<!tpu.dma_semaphore, #tpu.memory_space<semaphore_mem>>) src(%dma_wait3A_47 : memref<80x128xi32, #tpu.memory_space<hbm>>) dst(%arg7 : memref<80x128xi32, #tpu.memory_space<vmem>>)
      tpu.yield
    }) : () -> ()
    %scan3A_24 = arith.constant 0 : i32
    %scan3A_25 = arith.constant 0 : i32
    %scan3A_26 = arith.constant 20 : i32
    %scan3A_27 = arith.addi %scan3A_25, %scan3A_26 : i32
    %scan3A_28 = arith.constant 1 : i32
    %scan3A_29 = scf.for %scan3A_34 = %scan3A_25 to %scan3A_27 step %scan3A_28 iter_args(%scan3A_35 = %scan3A_24) -> (i32)  : i32 {
      %mul3A_36 = arith.constant 4 : i32
      %mul3A_37 = arith.muli %scan3A_34, %mul3A_36 : i32
      %add3A_38 = arith.constant 0 : i32
      %add3A_39 = arith.addi %mul3A_37, %add3A_38 : i32
      %dma_start3A = arith.constant 0 : i32
      %dma_start3A_40 = arith.constant 0 : i32
      %dma_start3A_41 = tpu.memref_slice %arg8[%dma_start3A, %dma_start3A_40] : memref<512x64xf32, #tpu.memory_space<vmem>> -> memref<128x64xf32, #tpu.memory_space<vmem>>
      %dma_start3A_42 = arith.constant 0 : i32
      %dma_start3A_43 = tpu.memref_slice %arg6[%add3A_39, %dma_start3A_42] : memref<80x128xi32, #tpu.memory_space<vmem>> -> memref<1x128xi32, #tpu.memory_space<vmem>>
      %dma_start3A_44 = tpu.memref_squeeze %dma_start3A_43 : memref<1x128xi32, #tpu.memory_space<vmem>> -> memref<128xi32, #tpu.memory_space<vmem>>
      %dma_start3A_45 = arith.constant 0 : i32
      %dma_start3A_46 = arith.constant 0 : i32
      %dma_start3A_47 = tpu.memref_slice %arg4[%dma_start3A_45, %dma_start3A_46] : memref<20000x64xf32, #tpu.memory_space<hbm>> -> memref<20000x64xf32, #tpu.memory_space<hbm>>
      tpu.enqueue_indirect_dma source(%dma_start3A_47 : memref<20000x64xf32, #tpu.memory_space<hbm>>) target(%dma_start3A_41 : memref<128x64xf32, #tpu.memory_space<vmem>>) offsets(%dma_start3A_44 : memref<128xi32, #tpu.memory_space<vmem>>) semaphore(%arg11 : memref<!tpu.dma_semaphore, #tpu.memory_space<semaphore_mem>>)
      %mul3A_48 = arith.constant 4 : i32
      %mul3A_49 = arith.muli %scan3A_34, %mul3A_48 : i32
      %add3A_50 = arith.constant 1 : i32
      %add3A_51 = arith.addi %mul3A_49, %add3A_50 : i32
      %dma_start3A_52 = arith.constant 128 : i32
      %dma_start3A_53 = arith.constant 0 : i32
      %dma_start3A_54 = tpu.memref_slice %arg8[%dma_start3A_52, %dma_start3A_53] : memref<512x64xf32, #tpu.memory_space<vmem>> -> memref<128x64xf32, #tpu.memory_space<vmem>>
      %dma_start3A_55 = arith.constant 0 : i32
      %dma_start3A_56 = tpu.memref_slice %arg6[%add3A_51, %dma_start3A_55] : memref<80x128xi32, #tpu.memory_space<vmem>> -> memref<1x128xi32, #tpu.memory_space<vmem>>
      %dma_start3A_57 = tpu.memref_squeeze %dma_start3A_56 : memref<1x128xi32, #tpu.memory_space<vmem>> -> memref<128xi32, #tpu.memory_space<vmem>>
      %dma_start3A_58 = arith.constant 0 : i32
      %dma_start3A_59 = arith.constant 0 : i32
      %dma_start3A_60 = tpu.memref_slice %arg4[%dma_start3A_58, %dma_start3A_59] : memref<20000x64xf32, #tpu.memory_space<hbm>> -> memref<20000x64xf32, #tpu.memory_space<hbm>>
      tpu.enqueue_indirect_dma source(%dma_start3A_60 : memref<20000x64xf32, #tpu.memory_space<hbm>>) target(%dma_start3A_54 : memref<128x64xf32, #tpu.memory_space<vmem>>) offsets(%dma_start3A_57 : memref<128xi32, #tpu.memory_space<vmem>>) semaphore(%arg11 : memref<!tpu.dma_semaphore, #tpu.memory_space<semaphore_mem>>)
      %mul3A_61 = arith.constant 4 : i32
      %mul3A_62 = arith.muli %scan3A_34, %mul3A_61 : i32
      %add3A_63 = arith.constant 2 : i32
      %add3A_64 = arith.addi %mul3A_62, %add3A_63 : i32
      %dma_start3A_65 = arith.constant 256 : i32
      %dma_start3A_66 = arith.constant 0 : i32
      %dma_start3A_67 = tpu.memref_slice %arg8[%dma_start3A_65, %dma_start3A_66] : memref<512x64xf32, #tpu.memory_space<vmem>> -> memref<128x64xf32, #tpu.memory_space<vmem>>
      %dma_start3A_68 = arith.constant 0 : i32
      %dma_start3A_69 = tpu.memref_slice %arg6[%add3A_64, %dma_start3A_68] : memref<80x128xi32, #tpu.memory_space<vmem>> -> memref<1x128xi32, #tpu.memory_space<vmem>>
      %dma_start3A_70 = tpu.memref_squeeze %dma_start3A_69 : memref<1x128xi32, #tpu.memory_space<vmem>> -> memref<128xi32, #tpu.memory_space<vmem>>
      %dma_start3A_71 = arith.constant 0 : i32
      %dma_start3A_72 = arith.constant 0 : i32
      %dma_start3A_73 = tpu.memref_slice %arg4[%dma_start3A_71, %dma_start3A_72] : memref<20000x64xf32, #tpu.memory_space<hbm>> -> memref<20000x64xf32, #tpu.memory_space<hbm>>
      tpu.enqueue_indirect_dma source(%dma_start3A_73 : memref<20000x64xf32, #tpu.memory_space<hbm>>) target(%dma_start3A_67 : memref<128x64xf32, #tpu.memory_space<vmem>>) offsets(%dma_start3A_70 : memref<128xi32, #tpu.memory_space<vmem>>) semaphore(%arg11 : memref<!tpu.dma_semaphore, #tpu.memory_space<semaphore_mem>>)
      %mul3A_74 = arith.constant 4 : i32
      %mul3A_75 = arith.muli %scan3A_34, %mul3A_74 : i32
      %add3A_76 = arith.constant 3 : i32
      %add3A_77 = arith.addi %mul3A_75, %add3A_76 : i32
      %dma_start3A_78 = arith.constant 384 : i32
      %dma_start3A_79 = arith.constant 0 : i32
      %dma_start3A_80 = tpu.memref_slice %arg8[%dma_start3A_78, %dma_start3A_79] : memref<512x64xf32, #tpu.memory_space<vmem>> -> memref<128x64xf32, #tpu.memory_space<vmem>>
      %dma_start3A_81 = arith.constant 0 : i32
      %dma_start3A_82 = tpu.memref_slice %arg6[%add3A_77, %dma_start3A_81] : memref<80x128xi32, #tpu.memory_space<vmem>> -> memref<1x128xi32, #tpu.memory_space<vmem>>
      %dma_start3A_83 = tpu.memref_squeeze %dma_start3A_82 : memref<1x128xi32, #tpu.memory_space<vmem>> -> memref<128xi32, #tpu.memory_space<vmem>>
      %dma_start3A_84 = arith.constant 0 : i32
      %dma_start3A_85 = arith.constant 0 : i32
      %dma_start3A_86 = tpu.memref_slice %arg4[%dma_start3A_84, %dma_start3A_85] : memref<20000x64xf32, #tpu.memory_space<hbm>> -> memref<20000x64xf32, #tpu.memory_space<hbm>>
      tpu.enqueue_indirect_dma source(%dma_start3A_86 : memref<20000x64xf32, #tpu.memory_space<hbm>>) target(%dma_start3A_80 : memref<128x64xf32, #tpu.memory_space<vmem>>) offsets(%dma_start3A_83 : memref<128xi32, #tpu.memory_space<vmem>>) semaphore(%arg11 : memref<!tpu.dma_semaphore, #tpu.memory_space<semaphore_mem>>)
      %dma_wait3A = arith.constant 0 : i32
      %dma_wait3A_87 = arith.constant 0 : i32
      %dma_wait3A_88 = tpu.memref_slice %arg8[%dma_wait3A, %dma_wait3A_87] : memref<512x64xf32, #tpu.memory_space<vmem>> -> memref<128x64xf32, #tpu.memory_space<vmem>>
      %dma_wait3A_89 = arith.constant 0 : i32
      %dma_wait3A_90 = tpu.memref_slice %arg6[%add3A_39, %dma_wait3A_89] : memref<80x128xi32, #tpu.memory_space<vmem>> -> memref<1x128xi32, #tpu.memory_space<vmem>>
      %dma_wait3A_91 = tpu.memref_squeeze %dma_wait3A_90 : memref<1x128xi32, #tpu.memory_space<vmem>> -> memref<128xi32, #tpu.memory_space<vmem>>
      %dma_wait3A_92 = arith.constant 0 : i32
      %dma_wait3A_93 = arith.constant 0 : i32
      %dma_wait3A_94 = tpu.memref_slice %arg4[%dma_wait3A_92, %dma_wait3A_93] : memref<20000x64xf32, #tpu.memory_space<hbm>> -> memref<20000x64xf32, #tpu.memory_space<hbm>>
      tpu.wait_indirect_dma semaphore(%arg11 : memref<!tpu.dma_semaphore, #tpu.memory_space<semaphore_mem>>) src(%dma_wait3A_94 : memref<20000x64xf32, #tpu.memory_space<hbm>>) dst(%dma_wait3A_88 : memref<128x64xf32, #tpu.memory_space<vmem>>)
      %dma_wait3A_95 = arith.constant 128 : i32
      %dma_wait3A_96 = arith.constant 0 : i32
      %dma_wait3A_97 = tpu.memref_slice %arg8[%dma_wait3A_95, %dma_wait3A_96] : memref<512x64xf32, #tpu.memory_space<vmem>> -> memref<128x64xf32, #tpu.memory_space<vmem>>
      %dma_wait3A_98 = arith.constant 0 : i32
      %dma_wait3A_99 = tpu.memref_slice %arg6[%add3A_51, %dma_wait3A_98] : memref<80x128xi32, #tpu.memory_space<vmem>> -> memref<1x128xi32, #tpu.memory_space<vmem>>
      %dma_wait3A_100 = tpu.memref_squeeze %dma_wait3A_99 : memref<1x128xi32, #tpu.memory_space<vmem>> -> memref<128xi32, #tpu.memory_space<vmem>>
      %dma_wait3A_101 = arith.constant 0 : i32
      %dma_wait3A_102 = arith.constant 0 : i32
      %dma_wait3A_103 = tpu.memref_slice %arg4[%dma_wait3A_101, %dma_wait3A_102] : memref<20000x64xf32, #tpu.memory_space<hbm>> -> memref<20000x64xf32, #tpu.memory_space<hbm>>
      tpu.wait_indirect_dma semaphore(%arg11 : memref<!tpu.dma_semaphore, #tpu.memory_space<semaphore_mem>>) src(%dma_wait3A_103 : memref<20000x64xf32, #tpu.memory_space<hbm>>) dst(%dma_wait3A_97 : memref<128x64xf32, #tpu.memory_space<vmem>>)
      %dma_wait3A_104 = arith.constant 256 : i32
      %dma_wait3A_105 = arith.constant 0 : i32
      %dma_wait3A_106 = tpu.memref_slice %arg8[%dma_wait3A_104, %dma_wait3A_105] : memref<512x64xf32, #tpu.memory_space<vmem>> -> memref<128x64xf32, #tpu.memory_space<vmem>>
      %dma_wait3A_107 = arith.constant 0 : i32
      %dma_wait3A_108 = tpu.memref_slice %arg6[%add3A_64, %dma_wait3A_107] : memref<80x128xi32, #tpu.memory_space<vmem>> -> memref<1x128xi32, #tpu.memory_space<vmem>>
      %dma_wait3A_109 = tpu.memref_squeeze %dma_wait3A_108 : memref<1x128xi32, #tpu.memory_space<vmem>> -> memref<128xi32, #tpu.memory_space<vmem>>
      %dma_wait3A_110 = arith.constant 0 : i32
      %dma_wait3A_111 = arith.constant 0 : i32
      %dma_wait3A_112 = tpu.memref_slice %arg4[%dma_wait3A_110, %dma_wait3A_111] : memref<20000x64xf32, #tpu.memory_space<hbm>> -> memref<20000x64xf32, #tpu.memory_space<hbm>>
      tpu.wait_indirect_dma semaphore(%arg11 : memref<!tpu.dma_semaphore, #tpu.memory_space<semaphore_mem>>) src(%dma_wait3A_112 : memref<20000x64xf32, #tpu.memory_space<hbm>>) dst(%dma_wait3A_106 : memref<128x64xf32, #tpu.memory_space<vmem>>)
      %dma_wait3A_113 = arith.constant 384 : i32
      %dma_wait3A_114 = arith.constant 0 : i32
      %dma_wait3A_115 = tpu.memref_slice %arg8[%dma_wait3A_113, %dma_wait3A_114] : memref<512x64xf32, #tpu.memory_space<vmem>> -> memref<128x64xf32, #tpu.memory_space<vmem>>
      %dma_wait3A_116 = arith.constant 0 : i32
      %dma_wait3A_117 = tpu.memref_slice %arg6[%add3A_77, %dma_wait3A_116] : memref<80x128xi32, #tpu.memory_space<vmem>> -> memref<1x128xi32, #tpu.memory_space<vmem>>
      %dma_wait3A_118 = tpu.memref_squeeze %dma_wait3A_117 : memref<1x128xi32, #tpu.memory_space<vmem>> -> memref<128xi32, #tpu.memory_space<vmem>>
      %dma_wait3A_119 = arith.constant 0 : i32
      %dma_wait3A_120 = arith.constant 0 : i32
      %dma_wait3A_121 = tpu.memref_slice %arg4[%dma_wait3A_119, %dma_wait3A_120] : memref<20000x64xf32, #tpu.memory_space<hbm>> -> memref<20000x64xf32, #tpu.memory_space<hbm>>
      tpu.wait_indirect_dma semaphore(%arg11 : memref<!tpu.dma_semaphore, #tpu.memory_space<semaphore_mem>>) src(%dma_wait3A_121 : memref<20000x64xf32, #tpu.memory_space<hbm>>) dst(%dma_wait3A_115 : memref<128x64xf32, #tpu.memory_space<vmem>>)
      %mul3A_122 = arith.constant 4 : i32
      %mul3A_123 = arith.muli %scan3A_34, %mul3A_122 : i32
      %add3A_124 = arith.constant 0 : i32
      %add3A_125 = arith.addi %mul3A_123, %add3A_124 : i32
      "tpu.region"() ({
        %run_scoped3A = tpu.sem_alloc : memref<!tpu.dma_semaphore, #tpu.memory_space<semaphore_mem>>
        %dma_start3A_139 = arith.constant 0 : i32
        %dma_start3A_140 = arith.constant 0 : i32
        %dma_start3A_141 = tpu.memref_slice %arg8[%dma_start3A_139, %dma_start3A_140] : memref<512x64xf32, #tpu.memory_space<vmem>> -> memref<128x64xf32, #tpu.memory_space<vmem>>
        %dma_start3A_142 = arith.constant 0 : i32
        %dma_start3A_143 = tpu.memref_slice %arg7[%add3A_125, %dma_start3A_142] : memref<80x128xi32, #tpu.memory_space<vmem>> -> memref<1x128xi32, #tpu.memory_space<vmem>>
        %dma_start3A_144 = tpu.memref_squeeze %dma_start3A_143 : memref<1x128xi32, #tpu.memory_space<vmem>> -> memref<128xi32, #tpu.memory_space<vmem>>
        %dma_start3A_145 = arith.constant 0 : i32
        %dma_start3A_146 = arith.constant 0 : i32
        %dma_start3A_147 = tpu.memref_slice %arg10[%dma_start3A_145, %dma_start3A_146] : memref<10240x64xf32, #tpu.memory_space<vmem_shared>> -> memref<10240x64xf32, #tpu.memory_space<vmem_shared>>
        tpu.enqueue_indirect_dma source(%dma_start3A_141 : memref<128x64xf32, #tpu.memory_space<vmem>>) target(%dma_start3A_147 : memref<10240x64xf32, #tpu.memory_space<vmem_shared>>) offsets(%dma_start3A_144 : memref<128xi32, #tpu.memory_space<vmem>>) semaphore(%run_scoped3A : memref<!tpu.dma_semaphore, #tpu.memory_space<semaphore_mem>>) {add = true}
        %dma_wait3A_148 = arith.constant 0 : i32
        %dma_wait3A_149 = arith.constant 0 : i32
        %dma_wait3A_150 = tpu.memref_slice %arg8[%dma_wait3A_148, %dma_wait3A_149] : memref<512x64xf32, #tpu.memory_space<vmem>> -> memref<128x64xf32, #tpu.memory_space<vmem>>
        %dma_wait3A_151 = arith.constant 0 : i32
        %dma_wait3A_152 = tpu.memref_slice %arg7[%add3A_125, %dma_wait3A_151] : memref<80x128xi32, #tpu.memory_space<vmem>> -> memref<1x128xi32, #tpu.memory_space<vmem>>
        %dma_wait3A_153 = tpu.memref_squeeze %dma_wait3A_152 : memref<1x128xi32, #tpu.memory_space<vmem>> -> memref<128xi32, #tpu.memory_space<vmem>>
        %dma_wait3A_154 = arith.constant 0 : i32
        %dma_wait3A_155 = arith.constant 0 : i32
        %dma_wait3A_156 = tpu.memref_slice %arg10[%dma_wait3A_154, %dma_wait3A_155] : memref<10240x64xf32, #tpu.memory_space<vmem_shared>> -> memref<10240x64xf32, #tpu.memory_space<vmem_shared>>
        tpu.wait_indirect_dma semaphore(%run_scoped3A : memref<!tpu.dma_semaphore, #tpu.memory_space<semaphore_mem>>) src(%dma_wait3A_150 : memref<128x64xf32, #tpu.memory_space<vmem>>) dst(%dma_wait3A_156 : memref<10240x64xf32, #tpu.memory_space<vmem_shared>>)
        tpu.yield
      }) : () -> ()
      %mul3A_126 = arith.constant 4 : i32
      %mul3A_127 = arith.muli %scan3A_34, %mul3A_126 : i32
      %add3A_128 = arith.constant 1 : i32
      %add3A_129 = arith.addi %mul3A_127, %add3A_128 : i32
      "tpu.region"() ({
        %run_scoped3A = tpu.sem_alloc : memref<!tpu.dma_semaphore, #tpu.memory_space<semaphore_mem>>
        %dma_start3A_139 = arith.constant 128 : i32
        %dma_start3A_140 = arith.constant 0 : i32
        %dma_start3A_141 = tpu.memref_slice %arg8[%dma_start3A_139, %dma_start3A_140] : memref<512x64xf32, #tpu.memory_space<vmem>> -> memref<128x64xf32, #tpu.memory_space<vmem>>
        %dma_start3A_142 = arith.constant 0 : i32
        %dma_start3A_143 = tpu.memref_slice %arg7[%add3A_129, %dma_start3A_142] : memref<80x128xi32, #tpu.memory_space<vmem>> -> memref<1x128xi32, #tpu.memory_space<vmem>>
        %dma_start3A_144 = tpu.memref_squeeze %dma_start3A_143 : memref<1x128xi32, #tpu.memory_space<vmem>> -> memref<128xi32, #tpu.memory_space<vmem>>
        %dma_start3A_145 = arith.constant 0 : i32
        %dma_start3A_146 = arith.constant 0 : i32
        %dma_start3A_147 = tpu.memref_slice %arg10[%dma_start3A_145, %dma_start3A_146] : memref<10240x64xf32, #tpu.memory_space<vmem_shared>> -> memref<10240x64xf32, #tpu.memory_space<vmem_shared>>
        tpu.enqueue_indirect_dma source(%dma_start3A_141 : memref<128x64xf32, #tpu.memory_space<vmem>>) target(%dma_start3A_147 : memref<10240x64xf32, #tpu.memory_space<vmem_shared>>) offsets(%dma_start3A_144 : memref<128xi32, #tpu.memory_space<vmem>>) semaphore(%run_scoped3A : memref<!tpu.dma_semaphore, #tpu.memory_space<semaphore_mem>>) {add = true}
        %dma_wait3A_148 = arith.constant 128 : i32
        %dma_wait3A_149 = arith.constant 0 : i32
        %dma_wait3A_150 = tpu.memref_slice %arg8[%dma_wait3A_148, %dma_wait3A_149] : memref<512x64xf32, #tpu.memory_space<vmem>> -> memref<128x64xf32, #tpu.memory_space<vmem>>
        %dma_wait3A_151 = arith.constant 0 : i32
        %dma_wait3A_152 = tpu.memref_slice %arg7[%add3A_129, %dma_wait3A_151] : memref<80x128xi32, #tpu.memory_space<vmem>> -> memref<1x128xi32, #tpu.memory_space<vmem>>
        %dma_wait3A_153 = tpu.memref_squeeze %dma_wait3A_152 : memref<1x128xi32, #tpu.memory_space<vmem>> -> memref<128xi32, #tpu.memory_space<vmem>>
        %dma_wait3A_154 = arith.constant 0 : i32
        %dma_wait3A_155 = arith.constant 0 : i32
        %dma_wait3A_156 = tpu.memref_slice %arg10[%dma_wait3A_154, %dma_wait3A_155] : memref<10240x64xf32, #tpu.memory_space<vmem_shared>> -> memref<10240x64xf32, #tpu.memory_space<vmem_shared>>
        tpu.wait_indirect_dma semaphore(%run_scoped3A : memref<!tpu.dma_semaphore, #tpu.memory_space<semaphore_mem>>) src(%dma_wait3A_150 : memref<128x64xf32, #tpu.memory_space<vmem>>) dst(%dma_wait3A_156 : memref<10240x64xf32, #tpu.memory_space<vmem_shared>>)
        tpu.yield
      }) : () -> ()
      %mul3A_130 = arith.constant 4 : i32
      %mul3A_131 = arith.muli %scan3A_34, %mul3A_130 : i32
      %add3A_132 = arith.constant 2 : i32
      %add3A_133 = arith.addi %mul3A_131, %add3A_132 : i32
      "tpu.region"() ({
        %run_scoped3A = tpu.sem_alloc : memref<!tpu.dma_semaphore, #tpu.memory_space<semaphore_mem>>
        %dma_start3A_139 = arith.constant 256 : i32
        %dma_start3A_140 = arith.constant 0 : i32
        %dma_start3A_141 = tpu.memref_slice %arg8[%dma_start3A_139, %dma_start3A_140] : memref<512x64xf32, #tpu.memory_space<vmem>> -> memref<128x64xf32, #tpu.memory_space<vmem>>
        %dma_start3A_142 = arith.constant 0 : i32
        %dma_start3A_143 = tpu.memref_slice %arg7[%add3A_133, %dma_start3A_142] : memref<80x128xi32, #tpu.memory_space<vmem>> -> memref<1x128xi32, #tpu.memory_space<vmem>>
        %dma_start3A_144 = tpu.memref_squeeze %dma_start3A_143 : memref<1x128xi32, #tpu.memory_space<vmem>> -> memref<128xi32, #tpu.memory_space<vmem>>
        %dma_start3A_145 = arith.constant 0 : i32
        %dma_start3A_146 = arith.constant 0 : i32
        %dma_start3A_147 = tpu.memref_slice %arg10[%dma_start3A_145, %dma_start3A_146] : memref<10240x64xf32, #tpu.memory_space<vmem_shared>> -> memref<10240x64xf32, #tpu.memory_space<vmem_shared>>
        tpu.enqueue_indirect_dma source(%dma_start3A_141 : memref<128x64xf32, #tpu.memory_space<vmem>>) target(%dma_start3A_147 : memref<10240x64xf32, #tpu.memory_space<vmem_shared>>) offsets(%dma_start3A_144 : memref<128xi32, #tpu.memory_space<vmem>>) semaphore(%run_scoped3A : memref<!tpu.dma_semaphore, #tpu.memory_space<semaphore_mem>>) {add = true}
        %dma_wait3A_148 = arith.constant 256 : i32
        %dma_wait3A_149 = arith.constant 0 : i32
        %dma_wait3A_150 = tpu.memref_slice %arg8[%dma_wait3A_148, %dma_wait3A_149] : memref<512x64xf32, #tpu.memory_space<vmem>> -> memref<128x64xf32, #tpu.memory_space<vmem>>
        %dma_wait3A_151 = arith.constant 0 : i32
        %dma_wait3A_152 = tpu.memref_slice %arg7[%add3A_133, %dma_wait3A_151] : memref<80x128xi32, #tpu.memory_space<vmem>> -> memref<1x128xi32, #tpu.memory_space<vmem>>
        %dma_wait3A_153 = tpu.memref_squeeze %dma_wait3A_152 : memref<1x128xi32, #tpu.memory_space<vmem>> -> memref<128xi32, #tpu.memory_space<vmem>>
        %dma_wait3A_154 = arith.constant 0 : i32
        %dma_wait3A_155 = arith.constant 0 : i32
        %dma_wait3A_156 = tpu.memref_slice %arg10[%dma_wait3A_154, %dma_wait3A_155] : memref<10240x64xf32, #tpu.memory_space<vmem_shared>> -> memref<10240x64xf32, #tpu.memory_space<vmem_shared>>
        tpu.wait_indirect_dma semaphore(%run_scoped3A : memref<!tpu.dma_semaphore, #tpu.memory_space<semaphore_mem>>) src(%dma_wait3A_150 : memref<128x64xf32, #tpu.memory_space<vmem>>) dst(%dma_wait3A_156 : memref<10240x64xf32, #tpu.memory_space<vmem_shared>>)
        tpu.yield
      }) : () -> ()
      %mul3A_134 = arith.constant 4 : i32
      %mul3A_135 = arith.muli %scan3A_34, %mul3A_134 : i32
      %add3A_136 = arith.constant 3 : i32
      %add3A_137 = arith.addi %mul3A_135, %add3A_136 : i32
      "tpu.region"() ({
        %run_scoped3A = tpu.sem_alloc : memref<!tpu.dma_semaphore, #tpu.memory_space<semaphore_mem>>
        %dma_start3A_139 = arith.constant 384 : i32
        %dma_start3A_140 = arith.constant 0 : i32
        %dma_start3A_141 = tpu.memref_slice %arg8[%dma_start3A_139, %dma_start3A_140] : memref<512x64xf32, #tpu.memory_space<vmem>> -> memref<128x64xf32, #tpu.memory_space<vmem>>
        %dma_start3A_142 = arith.constant 0 : i32
        %dma_start3A_143 = tpu.memref_slice %arg7[%add3A_137, %dma_start3A_142] : memref<80x128xi32, #tpu.memory_space<vmem>> -> memref<1x128xi32, #tpu.memory_space<vmem>>
        %dma_start3A_144 = tpu.memref_squeeze %dma_start3A_143 : memref<1x128xi32, #tpu.memory_space<vmem>> -> memref<128xi32, #tpu.memory_space<vmem>>
        %dma_start3A_145 = arith.constant 0 : i32
        %dma_start3A_146 = arith.constant 0 : i32
        %dma_start3A_147 = tpu.memref_slice %arg10[%dma_start3A_145, %dma_start3A_146] : memref<10240x64xf32, #tpu.memory_space<vmem_shared>> -> memref<10240x64xf32, #tpu.memory_space<vmem_shared>>
        tpu.enqueue_indirect_dma source(%dma_start3A_141 : memref<128x64xf32, #tpu.memory_space<vmem>>) target(%dma_start3A_147 : memref<10240x64xf32, #tpu.memory_space<vmem_shared>>) offsets(%dma_start3A_144 : memref<128xi32, #tpu.memory_space<vmem>>) semaphore(%run_scoped3A : memref<!tpu.dma_semaphore, #tpu.memory_space<semaphore_mem>>) {add = true}
        %dma_wait3A_148 = arith.constant 384 : i32
        %dma_wait3A_149 = arith.constant 0 : i32
        %dma_wait3A_150 = tpu.memref_slice %arg8[%dma_wait3A_148, %dma_wait3A_149] : memref<512x64xf32, #tpu.memory_space<vmem>> -> memref<128x64xf32, #tpu.memory_space<vmem>>
        %dma_wait3A_151 = arith.constant 0 : i32
        %dma_wait3A_152 = tpu.memref_slice %arg7[%add3A_137, %dma_wait3A_151] : memref<80x128xi32, #tpu.memory_space<vmem>> -> memref<1x128xi32, #tpu.memory_space<vmem>>
        %dma_wait3A_153 = tpu.memref_squeeze %dma_wait3A_152 : memref<1x128xi32, #tpu.memory_space<vmem>> -> memref<128xi32, #tpu.memory_space<vmem>>
        %dma_wait3A_154 = arith.constant 0 : i32
        %dma_wait3A_155 = arith.constant 0 : i32
        %dma_wait3A_156 = tpu.memref_slice %arg10[%dma_wait3A_154, %dma_wait3A_155] : memref<10240x64xf32, #tpu.memory_space<vmem_shared>> -> memref<10240x64xf32, #tpu.memory_space<vmem_shared>>
        tpu.wait_indirect_dma semaphore(%run_scoped3A : memref<!tpu.dma_semaphore, #tpu.memory_space<semaphore_mem>>) src(%dma_wait3A_150 : memref<128x64xf32, #tpu.memory_space<vmem>>) dst(%dma_wait3A_156 : memref<10240x64xf32, #tpu.memory_space<vmem_shared>>)
        tpu.yield
      }) : () -> ()
      %scan3A_138 = arith.constant 0 : i32
      scf.yield %scan3A_138 : i32
    }
    %scan3A_30 = arith.constant 20 : i32
    %barrier3A_31 = arith.constant 0 : index
    tpu.barrier barrier_id(%barrier3A_31)
    %mul3A_32 = arith.constant 640 : i32
    %mul3A_33 = arith.muli %arg1, %mul3A_32 : i32
    "tpu.region"() ({
      %run_scoped3A = tpu.sem_alloc : memref<!tpu.dma_semaphore, #tpu.memory_space<semaphore_mem>>
      %dma_start3A = arith.constant 0 : i32
      %dma_start3A_34 = tpu.memref_slice %arg5[%arg0, %mul3A_33, %dma_start3A] : memref<2x10240x64xf32, #tpu.memory_space<hbm>> -> memref<1x640x64xf32, #tpu.memory_space<hbm>>
      %dma_start3A_35 = tpu.memref_squeeze %dma_start3A_34 : memref<1x640x64xf32, #tpu.memory_space<hbm>> -> memref<640x64xf32, #tpu.memory_space<hbm>>
      %dma_start3A_36 = arith.constant 0 : i32
      %dma_start3A_37 = tpu.memref_slice %arg10[%mul3A_33, %dma_start3A_36] : memref<10240x64xf32, #tpu.memory_space<vmem_shared>> -> memref<640x64xf32, #tpu.memory_space<vmem_shared>>
      tpu.enqueue_dma source(%dma_start3A_37 : memref<640x64xf32, #tpu.memory_space<vmem_shared>>) target(%dma_start3A_35 : memref<640x64xf32, #tpu.memory_space<hbm>>) target_semaphore(%run_scoped3A : memref<!tpu.dma_semaphore, #tpu.memory_space<semaphore_mem>>)
      %dma_wait3A = arith.constant 0 : i32
      %dma_wait3A_38 = tpu.memref_slice %arg5[%arg0, %mul3A_33, %dma_wait3A] : memref<2x10240x64xf32, #tpu.memory_space<hbm>> -> memref<1x640x64xf32, #tpu.memory_space<hbm>>
      %dma_wait3A_39 = tpu.memref_squeeze %dma_wait3A_38 : memref<1x640x64xf32, #tpu.memory_space<hbm>> -> memref<640x64xf32, #tpu.memory_space<hbm>>
      %dma_wait3A_40 = arith.constant 0 : i32
      %dma_wait3A_41 = tpu.memref_slice %arg10[%mul3A_33, %dma_wait3A_40] : memref<10240x64xf32, #tpu.memory_space<vmem_shared>> -> memref<640x64xf32, #tpu.memory_space<vmem_shared>>
      tpu.wait_dma2 semaphore(%run_scoped3A : memref<!tpu.dma_semaphore, #tpu.memory_space<semaphore_mem>>) src(%dma_wait3A_41 : memref<640x64xf32, #tpu.memory_space<vmem_shared>>) dst(%dma_wait3A_39 : memref<640x64xf32, #tpu.memory_space<hbm>>)
      tpu.yield
    }) : () -> ()
    return
  }
}

#map = affine_map<(d0, d1) -> (0, 0, 0, 0)>
#map1 = affine_map<(d0, d1) -> (0, 0, 0)>
#map2 = affine_map<(d0, d1) -> (0, 0)>
module attributes {stable_mosaic.version = 14 : i64} {
  func.func @body(%arg0: i32, %arg1: i32, %arg2: memref<2x16x160x128xi32, #tpu.memory_space<hbm>>, %arg3: memref<16x160x128xi32, #tpu.memory_space<hbm>>, %arg4: memref<20000x64xf32, #tpu.memory_space<hbm>>, %arg5: memref<2x10240x64xf32, #tpu.memory_space<hbm>>, %arg6: memref<2x10240x16xf32, #tpu.memory_space<hbm>>, %arg7: memref<80x128xi32, #tpu.memory_space<vmem>>, %arg8: memref<80x128xi32, #tpu.memory_space<vmem>>, %arg9: memref<512x64xf32, #tpu.memory_space<vmem>>, %arg10: memref<128x64xf32, #tpu.memory_space<vmem>>, %arg11: memref<10240x64xf32, #tpu.memory_space<vmem_shared>>, %arg12: memref<!tpu.dma_semaphore, #tpu.memory_space<semaphore_mem>>, %arg13: memref<128x16xf32, #tpu.memory_space<vmem>>, %arg14: memref<128x16xf32, #tpu.memory_space<vmem>>, %arg15: memref<10240x16xf32, #tpu.memory_space<vmem_shared>>) attributes {dimension_semantics = [#tpu.dimension_semantics<core_parallel>, #tpu.dimension_semantics<subcore_parallel>], iteration_bounds = array<i64: 2, 16>, scalar_prefetch = 0 : i64, scratch_operands = 9 : i64, tpu.core_type = #tpu.core_type<sc_vector_subcore>, window_params = [{transform_indices = #map}, {transform_indices = #map1}, {transform_indices = #map2}, {transform_indices = #map1}, {transform_indices = #map1}]} {
    %broadcast_in_dim3A = arith.constant 0.000000e+00 : f32
    %broadcast_in_dim3A_0 = vector.broadcast %broadcast_in_dim3A : f32 to vector<16xf32>
    %scan3A = arith.constant 0 : i32
    %scan3A_1 = arith.constant 0 : i32
    %scan3A_2 = arith.constant 128 : i32
    %scan3A_3 = arith.addi %scan3A_1, %scan3A_2 : i32
    %scan3A_4 = arith.constant 1 : i32
    %scan3A_5 = scf.for %scan3A_56 = %scan3A_1 to %scan3A_3 step %scan3A_4 iter_args(%scan3A_57 = %scan3A) -> (i32)  : i32 {
      %scan3A_58 = arith.constant 0 : i32
      %scan3A_59 = arith.constant 0 : i32
      %scan3A_60 = arith.constant 4 : i32
      %scan3A_61 = arith.addi %scan3A_59, %scan3A_60 : i32
      %scan3A_62 = arith.constant 1 : i32
      %scan3A_63 = scf.for %scan3A_65 = %scan3A_59 to %scan3A_61 step %scan3A_62 iter_args(%scan3A_66 = %scan3A_58) -> (i32)  : i32 {
        %mul3A_67 = arith.constant 16 : i32
        %mul3A_68 = arith.muli %scan3A_65, %mul3A_67 : i32
        %swap3A = arith.index_cast %scan3A_56 : i32 to index
        %swap3A_69 = arith.index_cast %mul3A_68 : i32 to index
        %swap3A_70 = tpu.vector_load %arg10[%swap3A, %swap3A_69] {strides = array<i32>} : memref<128x64xf32, #tpu.memory_space<vmem>>, vector<1x16xf32>,
        %swap3A_71 = vector.shape_cast %swap3A_70 : vector<1x16xf32> to vector<16xf32>
        %swap3A_72 = vector.shape_cast %broadcast_in_dim3A_0 : vector<16xf32> to vector<1x16xf32>
        tpu.vector_store %arg10[%swap3A, %swap3A_69], %swap3A_72 {strides = array<i32>} : memref<128x64xf32, #tpu.memory_space<vmem>>, vector<1x16xf32>,
        %scan3A_73 = arith.constant 0 : i32
        scf.yield %scan3A_73 : i32
      }
      %scan3A_64 = arith.constant 4 : i32
      scf.yield %scan3A_63 : i32
    }
    %scan3A_6 = arith.constant 128 : i32
    %mul3A = arith.constant 640 : i32
    %mul3A_7 = arith.muli %arg1, %mul3A : i32
    %add3A = arith.constant 0 : i32
    %add3A_8 = arith.addi %mul3A_7, %add3A : i32
    "tpu.region"() ({
      %run_scoped3A = tpu.sem_alloc : memref<!tpu.dma_semaphore, #tpu.memory_space<semaphore_mem>>
      %dma_start3A = arith.constant 0 : i32
      %dma_start3A_56 = tpu.memref_slice %arg11[%add3A_8, %dma_start3A] : memref<10240x64xf32, #tpu.memory_space<vmem_shared>> -> memref<128x64xf32, #tpu.memory_space<vmem_shared>>
      %dma_start3A_57 = arith.constant 0 : i32
      %dma_start3A_58 = tpu.memref_slice %arg11[%add3A_8, %dma_start3A_57] : memref<10240x64xf32, #tpu.memory_space<vmem_shared>> -> memref<128x64xf32, #tpu.memory_space<vmem_shared>>
      tpu.enqueue_dma source(%arg10 : memref<128x64xf32, #tpu.memory_space<vmem>>) target(%dma_start3A_58 : memref<128x64xf32, #tpu.memory_space<vmem_shared>>) target_semaphore(%run_scoped3A : memref<!tpu.dma_semaphore, #tpu.memory_space<semaphore_mem>>)
      %dma_wait3A = arith.constant 0 : i32
      %dma_wait3A_59 = tpu.memref_slice %arg11[%add3A_8, %dma_wait3A] : memref<10240x64xf32, #tpu.memory_space<vmem_shared>> -> memref<128x64xf32, #tpu.memory_space<vmem_shared>>
      %dma_wait3A_60 = arith.constant 0 : i32
      %dma_wait3A_61 = tpu.memref_slice %arg11[%add3A_8, %dma_wait3A_60] : memref<10240x64xf32, #tpu.memory_space<vmem_shared>> -> memref<128x64xf32, #tpu.memory_space<vmem_shared>>
      tpu.wait_dma2 semaphore(%run_scoped3A : memref<!tpu.dma_semaphore, #tpu.memory_space<semaphore_mem>>) src(%arg10 : memref<128x64xf32, #tpu.memory_space<vmem>>) dst(%dma_wait3A_61 : memref<128x64xf32, #tpu.memory_space<vmem_shared>>)
      tpu.yield
    }) : () -> ()
    %add3A_9 = arith.constant 128 : i32
    %add3A_10 = arith.addi %mul3A_7, %add3A_9 : i32
    "tpu.region"() ({
      %run_scoped3A = tpu.sem_alloc : memref<!tpu.dma_semaphore, #tpu.memory_space<semaphore_mem>>
      %dma_start3A = arith.constant 0 : i32
      %dma_start3A_56 = tpu.memref_slice %arg11[%add3A_10, %dma_start3A] : memref<10240x64xf32, #tpu.memory_space<vmem_shared>> -> memref<128x64xf32, #tpu.memory_space<vmem_shared>>
      %dma_start3A_57 = arith.constant 0 : i32
      %dma_start3A_58 = tpu.memref_slice %arg11[%add3A_10, %dma_start3A_57] : memref<10240x64xf32, #tpu.memory_space<vmem_shared>> -> memref<128x64xf32, #tpu.memory_space<vmem_shared>>
      tpu.enqueue_dma source(%arg10 : memref<128x64xf32, #tpu.memory_space<vmem>>) target(%dma_start3A_58 : memref<128x64xf32, #tpu.memory_space<vmem_shared>>) target_semaphore(%run_scoped3A : memref<!tpu.dma_semaphore, #tpu.memory_space<semaphore_mem>>)
      %dma_wait3A = arith.constant 0 : i32
      %dma_wait3A_59 = tpu.memref_slice %arg11[%add3A_10, %dma_wait3A] : memref<10240x64xf32, #tpu.memory_space<vmem_shared>> -> memref<128x64xf32, #tpu.memory_space<vmem_shared>>
      %dma_wait3A_60 = arith.constant 0 : i32
      %dma_wait3A_61 = tpu.memref_slice %arg11[%add3A_10, %dma_wait3A_60] : memref<10240x64xf32, #tpu.memory_space<vmem_shared>> -> memref<128x64xf32, #tpu.memory_space<vmem_shared>>
      tpu.wait_dma2 semaphore(%run_scoped3A : memref<!tpu.dma_semaphore, #tpu.memory_space<semaphore_mem>>) src(%arg10 : memref<128x64xf32, #tpu.memory_space<vmem>>) dst(%dma_wait3A_61 : memref<128x64xf32, #tpu.memory_space<vmem_shared>>)
      tpu.yield
    }) : () -> ()
    %add3A_11 = arith.constant 256 : i32
    %add3A_12 = arith.addi %mul3A_7, %add3A_11 : i32
    "tpu.region"() ({
      %run_scoped3A = tpu.sem_alloc : memref<!tpu.dma_semaphore, #tpu.memory_space<semaphore_mem>>
      %dma_start3A = arith.constant 0 : i32
      %dma_start3A_56 = tpu.memref_slice %arg11[%add3A_12, %dma_start3A] : memref<10240x64xf32, #tpu.memory_space<vmem_shared>> -> memref<128x64xf32, #tpu.memory_space<vmem_shared>>
      %dma_start3A_57 = arith.constant 0 : i32
      %dma_start3A_58 = tpu.memref_slice %arg11[%add3A_12, %dma_start3A_57] : memref<10240x64xf32, #tpu.memory_space<vmem_shared>> -> memref<128x64xf32, #tpu.memory_space<vmem_shared>>
      tpu.enqueue_dma source(%arg10 : memref<128x64xf32, #tpu.memory_space<vmem>>) target(%dma_start3A_58 : memref<128x64xf32, #tpu.memory_space<vmem_shared>>) target_semaphore(%run_scoped3A : memref<!tpu.dma_semaphore, #tpu.memory_space<semaphore_mem>>)
      %dma_wait3A = arith.constant 0 : i32
      %dma_wait3A_59 = tpu.memref_slice %arg11[%add3A_12, %dma_wait3A] : memref<10240x64xf32, #tpu.memory_space<vmem_shared>> -> memref<128x64xf32, #tpu.memory_space<vmem_shared>>
      %dma_wait3A_60 = arith.constant 0 : i32
      %dma_wait3A_61 = tpu.memref_slice %arg11[%add3A_12, %dma_wait3A_60] : memref<10240x64xf32, #tpu.memory_space<vmem_shared>> -> memref<128x64xf32, #tpu.memory_space<vmem_shared>>
      tpu.wait_dma2 semaphore(%run_scoped3A : memref<!tpu.dma_semaphore, #tpu.memory_space<semaphore_mem>>) src(%arg10 : memref<128x64xf32, #tpu.memory_space<vmem>>) dst(%dma_wait3A_61 : memref<128x64xf32, #tpu.memory_space<vmem_shared>>)
      tpu.yield
    }) : () -> ()
    %add3A_13 = arith.constant 384 : i32
    %add3A_14 = arith.addi %mul3A_7, %add3A_13 : i32
    "tpu.region"() ({
      %run_scoped3A = tpu.sem_alloc : memref<!tpu.dma_semaphore, #tpu.memory_space<semaphore_mem>>
      %dma_start3A = arith.constant 0 : i32
      %dma_start3A_56 = tpu.memref_slice %arg11[%add3A_14, %dma_start3A] : memref<10240x64xf32, #tpu.memory_space<vmem_shared>> -> memref<128x64xf32, #tpu.memory_space<vmem_shared>>
      %dma_start3A_57 = arith.constant 0 : i32
      %dma_start3A_58 = tpu.memref_slice %arg11[%add3A_14, %dma_start3A_57] : memref<10240x64xf32, #tpu.memory_space<vmem_shared>> -> memref<128x64xf32, #tpu.memory_space<vmem_shared>>
      tpu.enqueue_dma source(%arg10 : memref<128x64xf32, #tpu.memory_space<vmem>>) target(%dma_start3A_58 : memref<128x64xf32, #tpu.memory_space<vmem_shared>>) target_semaphore(%run_scoped3A : memref<!tpu.dma_semaphore, #tpu.memory_space<semaphore_mem>>)
      %dma_wait3A = arith.constant 0 : i32
      %dma_wait3A_59 = tpu.memref_slice %arg11[%add3A_14, %dma_wait3A] : memref<10240x64xf32, #tpu.memory_space<vmem_shared>> -> memref<128x64xf32, #tpu.memory_space<vmem_shared>>
      %dma_wait3A_60 = arith.constant 0 : i32
      %dma_wait3A_61 = tpu.memref_slice %arg11[%add3A_14, %dma_wait3A_60] : memref<10240x64xf32, #tpu.memory_space<vmem_shared>> -> memref<128x64xf32, #tpu.memory_space<vmem_shared>>
      tpu.wait_dma2 semaphore(%run_scoped3A : memref<!tpu.dma_semaphore, #tpu.memory_space<semaphore_mem>>) src(%arg10 : memref<128x64xf32, #tpu.memory_space<vmem>>) dst(%dma_wait3A_61 : memref<128x64xf32, #tpu.memory_space<vmem_shared>>)
      tpu.yield
    }) : () -> ()
    %add3A_15 = arith.constant 512 : i32
    %add3A_16 = arith.addi %mul3A_7, %add3A_15 : i32
    "tpu.region"() ({
      %run_scoped3A = tpu.sem_alloc : memref<!tpu.dma_semaphore, #tpu.memory_space<semaphore_mem>>
      %dma_start3A = arith.constant 0 : i32
      %dma_start3A_56 = tpu.memref_slice %arg11[%add3A_16, %dma_start3A] : memref<10240x64xf32, #tpu.memory_space<vmem_shared>> -> memref<128x64xf32, #tpu.memory_space<vmem_shared>>
      %dma_start3A_57 = arith.constant 0 : i32
      %dma_start3A_58 = tpu.memref_slice %arg11[%add3A_16, %dma_start3A_57] : memref<10240x64xf32, #tpu.memory_space<vmem_shared>> -> memref<128x64xf32, #tpu.memory_space<vmem_shared>>
      tpu.enqueue_dma source(%arg10 : memref<128x64xf32, #tpu.memory_space<vmem>>) target(%dma_start3A_58 : memref<128x64xf32, #tpu.memory_space<vmem_shared>>) target_semaphore(%run_scoped3A : memref<!tpu.dma_semaphore, #tpu.memory_space<semaphore_mem>>)
      %dma_wait3A = arith.constant 0 : i32
      %dma_wait3A_59 = tpu.memref_slice %arg11[%add3A_16, %dma_wait3A] : memref<10240x64xf32, #tpu.memory_space<vmem_shared>> -> memref<128x64xf32, #tpu.memory_space<vmem_shared>>
      %dma_wait3A_60 = arith.constant 0 : i32
      %dma_wait3A_61 = tpu.memref_slice %arg11[%add3A_16, %dma_wait3A_60] : memref<10240x64xf32, #tpu.memory_space<vmem_shared>> -> memref<128x64xf32, #tpu.memory_space<vmem_shared>>
      tpu.wait_dma2 semaphore(%run_scoped3A : memref<!tpu.dma_semaphore, #tpu.memory_space<semaphore_mem>>) src(%arg10 : memref<128x64xf32, #tpu.memory_space<vmem>>) dst(%dma_wait3A_61 : memref<128x64xf32, #tpu.memory_space<vmem_shared>>)
      tpu.yield
    }) : () -> ()
    %iota3A = tpu.iota {dimensions = array<i32: 0>} : vector<16xi32>
    %eq3A = arith.constant 0 : i32
    %eq3A_17 = vector.broadcast %eq3A : i32 to vector<16xi32>
    %eq3A_18 = arith.cmpi eq, %iota3A, %eq3A_17 : vector<16xi32>
    %jit3A = arith.constant 5.000000e-01 : f32
    %jit3A_19 = arith.constant 0.000000e+00 : f32
    %broadcast_in_dim3A_20 = vector.broadcast %jit3A : f32 to vector<16xf32>
    %broadcast_in_dim3A_21 = vector.broadcast %jit3A_19 : f32 to vector<16xf32>
    %select_n3A = arith.select %eq3A_18, %broadcast_in_dim3A_20, %broadcast_in_dim3A_21 : vector<16xi1>, vector<16xf32>
    %scan3A_22 = arith.constant 0 : i32
    %scan3A_23 = arith.constant 0 : i32
    %scan3A_24 = arith.constant 128 : i32
    %scan3A_25 = arith.addi %scan3A_23, %scan3A_24 : i32
    %scan3A_26 = arith.constant 1 : i32
    %scan3A_27 = scf.for %scan3A_56 = %scan3A_23 to %scan3A_25 step %scan3A_26 iter_args(%scan3A_57 = %scan3A_22) -> (i32)  : i32 {
      %swap3A = arith.index_cast %scan3A_56 : i32 to index
      %swap3A_58 = arith.constant 0 : index
      %swap3A_59 = tpu.vector_load %arg13[%swap3A, %swap3A_58] {strides = array<i32>} : memref<128x16xf32, #tpu.memory_space<vmem>>, vector<1x16xf32>,
      %swap3A_60 = vector.shape_cast %swap3A_59 : vector<1x16xf32> to vector<16xf32>
      %swap3A_61 = vector.shape_cast %select_n3A : vector<16xf32> to vector<1x16xf32>
      tpu.vector_store %arg13[%swap3A, %swap3A_58], %swap3A_61 {strides = array<i32>} : memref<128x16xf32, #tpu.memory_space<vmem>>, vector<1x16xf32>,
      %swap3A_62 = arith.index_cast %scan3A_56 : i32 to index
      %swap3A_63 = arith.constant 0 : index
      %swap3A_64 = tpu.vector_load %arg14[%swap3A_62, %swap3A_63] {strides = array<i32>} : memref<128x16xf32, #tpu.memory_space<vmem>>, vector<1x16xf32>,
      %swap3A_65 = vector.shape_cast %swap3A_64 : vector<1x16xf32> to vector<16xf32>
      %swap3A_66 = vector.shape_cast %broadcast_in_dim3A_0 : vector<16xf32> to vector<1x16xf32>
      tpu.vector_store %arg14[%swap3A_62, %swap3A_63], %swap3A_66 {strides = array<i32>} : memref<128x16xf32, #tpu.memory_space<vmem>>, vector<1x16xf32>,
      %scan3A_67 = arith.constant 0 : i32
      scf.yield %scan3A_67 : i32
    }
    %scan3A_28 = arith.constant 128 : i32
    %add3A_29 = arith.constant 0 : i32
    %add3A_30 = arith.addi %mul3A_7, %add3A_29 : i32
    "tpu.region"() ({
      %run_scoped3A = tpu.sem_alloc : memref<!tpu.dma_semaphore, #tpu.memory_space<semaphore_mem>>
      %dma_start3A = arith.constant 0 : i32
      %dma_start3A_56 = tpu.memref_slice %arg15[%add3A_30, %dma_start3A] : memref<10240x16xf32, #tpu.memory_space<vmem_shared>> -> memref<128x16xf32, #tpu.memory_space<vmem_shared>>
      %dma_start3A_57 = arith.constant 0 : i32
      %dma_start3A_58 = tpu.memref_slice %arg15[%add3A_30, %dma_start3A_57] : memref<10240x16xf32, #tpu.memory_space<vmem_shared>> -> memref<128x16xf32, #tpu.memory_space<vmem_shared>>
      tpu.enqueue_dma source(%arg14 : memref<128x16xf32, #tpu.memory_space<vmem>>) target(%dma_start3A_58 : memref<128x16xf32, #tpu.memory_space<vmem_shared>>) target_semaphore(%run_scoped3A : memref<!tpu.dma_semaphore, #tpu.memory_space<semaphore_mem>>)
      %dma_wait3A = arith.constant 0 : i32
      %dma_wait3A_59 = tpu.memref_slice %arg15[%add3A_30, %dma_wait3A] : memref<10240x16xf32, #tpu.memory_space<vmem_shared>> -> memref<128x16xf32, #tpu.memory_space<vmem_shared>>
      %dma_wait3A_60 = arith.constant 0 : i32
      %dma_wait3A_61 = tpu.memref_slice %arg15[%add3A_30, %dma_wait3A_60] : memref<10240x16xf32, #tpu.memory_space<vmem_shared>> -> memref<128x16xf32, #tpu.memory_space<vmem_shared>>
      tpu.wait_dma2 semaphore(%run_scoped3A : memref<!tpu.dma_semaphore, #tpu.memory_space<semaphore_mem>>) src(%arg14 : memref<128x16xf32, #tpu.memory_space<vmem>>) dst(%dma_wait3A_61 : memref<128x16xf32, #tpu.memory_space<vmem_shared>>)
      tpu.yield
    }) : () -> ()
    %add3A_31 = arith.constant 128 : i32
    %add3A_32 = arith.addi %mul3A_7, %add3A_31 : i32
    "tpu.region"() ({
      %run_scoped3A = tpu.sem_alloc : memref<!tpu.dma_semaphore, #tpu.memory_space<semaphore_mem>>
      %dma_start3A = arith.constant 0 : i32
      %dma_start3A_56 = tpu.memref_slice %arg15[%add3A_32, %dma_start3A] : memref<10240x16xf32, #tpu.memory_space<vmem_shared>> -> memref<128x16xf32, #tpu.memory_space<vmem_shared>>
      %dma_start3A_57 = arith.constant 0 : i32
      %dma_start3A_58 = tpu.memref_slice %arg15[%add3A_32, %dma_start3A_57] : memref<10240x16xf32, #tpu.memory_space<vmem_shared>> -> memref<128x16xf32, #tpu.memory_space<vmem_shared>>
      tpu.enqueue_dma source(%arg14 : memref<128x16xf32, #tpu.memory_space<vmem>>) target(%dma_start3A_58 : memref<128x16xf32, #tpu.memory_space<vmem_shared>>) target_semaphore(%run_scoped3A : memref<!tpu.dma_semaphore, #tpu.memory_space<semaphore_mem>>)
      %dma_wait3A = arith.constant 0 : i32
      %dma_wait3A_59 = tpu.memref_slice %arg15[%add3A_32, %dma_wait3A] : memref<10240x16xf32, #tpu.memory_space<vmem_shared>> -> memref<128x16xf32, #tpu.memory_space<vmem_shared>>
      %dma_wait3A_60 = arith.constant 0 : i32
      %dma_wait3A_61 = tpu.memref_slice %arg15[%add3A_32, %dma_wait3A_60] : memref<10240x16xf32, #tpu.memory_space<vmem_shared>> -> memref<128x16xf32, #tpu.memory_space<vmem_shared>>
      tpu.wait_dma2 semaphore(%run_scoped3A : memref<!tpu.dma_semaphore, #tpu.memory_space<semaphore_mem>>) src(%arg14 : memref<128x16xf32, #tpu.memory_space<vmem>>) dst(%dma_wait3A_61 : memref<128x16xf32, #tpu.memory_space<vmem_shared>>)
      tpu.yield
    }) : () -> ()
    %add3A_33 = arith.constant 256 : i32
    %add3A_34 = arith.addi %mul3A_7, %add3A_33 : i32
    "tpu.region"() ({
      %run_scoped3A = tpu.sem_alloc : memref<!tpu.dma_semaphore, #tpu.memory_space<semaphore_mem>>
      %dma_start3A = arith.constant 0 : i32
      %dma_start3A_56 = tpu.memref_slice %arg15[%add3A_34, %dma_start3A] : memref<10240x16xf32, #tpu.memory_space<vmem_shared>> -> memref<128x16xf32, #tpu.memory_space<vmem_shared>>
      %dma_start3A_57 = arith.constant 0 : i32
      %dma_start3A_58 = tpu.memref_slice %arg15[%add3A_34, %dma_start3A_57] : memref<10240x16xf32, #tpu.memory_space<vmem_shared>> -> memref<128x16xf32, #tpu.memory_space<vmem_shared>>
      tpu.enqueue_dma source(%arg14 : memref<128x16xf32, #tpu.memory_space<vmem>>) target(%dma_start3A_58 : memref<128x16xf32, #tpu.memory_space<vmem_shared>>) target_semaphore(%run_scoped3A : memref<!tpu.dma_semaphore, #tpu.memory_space<semaphore_mem>>)
      %dma_wait3A = arith.constant 0 : i32
      %dma_wait3A_59 = tpu.memref_slice %arg15[%add3A_34, %dma_wait3A] : memref<10240x16xf32, #tpu.memory_space<vmem_shared>> -> memref<128x16xf32, #tpu.memory_space<vmem_shared>>
      %dma_wait3A_60 = arith.constant 0 : i32
      %dma_wait3A_61 = tpu.memref_slice %arg15[%add3A_34, %dma_wait3A_60] : memref<10240x16xf32, #tpu.memory_space<vmem_shared>> -> memref<128x16xf32, #tpu.memory_space<vmem_shared>>
      tpu.wait_dma2 semaphore(%run_scoped3A : memref<!tpu.dma_semaphore, #tpu.memory_space<semaphore_mem>>) src(%arg14 : memref<128x16xf32, #tpu.memory_space<vmem>>) dst(%dma_wait3A_61 : memref<128x16xf32, #tpu.memory_space<vmem_shared>>)
      tpu.yield
    }) : () -> ()
    %add3A_35 = arith.constant 384 : i32
    %add3A_36 = arith.addi %mul3A_7, %add3A_35 : i32
    "tpu.region"() ({
      %run_scoped3A = tpu.sem_alloc : memref<!tpu.dma_semaphore, #tpu.memory_space<semaphore_mem>>
      %dma_start3A = arith.constant 0 : i32
      %dma_start3A_56 = tpu.memref_slice %arg15[%add3A_36, %dma_start3A] : memref<10240x16xf32, #tpu.memory_space<vmem_shared>> -> memref<128x16xf32, #tpu.memory_space<vmem_shared>>
      %dma_start3A_57 = arith.constant 0 : i32
      %dma_start3A_58 = tpu.memref_slice %arg15[%add3A_36, %dma_start3A_57] : memref<10240x16xf32, #tpu.memory_space<vmem_shared>> -> memref<128x16xf32, #tpu.memory_space<vmem_shared>>
      tpu.enqueue_dma source(%arg14 : memref<128x16xf32, #tpu.memory_space<vmem>>) target(%dma_start3A_58 : memref<128x16xf32, #tpu.memory_space<vmem_shared>>) target_semaphore(%run_scoped3A : memref<!tpu.dma_semaphore, #tpu.memory_space<semaphore_mem>>)
      %dma_wait3A = arith.constant 0 : i32
      %dma_wait3A_59 = tpu.memref_slice %arg15[%add3A_36, %dma_wait3A] : memref<10240x16xf32, #tpu.memory_space<vmem_shared>> -> memref<128x16xf32, #tpu.memory_space<vmem_shared>>
      %dma_wait3A_60 = arith.constant 0 : i32
      %dma_wait3A_61 = tpu.memref_slice %arg15[%add3A_36, %dma_wait3A_60] : memref<10240x16xf32, #tpu.memory_space<vmem_shared>> -> memref<128x16xf32, #tpu.memory_space<vmem_shared>>
      tpu.wait_dma2 semaphore(%run_scoped3A : memref<!tpu.dma_semaphore, #tpu.memory_space<semaphore_mem>>) src(%arg14 : memref<128x16xf32, #tpu.memory_space<vmem>>) dst(%dma_wait3A_61 : memref<128x16xf32, #tpu.memory_space<vmem_shared>>)
      tpu.yield
    }) : () -> ()
    %add3A_37 = arith.constant 512 : i32
    %add3A_38 = arith.addi %mul3A_7, %add3A_37 : i32
    "tpu.region"() ({
      %run_scoped3A = tpu.sem_alloc : memref<!tpu.dma_semaphore, #tpu.memory_space<semaphore_mem>>
      %dma_start3A = arith.constant 0 : i32
      %dma_start3A_56 = tpu.memref_slice %arg15[%add3A_38, %dma_start3A] : memref<10240x16xf32, #tpu.memory_space<vmem_shared>> -> memref<128x16xf32, #tpu.memory_space<vmem_shared>>
      %dma_start3A_57 = arith.constant 0 : i32
      %dma_start3A_58 = tpu.memref_slice %arg15[%add3A_38, %dma_start3A_57] : memref<10240x16xf32, #tpu.memory_space<vmem_shared>> -> memref<128x16xf32, #tpu.memory_space<vmem_shared>>
      tpu.enqueue_dma source(%arg14 : memref<128x16xf32, #tpu.memory_space<vmem>>) target(%dma_start3A_58 : memref<128x16xf32, #tpu.memory_space<vmem_shared>>) target_semaphore(%run_scoped3A : memref<!tpu.dma_semaphore, #tpu.memory_space<semaphore_mem>>)
      %dma_wait3A = arith.constant 0 : i32
      %dma_wait3A_59 = tpu.memref_slice %arg15[%add3A_38, %dma_wait3A] : memref<10240x16xf32, #tpu.memory_space<vmem_shared>> -> memref<128x16xf32, #tpu.memory_space<vmem_shared>>
      %dma_wait3A_60 = arith.constant 0 : i32
      %dma_wait3A_61 = tpu.memref_slice %arg15[%add3A_38, %dma_wait3A_60] : memref<10240x16xf32, #tpu.memory_space<vmem_shared>> -> memref<128x16xf32, #tpu.memory_space<vmem_shared>>
      tpu.wait_dma2 semaphore(%run_scoped3A : memref<!tpu.dma_semaphore, #tpu.memory_space<semaphore_mem>>) src(%arg14 : memref<128x16xf32, #tpu.memory_space<vmem>>) dst(%dma_wait3A_61 : memref<128x16xf32, #tpu.memory_space<vmem_shared>>)
      tpu.yield
    }) : () -> ()
    %barrier3A = arith.constant 0 : index
    tpu.barrier barrier_id(%barrier3A)
    "tpu.region"() ({
      %run_scoped3A = tpu.sem_alloc : memref<!tpu.dma_semaphore, #tpu.memory_space<semaphore_mem>>
      %dma_start3A = arith.constant 0 : i32
      %dma_start3A_56 = arith.constant 0 : i32
      %dma_start3A_57 = tpu.memref_slice %arg2[%arg0, %arg1, %dma_start3A, %dma_start3A_56] : memref<2x16x160x128xi32, #tpu.memory_space<hbm>> -> memref<1x1x80x128xi32, #tpu.memory_space<hbm>>
      %dma_start3A_58 = tpu.memref_squeeze %dma_start3A_57 : memref<1x1x80x128xi32, #tpu.memory_space<hbm>> -> memref<80x128xi32, #tpu.memory_space<hbm>>
      %dma_start3A_59 = arith.constant 0 : i32
      %dma_start3A_60 = arith.constant 0 : i32
      %dma_start3A_61 = tpu.memref_slice %arg2[%arg0, %arg1, %dma_start3A_59, %dma_start3A_60] : memref<2x16x160x128xi32, #tpu.memory_space<hbm>> -> memref<1x1x80x128xi32, #tpu.memory_space<hbm>>
      %dma_start3A_62 = tpu.memref_squeeze %dma_start3A_61 : memref<1x1x80x128xi32, #tpu.memory_space<hbm>> -> memref<80x128xi32, #tpu.memory_space<hbm>>
      tpu.enqueue_dma source(%dma_start3A_62 : memref<80x128xi32, #tpu.memory_space<hbm>>) target(%arg7 : memref<80x128xi32, #tpu.memory_space<vmem>>) target_semaphore(%run_scoped3A : memref<!tpu.dma_semaphore, #tpu.memory_space<semaphore_mem>>)
      %dma_wait3A = arith.constant 0 : i32
      %dma_wait3A_63 = arith.constant 0 : i32
      %dma_wait3A_64 = tpu.memref_slice %arg2[%arg0, %arg1, %dma_wait3A, %dma_wait3A_63] : memref<2x16x160x128xi32, #tpu.memory_space<hbm>> -> memref<1x1x80x128xi32, #tpu.memory_space<hbm>>
      %dma_wait3A_65 = tpu.memref_squeeze %dma_wait3A_64 : memref<1x1x80x128xi32, #tpu.memory_space<hbm>> -> memref<80x128xi32, #tpu.memory_space<hbm>>
      %dma_wait3A_66 = arith.constant 0 : i32
      %dma_wait3A_67 = arith.constant 0 : i32
      %dma_wait3A_68 = tpu.memref_slice %arg2[%arg0, %arg1, %dma_wait3A_66, %dma_wait3A_67] : memref<2x16x160x128xi32, #tpu.memory_space<hbm>> -> memref<1x1x80x128xi32, #tpu.memory_space<hbm>>
      %dma_wait3A_69 = tpu.memref_squeeze %dma_wait3A_68 : memref<1x1x80x128xi32, #tpu.memory_space<hbm>> -> memref<80x128xi32, #tpu.memory_space<hbm>>
      tpu.wait_dma2 semaphore(%run_scoped3A : memref<!tpu.dma_semaphore, #tpu.memory_space<semaphore_mem>>) src(%dma_wait3A_69 : memref<80x128xi32, #tpu.memory_space<hbm>>) dst(%arg7 : memref<80x128xi32, #tpu.memory_space<vmem>>)
      tpu.yield
    }) : () -> ()
    "tpu.region"() ({
      %run_scoped3A = tpu.sem_alloc : memref<!tpu.dma_semaphore, #tpu.memory_space<semaphore_mem>>
      %dma_start3A = arith.constant 0 : i32
      %dma_start3A_56 = arith.constant 0 : i32
      %dma_start3A_57 = tpu.memref_slice %arg3[%arg1, %dma_start3A, %dma_start3A_56] : memref<16x160x128xi32, #tpu.memory_space<hbm>> -> memref<1x80x128xi32, #tpu.memory_space<hbm>>
      %dma_start3A_58 = tpu.memref_squeeze %dma_start3A_57 : memref<1x80x128xi32, #tpu.memory_space<hbm>> -> memref<80x128xi32, #tpu.memory_space<hbm>>
      %dma_start3A_59 = arith.constant 0 : i32
      %dma_start3A_60 = arith.constant 0 : i32
      %dma_start3A_61 = tpu.memref_slice %arg3[%arg1, %dma_start3A_59, %dma_start3A_60] : memref<16x160x128xi32, #tpu.memory_space<hbm>> -> memref<1x80x128xi32, #tpu.memory_space<hbm>>
      %dma_start3A_62 = tpu.memref_squeeze %dma_start3A_61 : memref<1x80x128xi32, #tpu.memory_space<hbm>> -> memref<80x128xi32, #tpu.memory_space<hbm>>
      tpu.enqueue_dma source(%dma_start3A_62 : memref<80x128xi32, #tpu.memory_space<hbm>>) target(%arg8 : memref<80x128xi32, #tpu.memory_space<vmem>>) target_semaphore(%run_scoped3A : memref<!tpu.dma_semaphore, #tpu.memory_space<semaphore_mem>>)
      %dma_wait3A = arith.constant 0 : i32
      %dma_wait3A_63 = arith.constant 0 : i32
      %dma_wait3A_64 = tpu.memref_slice %arg3[%arg1, %dma_wait3A, %dma_wait3A_63] : memref<16x160x128xi32, #tpu.memory_space<hbm>> -> memref<1x80x128xi32, #tpu.memory_space<hbm>>
      %dma_wait3A_65 = tpu.memref_squeeze %dma_wait3A_64 : memref<1x80x128xi32, #tpu.memory_space<hbm>> -> memref<80x128xi32, #tpu.memory_space<hbm>>
      %dma_wait3A_66 = arith.constant 0 : i32
      %dma_wait3A_67 = arith.constant 0 : i32
      %dma_wait3A_68 = tpu.memref_slice %arg3[%arg1, %dma_wait3A_66, %dma_wait3A_67] : memref<16x160x128xi32, #tpu.memory_space<hbm>> -> memref<1x80x128xi32, #tpu.memory_space<hbm>>
      %dma_wait3A_69 = tpu.memref_squeeze %dma_wait3A_68 : memref<1x80x128xi32, #tpu.memory_space<hbm>> -> memref<80x128xi32, #tpu.memory_space<hbm>>
      tpu.wait_dma2 semaphore(%run_scoped3A : memref<!tpu.dma_semaphore, #tpu.memory_space<semaphore_mem>>) src(%dma_wait3A_69 : memref<80x128xi32, #tpu.memory_space<hbm>>) dst(%arg8 : memref<80x128xi32, #tpu.memory_space<vmem>>)
      tpu.yield
    }) : () -> ()
    %scan3A_39 = arith.constant 0 : i32
    %scan3A_40 = arith.constant 0 : i32
    %scan3A_41 = arith.constant 20 : i32
    %scan3A_42 = arith.addi %scan3A_40, %scan3A_41 : i32
    %scan3A_43 = arith.constant 1 : i32
    %scan3A_44 = scf.for %scan3A_56 = %scan3A_40 to %scan3A_42 step %scan3A_43 iter_args(%scan3A_57 = %scan3A_39) -> (i32)  : i32 {
      %mul3A_58 = arith.constant 4 : i32
      %mul3A_59 = arith.muli %scan3A_56, %mul3A_58 : i32
      %add3A_60 = arith.constant 0 : i32
      %add3A_61 = arith.addi %mul3A_59, %add3A_60 : i32
      %dma_start3A = arith.constant 0 : i32
      %dma_start3A_62 = arith.constant 0 : i32
      %dma_start3A_63 = tpu.memref_slice %arg9[%dma_start3A, %dma_start3A_62] : memref<512x64xf32, #tpu.memory_space<vmem>> -> memref<128x64xf32, #tpu.memory_space<vmem>>
      %dma_start3A_64 = arith.constant 0 : i32
      %dma_start3A_65 = tpu.memref_slice %arg7[%add3A_61, %dma_start3A_64] : memref<80x128xi32, #tpu.memory_space<vmem>> -> memref<1x128xi32, #tpu.memory_space<vmem>>
      %dma_start3A_66 = tpu.memref_squeeze %dma_start3A_65 : memref<1x128xi32, #tpu.memory_space<vmem>> -> memref<128xi32, #tpu.memory_space<vmem>>
      %dma_start3A_67 = arith.constant 0 : i32
      %dma_start3A_68 = arith.constant 0 : i32
      %dma_start3A_69 = tpu.memref_slice %arg4[%dma_start3A_67, %dma_start3A_68] : memref<20000x64xf32, #tpu.memory_space<hbm>> -> memref<20000x64xf32, #tpu.memory_space<hbm>>
      tpu.enqueue_indirect_dma source(%dma_start3A_69 : memref<20000x64xf32, #tpu.memory_space<hbm>>) target(%dma_start3A_63 : memref<128x64xf32, #tpu.memory_space<vmem>>) offsets(%dma_start3A_66 : memref<128xi32, #tpu.memory_space<vmem>>) semaphore(%arg12 : memref<!tpu.dma_semaphore, #tpu.memory_space<semaphore_mem>>)
      %mul3A_70 = arith.constant 4 : i32
      %mul3A_71 = arith.muli %scan3A_56, %mul3A_70 : i32
      %add3A_72 = arith.constant 1 : i32
      %add3A_73 = arith.addi %mul3A_71, %add3A_72 : i32
      %dma_start3A_74 = arith.constant 128 : i32
      %dma_start3A_75 = arith.constant 0 : i32
      %dma_start3A_76 = tpu.memref_slice %arg9[%dma_start3A_74, %dma_start3A_75] : memref<512x64xf32, #tpu.memory_space<vmem>> -> memref<128x64xf32, #tpu.memory_space<vmem>>
      %dma_start3A_77 = arith.constant 0 : i32
      %dma_start3A_78 = tpu.memref_slice %arg7[%add3A_73, %dma_start3A_77] : memref<80x128xi32, #tpu.memory_space<vmem>> -> memref<1x128xi32, #tpu.memory_space<vmem>>
      %dma_start3A_79 = tpu.memref_squeeze %dma_start3A_78 : memref<1x128xi32, #tpu.memory_space<vmem>> -> memref<128xi32, #tpu.memory_space<vmem>>
      %dma_start3A_80 = arith.constant 0 : i32
      %dma_start3A_81 = arith.constant 0 : i32
      %dma_start3A_82 = tpu.memref_slice %arg4[%dma_start3A_80, %dma_start3A_81] : memref<20000x64xf32, #tpu.memory_space<hbm>> -> memref<20000x64xf32, #tpu.memory_space<hbm>>
      tpu.enqueue_indirect_dma source(%dma_start3A_82 : memref<20000x64xf32, #tpu.memory_space<hbm>>) target(%dma_start3A_76 : memref<128x64xf32, #tpu.memory_space<vmem>>) offsets(%dma_start3A_79 : memref<128xi32, #tpu.memory_space<vmem>>) semaphore(%arg12 : memref<!tpu.dma_semaphore, #tpu.memory_space<semaphore_mem>>)
      %mul3A_83 = arith.constant 4 : i32
      %mul3A_84 = arith.muli %scan3A_56, %mul3A_83 : i32
      %add3A_85 = arith.constant 2 : i32
      %add3A_86 = arith.addi %mul3A_84, %add3A_85 : i32
      %dma_start3A_87 = arith.constant 256 : i32
      %dma_start3A_88 = arith.constant 0 : i32
      %dma_start3A_89 = tpu.memref_slice %arg9[%dma_start3A_87, %dma_start3A_88] : memref<512x64xf32, #tpu.memory_space<vmem>> -> memref<128x64xf32, #tpu.memory_space<vmem>>
      %dma_start3A_90 = arith.constant 0 : i32
      %dma_start3A_91 = tpu.memref_slice %arg7[%add3A_86, %dma_start3A_90] : memref<80x128xi32, #tpu.memory_space<vmem>> -> memref<1x128xi32, #tpu.memory_space<vmem>>
      %dma_start3A_92 = tpu.memref_squeeze %dma_start3A_91 : memref<1x128xi32, #tpu.memory_space<vmem>> -> memref<128xi32, #tpu.memory_space<vmem>>
      %dma_start3A_93 = arith.constant 0 : i32
      %dma_start3A_94 = arith.constant 0 : i32
      %dma_start3A_95 = tpu.memref_slice %arg4[%dma_start3A_93, %dma_start3A_94] : memref<20000x64xf32, #tpu.memory_space<hbm>> -> memref<20000x64xf32, #tpu.memory_space<hbm>>
      tpu.enqueue_indirect_dma source(%dma_start3A_95 : memref<20000x64xf32, #tpu.memory_space<hbm>>) target(%dma_start3A_89 : memref<128x64xf32, #tpu.memory_space<vmem>>) offsets(%dma_start3A_92 : memref<128xi32, #tpu.memory_space<vmem>>) semaphore(%arg12 : memref<!tpu.dma_semaphore, #tpu.memory_space<semaphore_mem>>)
      %mul3A_96 = arith.constant 4 : i32
      %mul3A_97 = arith.muli %scan3A_56, %mul3A_96 : i32
      %add3A_98 = arith.constant 3 : i32
      %add3A_99 = arith.addi %mul3A_97, %add3A_98 : i32
      %dma_start3A_100 = arith.constant 384 : i32
      %dma_start3A_101 = arith.constant 0 : i32
      %dma_start3A_102 = tpu.memref_slice %arg9[%dma_start3A_100, %dma_start3A_101] : memref<512x64xf32, #tpu.memory_space<vmem>> -> memref<128x64xf32, #tpu.memory_space<vmem>>
      %dma_start3A_103 = arith.constant 0 : i32
      %dma_start3A_104 = tpu.memref_slice %arg7[%add3A_99, %dma_start3A_103] : memref<80x128xi32, #tpu.memory_space<vmem>> -> memref<1x128xi32, #tpu.memory_space<vmem>>
      %dma_start3A_105 = tpu.memref_squeeze %dma_start3A_104 : memref<1x128xi32, #tpu.memory_space<vmem>> -> memref<128xi32, #tpu.memory_space<vmem>>
      %dma_start3A_106 = arith.constant 0 : i32
      %dma_start3A_107 = arith.constant 0 : i32
      %dma_start3A_108 = tpu.memref_slice %arg4[%dma_start3A_106, %dma_start3A_107] : memref<20000x64xf32, #tpu.memory_space<hbm>> -> memref<20000x64xf32, #tpu.memory_space<hbm>>
      tpu.enqueue_indirect_dma source(%dma_start3A_108 : memref<20000x64xf32, #tpu.memory_space<hbm>>) target(%dma_start3A_102 : memref<128x64xf32, #tpu.memory_space<vmem>>) offsets(%dma_start3A_105 : memref<128xi32, #tpu.memory_space<vmem>>) semaphore(%arg12 : memref<!tpu.dma_semaphore, #tpu.memory_space<semaphore_mem>>)
      %dma_wait3A = arith.constant 0 : i32
      %dma_wait3A_109 = arith.constant 0 : i32
      %dma_wait3A_110 = tpu.memref_slice %arg9[%dma_wait3A, %dma_wait3A_109] : memref<512x64xf32, #tpu.memory_space<vmem>> -> memref<128x64xf32, #tpu.memory_space<vmem>>
      %dma_wait3A_111 = arith.constant 0 : i32
      %dma_wait3A_112 = tpu.memref_slice %arg7[%add3A_61, %dma_wait3A_111] : memref<80x128xi32, #tpu.memory_space<vmem>> -> memref<1x128xi32, #tpu.memory_space<vmem>>
      %dma_wait3A_113 = tpu.memref_squeeze %dma_wait3A_112 : memref<1x128xi32, #tpu.memory_space<vmem>> -> memref<128xi32, #tpu.memory_space<vmem>>
      %dma_wait3A_114 = arith.constant 0 : i32
      %dma_wait3A_115 = arith.constant 0 : i32
      %dma_wait3A_116 = tpu.memref_slice %arg4[%dma_wait3A_114, %dma_wait3A_115] : memref<20000x64xf32, #tpu.memory_space<hbm>> -> memref<20000x64xf32, #tpu.memory_space<hbm>>
      tpu.wait_indirect_dma semaphore(%arg12 : memref<!tpu.dma_semaphore, #tpu.memory_space<semaphore_mem>>) src(%dma_wait3A_116 : memref<20000x64xf32, #tpu.memory_space<hbm>>) dst(%dma_wait3A_110 : memref<128x64xf32, #tpu.memory_space<vmem>>)
      %dma_wait3A_117 = arith.constant 128 : i32
      %dma_wait3A_118 = arith.constant 0 : i32
      %dma_wait3A_119 = tpu.memref_slice %arg9[%dma_wait3A_117, %dma_wait3A_118] : memref<512x64xf32, #tpu.memory_space<vmem>> -> memref<128x64xf32, #tpu.memory_space<vmem>>
      %dma_wait3A_120 = arith.constant 0 : i32
      %dma_wait3A_121 = tpu.memref_slice %arg7[%add3A_73, %dma_wait3A_120] : memref<80x128xi32, #tpu.memory_space<vmem>> -> memref<1x128xi32, #tpu.memory_space<vmem>>
      %dma_wait3A_122 = tpu.memref_squeeze %dma_wait3A_121 : memref<1x128xi32, #tpu.memory_space<vmem>> -> memref<128xi32, #tpu.memory_space<vmem>>
      %dma_wait3A_123 = arith.constant 0 : i32
      %dma_wait3A_124 = arith.constant 0 : i32
      %dma_wait3A_125 = tpu.memref_slice %arg4[%dma_wait3A_123, %dma_wait3A_124] : memref<20000x64xf32, #tpu.memory_space<hbm>> -> memref<20000x64xf32, #tpu.memory_space<hbm>>
      tpu.wait_indirect_dma semaphore(%arg12 : memref<!tpu.dma_semaphore, #tpu.memory_space<semaphore_mem>>) src(%dma_wait3A_125 : memref<20000x64xf32, #tpu.memory_space<hbm>>) dst(%dma_wait3A_119 : memref<128x64xf32, #tpu.memory_space<vmem>>)
      %dma_wait3A_126 = arith.constant 256 : i32
      %dma_wait3A_127 = arith.constant 0 : i32
      %dma_wait3A_128 = tpu.memref_slice %arg9[%dma_wait3A_126, %dma_wait3A_127] : memref<512x64xf32, #tpu.memory_space<vmem>> -> memref<128x64xf32, #tpu.memory_space<vmem>>
      %dma_wait3A_129 = arith.constant 0 : i32
      %dma_wait3A_130 = tpu.memref_slice %arg7[%add3A_86, %dma_wait3A_129] : memref<80x128xi32, #tpu.memory_space<vmem>> -> memref<1x128xi32, #tpu.memory_space<vmem>>
      %dma_wait3A_131 = tpu.memref_squeeze %dma_wait3A_130 : memref<1x128xi32, #tpu.memory_space<vmem>> -> memref<128xi32, #tpu.memory_space<vmem>>
      %dma_wait3A_132 = arith.constant 0 : i32
      %dma_wait3A_133 = arith.constant 0 : i32
      %dma_wait3A_134 = tpu.memref_slice %arg4[%dma_wait3A_132, %dma_wait3A_133] : memref<20000x64xf32, #tpu.memory_space<hbm>> -> memref<20000x64xf32, #tpu.memory_space<hbm>>
      tpu.wait_indirect_dma semaphore(%arg12 : memref<!tpu.dma_semaphore, #tpu.memory_space<semaphore_mem>>) src(%dma_wait3A_134 : memref<20000x64xf32, #tpu.memory_space<hbm>>) dst(%dma_wait3A_128 : memref<128x64xf32, #tpu.memory_space<vmem>>)
      %dma_wait3A_135 = arith.constant 384 : i32
      %dma_wait3A_136 = arith.constant 0 : i32
      %dma_wait3A_137 = tpu.memref_slice %arg9[%dma_wait3A_135, %dma_wait3A_136] : memref<512x64xf32, #tpu.memory_space<vmem>> -> memref<128x64xf32, #tpu.memory_space<vmem>>
      %dma_wait3A_138 = arith.constant 0 : i32
      %dma_wait3A_139 = tpu.memref_slice %arg7[%add3A_99, %dma_wait3A_138] : memref<80x128xi32, #tpu.memory_space<vmem>> -> memref<1x128xi32, #tpu.memory_space<vmem>>
      %dma_wait3A_140 = tpu.memref_squeeze %dma_wait3A_139 : memref<1x128xi32, #tpu.memory_space<vmem>> -> memref<128xi32, #tpu.memory_space<vmem>>
      %dma_wait3A_141 = arith.constant 0 : i32
      %dma_wait3A_142 = arith.constant 0 : i32
      %dma_wait3A_143 = tpu.memref_slice %arg4[%dma_wait3A_141, %dma_wait3A_142] : memref<20000x64xf32, #tpu.memory_space<hbm>> -> memref<20000x64xf32, #tpu.memory_space<hbm>>
      tpu.wait_indirect_dma semaphore(%arg12 : memref<!tpu.dma_semaphore, #tpu.memory_space<semaphore_mem>>) src(%dma_wait3A_143 : memref<20000x64xf32, #tpu.memory_space<hbm>>) dst(%dma_wait3A_137 : memref<128x64xf32, #tpu.memory_space<vmem>>)
      %mul3A_144 = arith.constant 4 : i32
      %mul3A_145 = arith.muli %scan3A_56, %mul3A_144 : i32
      %add3A_146 = arith.constant 0 : i32
      %add3A_147 = arith.addi %mul3A_145, %add3A_146 : i32
      "tpu.region"() ({
        %run_scoped3A = tpu.sem_alloc : memref<!tpu.dma_semaphore, #tpu.memory_space<semaphore_mem>>
        %dma_start3A_177 = arith.constant 0 : i32
        %dma_start3A_178 = arith.constant 0 : i32
        %dma_start3A_179 = tpu.memref_slice %arg9[%dma_start3A_177, %dma_start3A_178] : memref<512x64xf32, #tpu.memory_space<vmem>> -> memref<128x64xf32, #tpu.memory_space<vmem>>
        %dma_start3A_180 = arith.constant 0 : i32
        %dma_start3A_181 = tpu.memref_slice %arg8[%add3A_147, %dma_start3A_180] : memref<80x128xi32, #tpu.memory_space<vmem>> -> memref<1x128xi32, #tpu.memory_space<vmem>>
        %dma_start3A_182 = tpu.memref_squeeze %dma_start3A_181 : memref<1x128xi32, #tpu.memory_space<vmem>> -> memref<128xi32, #tpu.memory_space<vmem>>
        %dma_start3A_183 = arith.constant 0 : i32
        %dma_start3A_184 = arith.constant 0 : i32
        %dma_start3A_185 = tpu.memref_slice %arg11[%dma_start3A_183, %dma_start3A_184] : memref<10240x64xf32, #tpu.memory_space<vmem_shared>> -> memref<10240x64xf32, #tpu.memory_space<vmem_shared>>
        tpu.enqueue_indirect_dma source(%dma_start3A_179 : memref<128x64xf32, #tpu.memory_space<vmem>>) target(%dma_start3A_185 : memref<10240x64xf32, #tpu.memory_space<vmem_shared>>) offsets(%dma_start3A_182 : memref<128xi32, #tpu.memory_space<vmem>>) semaphore(%run_scoped3A : memref<!tpu.dma_semaphore, #tpu.memory_space<semaphore_mem>>) {add = true}
        %dma_wait3A_186 = arith.constant 0 : i32
        %dma_wait3A_187 = arith.constant 0 : i32
        %dma_wait3A_188 = tpu.memref_slice %arg9[%dma_wait3A_186, %dma_wait3A_187] : memref<512x64xf32, #tpu.memory_space<vmem>> -> memref<128x64xf32, #tpu.memory_space<vmem>>
        %dma_wait3A_189 = arith.constant 0 : i32
        %dma_wait3A_190 = tpu.memref_slice %arg8[%add3A_147, %dma_wait3A_189] : memref<80x128xi32, #tpu.memory_space<vmem>> -> memref<1x128xi32, #tpu.memory_space<vmem>>
        %dma_wait3A_191 = tpu.memref_squeeze %dma_wait3A_190 : memref<1x128xi32, #tpu.memory_space<vmem>> -> memref<128xi32, #tpu.memory_space<vmem>>
        %dma_wait3A_192 = arith.constant 0 : i32
        %dma_wait3A_193 = arith.constant 0 : i32
        %dma_wait3A_194 = tpu.memref_slice %arg11[%dma_wait3A_192, %dma_wait3A_193] : memref<10240x64xf32, #tpu.memory_space<vmem_shared>> -> memref<10240x64xf32, #tpu.memory_space<vmem_shared>>
        tpu.wait_indirect_dma semaphore(%run_scoped3A : memref<!tpu.dma_semaphore, #tpu.memory_space<semaphore_mem>>) src(%dma_wait3A_188 : memref<128x64xf32, #tpu.memory_space<vmem>>) dst(%dma_wait3A_194 : memref<10240x64xf32, #tpu.memory_space<vmem_shared>>)
        tpu.yield
      }) : () -> ()
      %mul3A_148 = arith.constant 4 : i32
      %mul3A_149 = arith.muli %scan3A_56, %mul3A_148 : i32
      %add3A_150 = arith.constant 1 : i32
      %add3A_151 = arith.addi %mul3A_149, %add3A_150 : i32
      "tpu.region"() ({
        %run_scoped3A = tpu.sem_alloc : memref<!tpu.dma_semaphore, #tpu.memory_space<semaphore_mem>>
        %dma_start3A_177 = arith.constant 128 : i32
        %dma_start3A_178 = arith.constant 0 : i32
        %dma_start3A_179 = tpu.memref_slice %arg9[%dma_start3A_177, %dma_start3A_178] : memref<512x64xf32, #tpu.memory_space<vmem>> -> memref<128x64xf32, #tpu.memory_space<vmem>>
        %dma_start3A_180 = arith.constant 0 : i32
        %dma_start3A_181 = tpu.memref_slice %arg8[%add3A_151, %dma_start3A_180] : memref<80x128xi32, #tpu.memory_space<vmem>> -> memref<1x128xi32, #tpu.memory_space<vmem>>
        %dma_start3A_182 = tpu.memref_squeeze %dma_start3A_181 : memref<1x128xi32, #tpu.memory_space<vmem>> -> memref<128xi32, #tpu.memory_space<vmem>>
        %dma_start3A_183 = arith.constant 0 : i32
        %dma_start3A_184 = arith.constant 0 : i32
        %dma_start3A_185 = tpu.memref_slice %arg11[%dma_start3A_183, %dma_start3A_184] : memref<10240x64xf32, #tpu.memory_space<vmem_shared>> -> memref<10240x64xf32, #tpu.memory_space<vmem_shared>>
        tpu.enqueue_indirect_dma source(%dma_start3A_179 : memref<128x64xf32, #tpu.memory_space<vmem>>) target(%dma_start3A_185 : memref<10240x64xf32, #tpu.memory_space<vmem_shared>>) offsets(%dma_start3A_182 : memref<128xi32, #tpu.memory_space<vmem>>) semaphore(%run_scoped3A : memref<!tpu.dma_semaphore, #tpu.memory_space<semaphore_mem>>) {add = true}
        %dma_wait3A_186 = arith.constant 128 : i32
        %dma_wait3A_187 = arith.constant 0 : i32
        %dma_wait3A_188 = tpu.memref_slice %arg9[%dma_wait3A_186, %dma_wait3A_187] : memref<512x64xf32, #tpu.memory_space<vmem>> -> memref<128x64xf32, #tpu.memory_space<vmem>>
        %dma_wait3A_189 = arith.constant 0 : i32
        %dma_wait3A_190 = tpu.memref_slice %arg8[%add3A_151, %dma_wait3A_189] : memref<80x128xi32, #tpu.memory_space<vmem>> -> memref<1x128xi32, #tpu.memory_space<vmem>>
        %dma_wait3A_191 = tpu.memref_squeeze %dma_wait3A_190 : memref<1x128xi32, #tpu.memory_space<vmem>> -> memref<128xi32, #tpu.memory_space<vmem>>
        %dma_wait3A_192 = arith.constant 0 : i32
        %dma_wait3A_193 = arith.constant 0 : i32
        %dma_wait3A_194 = tpu.memref_slice %arg11[%dma_wait3A_192, %dma_wait3A_193] : memref<10240x64xf32, #tpu.memory_space<vmem_shared>> -> memref<10240x64xf32, #tpu.memory_space<vmem_shared>>
        tpu.wait_indirect_dma semaphore(%run_scoped3A : memref<!tpu.dma_semaphore, #tpu.memory_space<semaphore_mem>>) src(%dma_wait3A_188 : memref<128x64xf32, #tpu.memory_space<vmem>>) dst(%dma_wait3A_194 : memref<10240x64xf32, #tpu.memory_space<vmem_shared>>)
        tpu.yield
      }) : () -> ()
      %mul3A_152 = arith.constant 4 : i32
      %mul3A_153 = arith.muli %scan3A_56, %mul3A_152 : i32
      %add3A_154 = arith.constant 2 : i32
      %add3A_155 = arith.addi %mul3A_153, %add3A_154 : i32
      "tpu.region"() ({
        %run_scoped3A = tpu.sem_alloc : memref<!tpu.dma_semaphore, #tpu.memory_space<semaphore_mem>>
        %dma_start3A_177 = arith.constant 256 : i32
        %dma_start3A_178 = arith.constant 0 : i32
        %dma_start3A_179 = tpu.memref_slice %arg9[%dma_start3A_177, %dma_start3A_178] : memref<512x64xf32, #tpu.memory_space<vmem>> -> memref<128x64xf32, #tpu.memory_space<vmem>>
        %dma_start3A_180 = arith.constant 0 : i32
        %dma_start3A_181 = tpu.memref_slice %arg8[%add3A_155, %dma_start3A_180] : memref<80x128xi32, #tpu.memory_space<vmem>> -> memref<1x128xi32, #tpu.memory_space<vmem>>
        %dma_start3A_182 = tpu.memref_squeeze %dma_start3A_181 : memref<1x128xi32, #tpu.memory_space<vmem>> -> memref<128xi32, #tpu.memory_space<vmem>>
        %dma_start3A_183 = arith.constant 0 : i32
        %dma_start3A_184 = arith.constant 0 : i32
        %dma_start3A_185 = tpu.memref_slice %arg11[%dma_start3A_183, %dma_start3A_184] : memref<10240x64xf32, #tpu.memory_space<vmem_shared>> -> memref<10240x64xf32, #tpu.memory_space<vmem_shared>>
        tpu.enqueue_indirect_dma source(%dma_start3A_179 : memref<128x64xf32, #tpu.memory_space<vmem>>) target(%dma_start3A_185 : memref<10240x64xf32, #tpu.memory_space<vmem_shared>>) offsets(%dma_start3A_182 : memref<128xi32, #tpu.memory_space<vmem>>) semaphore(%run_scoped3A : memref<!tpu.dma_semaphore, #tpu.memory_space<semaphore_mem>>) {add = true}
        %dma_wait3A_186 = arith.constant 256 : i32
        %dma_wait3A_187 = arith.constant 0 : i32
        %dma_wait3A_188 = tpu.memref_slice %arg9[%dma_wait3A_186, %dma_wait3A_187] : memref<512x64xf32, #tpu.memory_space<vmem>> -> memref<128x64xf32, #tpu.memory_space<vmem>>
        %dma_wait3A_189 = arith.constant 0 : i32
        %dma_wait3A_190 = tpu.memref_slice %arg8[%add3A_155, %dma_wait3A_189] : memref<80x128xi32, #tpu.memory_space<vmem>> -> memref<1x128xi32, #tpu.memory_space<vmem>>
        %dma_wait3A_191 = tpu.memref_squeeze %dma_wait3A_190 : memref<1x128xi32, #tpu.memory_space<vmem>> -> memref<128xi32, #tpu.memory_space<vmem>>
        %dma_wait3A_192 = arith.constant 0 : i32
        %dma_wait3A_193 = arith.constant 0 : i32
        %dma_wait3A_194 = tpu.memref_slice %arg11[%dma_wait3A_192, %dma_wait3A_193] : memref<10240x64xf32, #tpu.memory_space<vmem_shared>> -> memref<10240x64xf32, #tpu.memory_space<vmem_shared>>
        tpu.wait_indirect_dma semaphore(%run_scoped3A : memref<!tpu.dma_semaphore, #tpu.memory_space<semaphore_mem>>) src(%dma_wait3A_188 : memref<128x64xf32, #tpu.memory_space<vmem>>) dst(%dma_wait3A_194 : memref<10240x64xf32, #tpu.memory_space<vmem_shared>>)
        tpu.yield
      }) : () -> ()
      %mul3A_156 = arith.constant 4 : i32
      %mul3A_157 = arith.muli %scan3A_56, %mul3A_156 : i32
      %add3A_158 = arith.constant 3 : i32
      %add3A_159 = arith.addi %mul3A_157, %add3A_158 : i32
      "tpu.region"() ({
        %run_scoped3A = tpu.sem_alloc : memref<!tpu.dma_semaphore, #tpu.memory_space<semaphore_mem>>
        %dma_start3A_177 = arith.constant 384 : i32
        %dma_start3A_178 = arith.constant 0 : i32
        %dma_start3A_179 = tpu.memref_slice %arg9[%dma_start3A_177, %dma_start3A_178] : memref<512x64xf32, #tpu.memory_space<vmem>> -> memref<128x64xf32, #tpu.memory_space<vmem>>
        %dma_start3A_180 = arith.constant 0 : i32
        %dma_start3A_181 = tpu.memref_slice %arg8[%add3A_159, %dma_start3A_180] : memref<80x128xi32, #tpu.memory_space<vmem>> -> memref<1x128xi32, #tpu.memory_space<vmem>>
        %dma_start3A_182 = tpu.memref_squeeze %dma_start3A_181 : memref<1x128xi32, #tpu.memory_space<vmem>> -> memref<128xi32, #tpu.memory_space<vmem>>
        %dma_start3A_183 = arith.constant 0 : i32
        %dma_start3A_184 = arith.constant 0 : i32
        %dma_start3A_185 = tpu.memref_slice %arg11[%dma_start3A_183, %dma_start3A_184] : memref<10240x64xf32, #tpu.memory_space<vmem_shared>> -> memref<10240x64xf32, #tpu.memory_space<vmem_shared>>
        tpu.enqueue_indirect_dma source(%dma_start3A_179 : memref<128x64xf32, #tpu.memory_space<vmem>>) target(%dma_start3A_185 : memref<10240x64xf32, #tpu.memory_space<vmem_shared>>) offsets(%dma_start3A_182 : memref<128xi32, #tpu.memory_space<vmem>>) semaphore(%run_scoped3A : memref<!tpu.dma_semaphore, #tpu.memory_space<semaphore_mem>>) {add = true}
        %dma_wait3A_186 = arith.constant 384 : i32
        %dma_wait3A_187 = arith.constant 0 : i32
        %dma_wait3A_188 = tpu.memref_slice %arg9[%dma_wait3A_186, %dma_wait3A_187] : memref<512x64xf32, #tpu.memory_space<vmem>> -> memref<128x64xf32, #tpu.memory_space<vmem>>
        %dma_wait3A_189 = arith.constant 0 : i32
        %dma_wait3A_190 = tpu.memref_slice %arg8[%add3A_159, %dma_wait3A_189] : memref<80x128xi32, #tpu.memory_space<vmem>> -> memref<1x128xi32, #tpu.memory_space<vmem>>
        %dma_wait3A_191 = tpu.memref_squeeze %dma_wait3A_190 : memref<1x128xi32, #tpu.memory_space<vmem>> -> memref<128xi32, #tpu.memory_space<vmem>>
        %dma_wait3A_192 = arith.constant 0 : i32
        %dma_wait3A_193 = arith.constant 0 : i32
        %dma_wait3A_194 = tpu.memref_slice %arg11[%dma_wait3A_192, %dma_wait3A_193] : memref<10240x64xf32, #tpu.memory_space<vmem_shared>> -> memref<10240x64xf32, #tpu.memory_space<vmem_shared>>
        tpu.wait_indirect_dma semaphore(%run_scoped3A : memref<!tpu.dma_semaphore, #tpu.memory_space<semaphore_mem>>) src(%dma_wait3A_188 : memref<128x64xf32, #tpu.memory_space<vmem>>) dst(%dma_wait3A_194 : memref<10240x64xf32, #tpu.memory_space<vmem_shared>>)
        tpu.yield
      }) : () -> ()
      %mul3A_160 = arith.constant 4 : i32
      %mul3A_161 = arith.muli %scan3A_56, %mul3A_160 : i32
      %add3A_162 = arith.constant 0 : i32
      %add3A_163 = arith.addi %mul3A_161, %add3A_162 : i32
      "tpu.region"() ({
        %run_scoped3A = tpu.sem_alloc : memref<!tpu.dma_semaphore, #tpu.memory_space<semaphore_mem>>
        %dma_start3A_177 = arith.constant 0 : i32
        %dma_start3A_178 = tpu.memref_slice %arg8[%add3A_163, %dma_start3A_177] : memref<80x128xi32, #tpu.memory_space<vmem>> -> memref<1x128xi32, #tpu.memory_space<vmem>>
        %dma_start3A_179 = tpu.memref_squeeze %dma_start3A_178 : memref<1x128xi32, #tpu.memory_space<vmem>> -> memref<128xi32, #tpu.memory_space<vmem>>
        %dma_start3A_180 = arith.constant 0 : i32
        %dma_start3A_181 = arith.constant 0 : i32
        %dma_start3A_182 = tpu.memref_slice %arg15[%dma_start3A_180, %dma_start3A_181] : memref<10240x16xf32, #tpu.memory_space<vmem_shared>> -> memref<10240x16xf32, #tpu.memory_space<vmem_shared>>
        tpu.enqueue_indirect_dma source(%arg13 : memref<128x16xf32, #tpu.memory_space<vmem>>) target(%dma_start3A_182 : memref<10240x16xf32, #tpu.memory_space<vmem_shared>>) offsets(%dma_start3A_179 : memref<128xi32, #tpu.memory_space<vmem>>) semaphore(%run_scoped3A : memref<!tpu.dma_semaphore, #tpu.memory_space<semaphore_mem>>) {add = true}
        %dma_wait3A_183 = arith.constant 0 : i32
        %dma_wait3A_184 = tpu.memref_slice %arg8[%add3A_163, %dma_wait3A_183] : memref<80x128xi32, #tpu.memory_space<vmem>> -> memref<1x128xi32, #tpu.memory_space<vmem>>
        %dma_wait3A_185 = tpu.memref_squeeze %dma_wait3A_184 : memref<1x128xi32, #tpu.memory_space<vmem>> -> memref<128xi32, #tpu.memory_space<vmem>>
        %dma_wait3A_186 = arith.constant 0 : i32
        %dma_wait3A_187 = arith.constant 0 : i32
        %dma_wait3A_188 = tpu.memref_slice %arg15[%dma_wait3A_186, %dma_wait3A_187] : memref<10240x16xf32, #tpu.memory_space<vmem_shared>> -> memref<10240x16xf32, #tpu.memory_space<vmem_shared>>
        tpu.wait_indirect_dma semaphore(%run_scoped3A : memref<!tpu.dma_semaphore, #tpu.memory_space<semaphore_mem>>) src(%arg13 : memref<128x16xf32, #tpu.memory_space<vmem>>) dst(%dma_wait3A_188 : memref<10240x16xf32, #tpu.memory_space<vmem_shared>>)
        tpu.yield
      }) : () -> ()
      %mul3A_164 = arith.constant 4 : i32
      %mul3A_165 = arith.muli %scan3A_56, %mul3A_164 : i32
      %add3A_166 = arith.constant 1 : i32
      %add3A_167 = arith.addi %mul3A_165, %add3A_166 : i32
      "tpu.region"() ({
        %run_scoped3A = tpu.sem_alloc : memref<!tpu.dma_semaphore, #tpu.memory_space<semaphore_mem>>
        %dma_start3A_177 = arith.constant 0 : i32
        %dma_start3A_178 = tpu.memref_slice %arg8[%add3A_167, %dma_start3A_177] : memref<80x128xi32, #tpu.memory_space<vmem>> -> memref<1x128xi32, #tpu.memory_space<vmem>>
        %dma_start3A_179 = tpu.memref_squeeze %dma_start3A_178 : memref<1x128xi32, #tpu.memory_space<vmem>> -> memref<128xi32, #tpu.memory_space<vmem>>
        %dma_start3A_180 = arith.constant 0 : i32
        %dma_start3A_181 = arith.constant 0 : i32
        %dma_start3A_182 = tpu.memref_slice %arg15[%dma_start3A_180, %dma_start3A_181] : memref<10240x16xf32, #tpu.memory_space<vmem_shared>> -> memref<10240x16xf32, #tpu.memory_space<vmem_shared>>
        tpu.enqueue_indirect_dma source(%arg13 : memref<128x16xf32, #tpu.memory_space<vmem>>) target(%dma_start3A_182 : memref<10240x16xf32, #tpu.memory_space<vmem_shared>>) offsets(%dma_start3A_179 : memref<128xi32, #tpu.memory_space<vmem>>) semaphore(%run_scoped3A : memref<!tpu.dma_semaphore, #tpu.memory_space<semaphore_mem>>) {add = true}
        %dma_wait3A_183 = arith.constant 0 : i32
        %dma_wait3A_184 = tpu.memref_slice %arg8[%add3A_167, %dma_wait3A_183] : memref<80x128xi32, #tpu.memory_space<vmem>> -> memref<1x128xi32, #tpu.memory_space<vmem>>
        %dma_wait3A_185 = tpu.memref_squeeze %dma_wait3A_184 : memref<1x128xi32, #tpu.memory_space<vmem>> -> memref<128xi32, #tpu.memory_space<vmem>>
        %dma_wait3A_186 = arith.constant 0 : i32
        %dma_wait3A_187 = arith.constant 0 : i32
        %dma_wait3A_188 = tpu.memref_slice %arg15[%dma_wait3A_186, %dma_wait3A_187] : memref<10240x16xf32, #tpu.memory_space<vmem_shared>> -> memref<10240x16xf32, #tpu.memory_space<vmem_shared>>
        tpu.wait_indirect_dma semaphore(%run_scoped3A : memref<!tpu.dma_semaphore, #tpu.memory_space<semaphore_mem>>) src(%arg13 : memref<128x16xf32, #tpu.memory_space<vmem>>) dst(%dma_wait3A_188 : memref<10240x16xf32, #tpu.memory_space<vmem_shared>>)
        tpu.yield
      }) : () -> ()
      %mul3A_168 = arith.constant 4 : i32
      %mul3A_169 = arith.muli %scan3A_56, %mul3A_168 : i32
      %add3A_170 = arith.constant 2 : i32
      %add3A_171 = arith.addi %mul3A_169, %add3A_170 : i32
      "tpu.region"() ({
        %run_scoped3A = tpu.sem_alloc : memref<!tpu.dma_semaphore, #tpu.memory_space<semaphore_mem>>
        %dma_start3A_177 = arith.constant 0 : i32
        %dma_start3A_178 = tpu.memref_slice %arg8[%add3A_171, %dma_start3A_177] : memref<80x128xi32, #tpu.memory_space<vmem>> -> memref<1x128xi32, #tpu.memory_space<vmem>>
        %dma_start3A_179 = tpu.memref_squeeze %dma_start3A_178 : memref<1x128xi32, #tpu.memory_space<vmem>> -> memref<128xi32, #tpu.memory_space<vmem>>
        %dma_start3A_180 = arith.constant 0 : i32
        %dma_start3A_181 = arith.constant 0 : i32
        %dma_start3A_182 = tpu.memref_slice %arg15[%dma_start3A_180, %dma_start3A_181] : memref<10240x16xf32, #tpu.memory_space<vmem_shared>> -> memref<10240x16xf32, #tpu.memory_space<vmem_shared>>
        tpu.enqueue_indirect_dma source(%arg13 : memref<128x16xf32, #tpu.memory_space<vmem>>) target(%dma_start3A_182 : memref<10240x16xf32, #tpu.memory_space<vmem_shared>>) offsets(%dma_start3A_179 : memref<128xi32, #tpu.memory_space<vmem>>) semaphore(%run_scoped3A : memref<!tpu.dma_semaphore, #tpu.memory_space<semaphore_mem>>) {add = true}
        %dma_wait3A_183 = arith.constant 0 : i32
        %dma_wait3A_184 = tpu.memref_slice %arg8[%add3A_171, %dma_wait3A_183] : memref<80x128xi32, #tpu.memory_space<vmem>> -> memref<1x128xi32, #tpu.memory_space<vmem>>
        %dma_wait3A_185 = tpu.memref_squeeze %dma_wait3A_184 : memref<1x128xi32, #tpu.memory_space<vmem>> -> memref<128xi32, #tpu.memory_space<vmem>>
        %dma_wait3A_186 = arith.constant 0 : i32
        %dma_wait3A_187 = arith.constant 0 : i32
        %dma_wait3A_188 = tpu.memref_slice %arg15[%dma_wait3A_186, %dma_wait3A_187] : memref<10240x16xf32, #tpu.memory_space<vmem_shared>> -> memref<10240x16xf32, #tpu.memory_space<vmem_shared>>
        tpu.wait_indirect_dma semaphore(%run_scoped3A : memref<!tpu.dma_semaphore, #tpu.memory_space<semaphore_mem>>) src(%arg13 : memref<128x16xf32, #tpu.memory_space<vmem>>) dst(%dma_wait3A_188 : memref<10240x16xf32, #tpu.memory_space<vmem_shared>>)
        tpu.yield
      }) : () -> ()
      %mul3A_172 = arith.constant 4 : i32
      %mul3A_173 = arith.muli %scan3A_56, %mul3A_172 : i32
      %add3A_174 = arith.constant 3 : i32
      %add3A_175 = arith.addi %mul3A_173, %add3A_174 : i32
      "tpu.region"() ({
        %run_scoped3A = tpu.sem_alloc : memref<!tpu.dma_semaphore, #tpu.memory_space<semaphore_mem>>
        %dma_start3A_177 = arith.constant 0 : i32
        %dma_start3A_178 = tpu.memref_slice %arg8[%add3A_175, %dma_start3A_177] : memref<80x128xi32, #tpu.memory_space<vmem>> -> memref<1x128xi32, #tpu.memory_space<vmem>>
        %dma_start3A_179 = tpu.memref_squeeze %dma_start3A_178 : memref<1x128xi32, #tpu.memory_space<vmem>> -> memref<128xi32, #tpu.memory_space<vmem>>
        %dma_start3A_180 = arith.constant 0 : i32
        %dma_start3A_181 = arith.constant 0 : i32
        %dma_start3A_182 = tpu.memref_slice %arg15[%dma_start3A_180, %dma_start3A_181] : memref<10240x16xf32, #tpu.memory_space<vmem_shared>> -> memref<10240x16xf32, #tpu.memory_space<vmem_shared>>
        tpu.enqueue_indirect_dma source(%arg13 : memref<128x16xf32, #tpu.memory_space<vmem>>) target(%dma_start3A_182 : memref<10240x16xf32, #tpu.memory_space<vmem_shared>>) offsets(%dma_start3A_179 : memref<128xi32, #tpu.memory_space<vmem>>) semaphore(%run_scoped3A : memref<!tpu.dma_semaphore, #tpu.memory_space<semaphore_mem>>) {add = true}
        %dma_wait3A_183 = arith.constant 0 : i32
        %dma_wait3A_184 = tpu.memref_slice %arg8[%add3A_175, %dma_wait3A_183] : memref<80x128xi32, #tpu.memory_space<vmem>> -> memref<1x128xi32, #tpu.memory_space<vmem>>
        %dma_wait3A_185 = tpu.memref_squeeze %dma_wait3A_184 : memref<1x128xi32, #tpu.memory_space<vmem>> -> memref<128xi32, #tpu.memory_space<vmem>>
        %dma_wait3A_186 = arith.constant 0 : i32
        %dma_wait3A_187 = arith.constant 0 : i32
        %dma_wait3A_188 = tpu.memref_slice %arg15[%dma_wait3A_186, %dma_wait3A_187] : memref<10240x16xf32, #tpu.memory_space<vmem_shared>> -> memref<10240x16xf32, #tpu.memory_space<vmem_shared>>
        tpu.wait_indirect_dma semaphore(%run_scoped3A : memref<!tpu.dma_semaphore, #tpu.memory_space<semaphore_mem>>) src(%arg13 : memref<128x16xf32, #tpu.memory_space<vmem>>) dst(%dma_wait3A_188 : memref<10240x16xf32, #tpu.memory_space<vmem_shared>>)
        tpu.yield
      }) : () -> ()
      %scan3A_176 = arith.constant 0 : i32
      scf.yield %scan3A_176 : i32
    }
    %scan3A_45 = arith.constant 20 : i32
    "tpu.region"() ({
      %run_scoped3A = tpu.sem_alloc : memref<!tpu.dma_semaphore, #tpu.memory_space<semaphore_mem>>
      %dma_start3A = arith.constant 80 : i32
      %dma_start3A_56 = arith.constant 0 : i32
      %dma_start3A_57 = tpu.memref_slice %arg2[%arg0, %arg1, %dma_start3A, %dma_start3A_56] : memref<2x16x160x128xi32, #tpu.memory_space<hbm>> -> memref<1x1x80x128xi32, #tpu.memory_space<hbm>>
      %dma_start3A_58 = tpu.memref_squeeze %dma_start3A_57 : memref<1x1x80x128xi32, #tpu.memory_space<hbm>> -> memref<80x128xi32, #tpu.memory_space<hbm>>
      %dma_start3A_59 = arith.constant 80 : i32
      %dma_start3A_60 = arith.constant 0 : i32
      %dma_start3A_61 = tpu.memref_slice %arg2[%arg0, %arg1, %dma_start3A_59, %dma_start3A_60] : memref<2x16x160x128xi32, #tpu.memory_space<hbm>> -> memref<1x1x80x128xi32, #tpu.memory_space<hbm>>
      %dma_start3A_62 = tpu.memref_squeeze %dma_start3A_61 : memref<1x1x80x128xi32, #tpu.memory_space<hbm>> -> memref<80x128xi32, #tpu.memory_space<hbm>>
      tpu.enqueue_dma source(%dma_start3A_62 : memref<80x128xi32, #tpu.memory_space<hbm>>) target(%arg7 : memref<80x128xi32, #tpu.memory_space<vmem>>) target_semaphore(%run_scoped3A : memref<!tpu.dma_semaphore, #tpu.memory_space<semaphore_mem>>)
      %dma_wait3A = arith.constant 80 : i32
      %dma_wait3A_63 = arith.constant 0 : i32
      %dma_wait3A_64 = tpu.memref_slice %arg2[%arg0, %arg1, %dma_wait3A, %dma_wait3A_63] : memref<2x16x160x128xi32, #tpu.memory_space<hbm>> -> memref<1x1x80x128xi32, #tpu.memory_space<hbm>>
      %dma_wait3A_65 = tpu.memref_squeeze %dma_wait3A_64 : memref<1x1x80x128xi32, #tpu.memory_space<hbm>> -> memref<80x128xi32, #tpu.memory_space<hbm>>
      %dma_wait3A_66 = arith.constant 80 : i32
      %dma_wait3A_67 = arith.constant 0 : i32
      %dma_wait3A_68 = tpu.memref_slice %arg2[%arg0, %arg1, %dma_wait3A_66, %dma_wait3A_67] : memref<2x16x160x128xi32, #tpu.memory_space<hbm>> -> memref<1x1x80x128xi32, #tpu.memory_space<hbm>>
      %dma_wait3A_69 = tpu.memref_squeeze %dma_wait3A_68 : memref<1x1x80x128xi32, #tpu.memory_space<hbm>> -> memref<80x128xi32, #tpu.memory_space<hbm>>
      tpu.wait_dma2 semaphore(%run_scoped3A : memref<!tpu.dma_semaphore, #tpu.memory_space<semaphore_mem>>) src(%dma_wait3A_69 : memref<80x128xi32, #tpu.memory_space<hbm>>) dst(%arg7 : memref<80x128xi32, #tpu.memory_space<vmem>>)
      tpu.yield
    }) : () -> ()
    "tpu.region"() ({
      %run_scoped3A = tpu.sem_alloc : memref<!tpu.dma_semaphore, #tpu.memory_space<semaphore_mem>>
      %dma_start3A = arith.constant 80 : i32
      %dma_start3A_56 = arith.constant 0 : i32
      %dma_start3A_57 = tpu.memref_slice %arg3[%arg1, %dma_start3A, %dma_start3A_56] : memref<16x160x128xi32, #tpu.memory_space<hbm>> -> memref<1x80x128xi32, #tpu.memory_space<hbm>>
      %dma_start3A_58 = tpu.memref_squeeze %dma_start3A_57 : memref<1x80x128xi32, #tpu.memory_space<hbm>> -> memref<80x128xi32, #tpu.memory_space<hbm>>
      %dma_start3A_59 = arith.constant 80 : i32
      %dma_start3A_60 = arith.constant 0 : i32
      %dma_start3A_61 = tpu.memref_slice %arg3[%arg1, %dma_start3A_59, %dma_start3A_60] : memref<16x160x128xi32, #tpu.memory_space<hbm>> -> memref<1x80x128xi32, #tpu.memory_space<hbm>>
      %dma_start3A_62 = tpu.memref_squeeze %dma_start3A_61 : memref<1x80x128xi32, #tpu.memory_space<hbm>> -> memref<80x128xi32, #tpu.memory_space<hbm>>
      tpu.enqueue_dma source(%dma_start3A_62 : memref<80x128xi32, #tpu.memory_space<hbm>>) target(%arg8 : memref<80x128xi32, #tpu.memory_space<vmem>>) target_semaphore(%run_scoped3A : memref<!tpu.dma_semaphore, #tpu.memory_space<semaphore_mem>>)
      %dma_wait3A = arith.constant 80 : i32
      %dma_wait3A_63 = arith.constant 0 : i32
      %dma_wait3A_64 = tpu.memref_slice %arg3[%arg1, %dma_wait3A, %dma_wait3A_63] : memref<16x160x128xi32, #tpu.memory_space<hbm>> -> memref<1x80x128xi32, #tpu.memory_space<hbm>>
      %dma_wait3A_65 = tpu.memref_squeeze %dma_wait3A_64 : memref<1x80x128xi32, #tpu.memory_space<hbm>> -> memref<80x128xi32, #tpu.memory_space<hbm>>
      %dma_wait3A_66 = arith.constant 80 : i32
      %dma_wait3A_67 = arith.constant 0 : i32
      %dma_wait3A_68 = tpu.memref_slice %arg3[%arg1, %dma_wait3A_66, %dma_wait3A_67] : memref<16x160x128xi32, #tpu.memory_space<hbm>> -> memref<1x80x128xi32, #tpu.memory_space<hbm>>
      %dma_wait3A_69 = tpu.memref_squeeze %dma_wait3A_68 : memref<1x80x128xi32, #tpu.memory_space<hbm>> -> memref<80x128xi32, #tpu.memory_space<hbm>>
      tpu.wait_dma2 semaphore(%run_scoped3A : memref<!tpu.dma_semaphore, #tpu.memory_space<semaphore_mem>>) src(%dma_wait3A_69 : memref<80x128xi32, #tpu.memory_space<hbm>>) dst(%arg8 : memref<80x128xi32, #tpu.memory_space<vmem>>)
      tpu.yield
    }) : () -> ()
    %scan3A_46 = arith.constant 0 : i32
    %scan3A_47 = arith.constant 0 : i32
    %scan3A_48 = arith.constant 20 : i32
    %scan3A_49 = arith.addi %scan3A_47, %scan3A_48 : i32
    %scan3A_50 = arith.constant 1 : i32
    %scan3A_51 = scf.for %scan3A_56 = %scan3A_47 to %scan3A_49 step %scan3A_50 iter_args(%scan3A_57 = %scan3A_46) -> (i32)  : i32 {
      %mul3A_58 = arith.constant 4 : i32
      %mul3A_59 = arith.muli %scan3A_56, %mul3A_58 : i32
      %add3A_60 = arith.constant 0 : i32
      %add3A_61 = arith.addi %mul3A_59, %add3A_60 : i32
      %dma_start3A = arith.constant 0 : i32
      %dma_start3A_62 = arith.constant 0 : i32
      %dma_start3A_63 = tpu.memref_slice %arg9[%dma_start3A, %dma_start3A_62] : memref<512x64xf32, #tpu.memory_space<vmem>> -> memref<128x64xf32, #tpu.memory_space<vmem>>
      %dma_start3A_64 = arith.constant 0 : i32
      %dma_start3A_65 = tpu.memref_slice %arg7[%add3A_61, %dma_start3A_64] : memref<80x128xi32, #tpu.memory_space<vmem>> -> memref<1x128xi32, #tpu.memory_space<vmem>>
      %dma_start3A_66 = tpu.memref_squeeze %dma_start3A_65 : memref<1x128xi32, #tpu.memory_space<vmem>> -> memref<128xi32, #tpu.memory_space<vmem>>
      %dma_start3A_67 = arith.constant 0 : i32
      %dma_start3A_68 = arith.constant 0 : i32
      %dma_start3A_69 = tpu.memref_slice %arg4[%dma_start3A_67, %dma_start3A_68] : memref<20000x64xf32, #tpu.memory_space<hbm>> -> memref<20000x64xf32, #tpu.memory_space<hbm>>
      tpu.enqueue_indirect_dma source(%dma_start3A_69 : memref<20000x64xf32, #tpu.memory_space<hbm>>) target(%dma_start3A_63 : memref<128x64xf32, #tpu.memory_space<vmem>>) offsets(%dma_start3A_66 : memref<128xi32, #tpu.memory_space<vmem>>) semaphore(%arg12 : memref<!tpu.dma_semaphore, #tpu.memory_space<semaphore_mem>>)
      %mul3A_70 = arith.constant 4 : i32
      %mul3A_71 = arith.muli %scan3A_56, %mul3A_70 : i32
      %add3A_72 = arith.constant 1 : i32
      %add3A_73 = arith.addi %mul3A_71, %add3A_72 : i32
      %dma_start3A_74 = arith.constant 128 : i32
      %dma_start3A_75 = arith.constant 0 : i32
      %dma_start3A_76 = tpu.memref_slice %arg9[%dma_start3A_74, %dma_start3A_75] : memref<512x64xf32, #tpu.memory_space<vmem>> -> memref<128x64xf32, #tpu.memory_space<vmem>>
      %dma_start3A_77 = arith.constant 0 : i32
      %dma_start3A_78 = tpu.memref_slice %arg7[%add3A_73, %dma_start3A_77] : memref<80x128xi32, #tpu.memory_space<vmem>> -> memref<1x128xi32, #tpu.memory_space<vmem>>
      %dma_start3A_79 = tpu.memref_squeeze %dma_start3A_78 : memref<1x128xi32, #tpu.memory_space<vmem>> -> memref<128xi32, #tpu.memory_space<vmem>>
      %dma_start3A_80 = arith.constant 0 : i32
      %dma_start3A_81 = arith.constant 0 : i32
      %dma_start3A_82 = tpu.memref_slice %arg4[%dma_start3A_80, %dma_start3A_81] : memref<20000x64xf32, #tpu.memory_space<hbm>> -> memref<20000x64xf32, #tpu.memory_space<hbm>>
      tpu.enqueue_indirect_dma source(%dma_start3A_82 : memref<20000x64xf32, #tpu.memory_space<hbm>>) target(%dma_start3A_76 : memref<128x64xf32, #tpu.memory_space<vmem>>) offsets(%dma_start3A_79 : memref<128xi32, #tpu.memory_space<vmem>>) semaphore(%arg12 : memref<!tpu.dma_semaphore, #tpu.memory_space<semaphore_mem>>)
      %mul3A_83 = arith.constant 4 : i32
      %mul3A_84 = arith.muli %scan3A_56, %mul3A_83 : i32
      %add3A_85 = arith.constant 2 : i32
      %add3A_86 = arith.addi %mul3A_84, %add3A_85 : i32
      %dma_start3A_87 = arith.constant 256 : i32
      %dma_start3A_88 = arith.constant 0 : i32
      %dma_start3A_89 = tpu.memref_slice %arg9[%dma_start3A_87, %dma_start3A_88] : memref<512x64xf32, #tpu.memory_space<vmem>> -> memref<128x64xf32, #tpu.memory_space<vmem>>
      %dma_start3A_90 = arith.constant 0 : i32
      %dma_start3A_91 = tpu.memref_slice %arg7[%add3A_86, %dma_start3A_90] : memref<80x128xi32, #tpu.memory_space<vmem>> -> memref<1x128xi32, #tpu.memory_space<vmem>>
      %dma_start3A_92 = tpu.memref_squeeze %dma_start3A_91 : memref<1x128xi32, #tpu.memory_space<vmem>> -> memref<128xi32, #tpu.memory_space<vmem>>
      %dma_start3A_93 = arith.constant 0 : i32
      %dma_start3A_94 = arith.constant 0 : i32
      %dma_start3A_95 = tpu.memref_slice %arg4[%dma_start3A_93, %dma_start3A_94] : memref<20000x64xf32, #tpu.memory_space<hbm>> -> memref<20000x64xf32, #tpu.memory_space<hbm>>
      tpu.enqueue_indirect_dma source(%dma_start3A_95 : memref<20000x64xf32, #tpu.memory_space<hbm>>) target(%dma_start3A_89 : memref<128x64xf32, #tpu.memory_space<vmem>>) offsets(%dma_start3A_92 : memref<128xi32, #tpu.memory_space<vmem>>) semaphore(%arg12 : memref<!tpu.dma_semaphore, #tpu.memory_space<semaphore_mem>>)
      %mul3A_96 = arith.constant 4 : i32
      %mul3A_97 = arith.muli %scan3A_56, %mul3A_96 : i32
      %add3A_98 = arith.constant 3 : i32
      %add3A_99 = arith.addi %mul3A_97, %add3A_98 : i32
      %dma_start3A_100 = arith.constant 384 : i32
      %dma_start3A_101 = arith.constant 0 : i32
      %dma_start3A_102 = tpu.memref_slice %arg9[%dma_start3A_100, %dma_start3A_101] : memref<512x64xf32, #tpu.memory_space<vmem>> -> memref<128x64xf32, #tpu.memory_space<vmem>>
      %dma_start3A_103 = arith.constant 0 : i32
      %dma_start3A_104 = tpu.memref_slice %arg7[%add3A_99, %dma_start3A_103] : memref<80x128xi32, #tpu.memory_space<vmem>> -> memref<1x128xi32, #tpu.memory_space<vmem>>
      %dma_start3A_105 = tpu.memref_squeeze %dma_start3A_104 : memref<1x128xi32, #tpu.memory_space<vmem>> -> memref<128xi32, #tpu.memory_space<vmem>>
      %dma_start3A_106 = arith.constant 0 : i32
      %dma_start3A_107 = arith.constant 0 : i32
      %dma_start3A_108 = tpu.memref_slice %arg4[%dma_start3A_106, %dma_start3A_107] : memref<20000x64xf32, #tpu.memory_space<hbm>> -> memref<20000x64xf32, #tpu.memory_space<hbm>>
      tpu.enqueue_indirect_dma source(%dma_start3A_108 : memref<20000x64xf32, #tpu.memory_space<hbm>>) target(%dma_start3A_102 : memref<128x64xf32, #tpu.memory_space<vmem>>) offsets(%dma_start3A_105 : memref<128xi32, #tpu.memory_space<vmem>>) semaphore(%arg12 : memref<!tpu.dma_semaphore, #tpu.memory_space<semaphore_mem>>)
      %dma_wait3A = arith.constant 0 : i32
      %dma_wait3A_109 = arith.constant 0 : i32
      %dma_wait3A_110 = tpu.memref_slice %arg9[%dma_wait3A, %dma_wait3A_109] : memref<512x64xf32, #tpu.memory_space<vmem>> -> memref<128x64xf32, #tpu.memory_space<vmem>>
      %dma_wait3A_111 = arith.constant 0 : i32
      %dma_wait3A_112 = tpu.memref_slice %arg7[%add3A_61, %dma_wait3A_111] : memref<80x128xi32, #tpu.memory_space<vmem>> -> memref<1x128xi32, #tpu.memory_space<vmem>>
      %dma_wait3A_113 = tpu.memref_squeeze %dma_wait3A_112 : memref<1x128xi32, #tpu.memory_space<vmem>> -> memref<128xi32, #tpu.memory_space<vmem>>
      %dma_wait3A_114 = arith.constant 0 : i32
      %dma_wait3A_115 = arith.constant 0 : i32
      %dma_wait3A_116 = tpu.memref_slice %arg4[%dma_wait3A_114, %dma_wait3A_115] : memref<20000x64xf32, #tpu.memory_space<hbm>> -> memref<20000x64xf32, #tpu.memory_space<hbm>>
      tpu.wait_indirect_dma semaphore(%arg12 : memref<!tpu.dma_semaphore, #tpu.memory_space<semaphore_mem>>) src(%dma_wait3A_116 : memref<20000x64xf32, #tpu.memory_space<hbm>>) dst(%dma_wait3A_110 : memref<128x64xf32, #tpu.memory_space<vmem>>)
      %dma_wait3A_117 = arith.constant 128 : i32
      %dma_wait3A_118 = arith.constant 0 : i32
      %dma_wait3A_119 = tpu.memref_slice %arg9[%dma_wait3A_117, %dma_wait3A_118] : memref<512x64xf32, #tpu.memory_space<vmem>> -> memref<128x64xf32, #tpu.memory_space<vmem>>
      %dma_wait3A_120 = arith.constant 0 : i32
      %dma_wait3A_121 = tpu.memref_slice %arg7[%add3A_73, %dma_wait3A_120] : memref<80x128xi32, #tpu.memory_space<vmem>> -> memref<1x128xi32, #tpu.memory_space<vmem>>
      %dma_wait3A_122 = tpu.memref_squeeze %dma_wait3A_121 : memref<1x128xi32, #tpu.memory_space<vmem>> -> memref<128xi32, #tpu.memory_space<vmem>>
      %dma_wait3A_123 = arith.constant 0 : i32
      %dma_wait3A_124 = arith.constant 0 : i32
      %dma_wait3A_125 = tpu.memref_slice %arg4[%dma_wait3A_123, %dma_wait3A_124] : memref<20000x64xf32, #tpu.memory_space<hbm>> -> memref<20000x64xf32, #tpu.memory_space<hbm>>
      tpu.wait_indirect_dma semaphore(%arg12 : memref<!tpu.dma_semaphore, #tpu.memory_space<semaphore_mem>>) src(%dma_wait3A_125 : memref<20000x64xf32, #tpu.memory_space<hbm>>) dst(%dma_wait3A_119 : memref<128x64xf32, #tpu.memory_space<vmem>>)
      %dma_wait3A_126 = arith.constant 256 : i32
      %dma_wait3A_127 = arith.constant 0 : i32
      %dma_wait3A_128 = tpu.memref_slice %arg9[%dma_wait3A_126, %dma_wait3A_127] : memref<512x64xf32, #tpu.memory_space<vmem>> -> memref<128x64xf32, #tpu.memory_space<vmem>>
      %dma_wait3A_129 = arith.constant 0 : i32
      %dma_wait3A_130 = tpu.memref_slice %arg7[%add3A_86, %dma_wait3A_129] : memref<80x128xi32, #tpu.memory_space<vmem>> -> memref<1x128xi32, #tpu.memory_space<vmem>>
      %dma_wait3A_131 = tpu.memref_squeeze %dma_wait3A_130 : memref<1x128xi32, #tpu.memory_space<vmem>> -> memref<128xi32, #tpu.memory_space<vmem>>
      %dma_wait3A_132 = arith.constant 0 : i32
      %dma_wait3A_133 = arith.constant 0 : i32
      %dma_wait3A_134 = tpu.memref_slice %arg4[%dma_wait3A_132, %dma_wait3A_133] : memref<20000x64xf32, #tpu.memory_space<hbm>> -> memref<20000x64xf32, #tpu.memory_space<hbm>>
      tpu.wait_indirect_dma semaphore(%arg12 : memref<!tpu.dma_semaphore, #tpu.memory_space<semaphore_mem>>) src(%dma_wait3A_134 : memref<20000x64xf32, #tpu.memory_space<hbm>>) dst(%dma_wait3A_128 : memref<128x64xf32, #tpu.memory_space<vmem>>)
      %dma_wait3A_135 = arith.constant 384 : i32
      %dma_wait3A_136 = arith.constant 0 : i32
      %dma_wait3A_137 = tpu.memref_slice %arg9[%dma_wait3A_135, %dma_wait3A_136] : memref<512x64xf32, #tpu.memory_space<vmem>> -> memref<128x64xf32, #tpu.memory_space<vmem>>
      %dma_wait3A_138 = arith.constant 0 : i32
      %dma_wait3A_139 = tpu.memref_slice %arg7[%add3A_99, %dma_wait3A_138] : memref<80x128xi32, #tpu.memory_space<vmem>> -> memref<1x128xi32, #tpu.memory_space<vmem>>
      %dma_wait3A_140 = tpu.memref_squeeze %dma_wait3A_139 : memref<1x128xi32, #tpu.memory_space<vmem>> -> memref<128xi32, #tpu.memory_space<vmem>>
      %dma_wait3A_141 = arith.constant 0 : i32
      %dma_wait3A_142 = arith.constant 0 : i32
      %dma_wait3A_143 = tpu.memref_slice %arg4[%dma_wait3A_141, %dma_wait3A_142] : memref<20000x64xf32, #tpu.memory_space<hbm>> -> memref<20000x64xf32, #tpu.memory_space<hbm>>
      tpu.wait_indirect_dma semaphore(%arg12 : memref<!tpu.dma_semaphore, #tpu.memory_space<semaphore_mem>>) src(%dma_wait3A_143 : memref<20000x64xf32, #tpu.memory_space<hbm>>) dst(%dma_wait3A_137 : memref<128x64xf32, #tpu.memory_space<vmem>>)
      %mul3A_144 = arith.constant 4 : i32
      %mul3A_145 = arith.muli %scan3A_56, %mul3A_144 : i32
      %add3A_146 = arith.constant 0 : i32
      %add3A_147 = arith.addi %mul3A_145, %add3A_146 : i32
      "tpu.region"() ({
        %run_scoped3A = tpu.sem_alloc : memref<!tpu.dma_semaphore, #tpu.memory_space<semaphore_mem>>
        %dma_start3A_177 = arith.constant 0 : i32
        %dma_start3A_178 = arith.constant 0 : i32
        %dma_start3A_179 = tpu.memref_slice %arg9[%dma_start3A_177, %dma_start3A_178] : memref<512x64xf32, #tpu.memory_space<vmem>> -> memref<128x64xf32, #tpu.memory_space<vmem>>
        %dma_start3A_180 = arith.constant 0 : i32
        %dma_start3A_181 = tpu.memref_slice %arg8[%add3A_147, %dma_start3A_180] : memref<80x128xi32, #tpu.memory_space<vmem>> -> memref<1x128xi32, #tpu.memory_space<vmem>>
        %dma_start3A_182 = tpu.memref_squeeze %dma_start3A_181 : memref<1x128xi32, #tpu.memory_space<vmem>> -> memref<128xi32, #tpu.memory_space<vmem>>
        %dma_start3A_183 = arith.constant 0 : i32
        %dma_start3A_184 = arith.constant 0 : i32
        %dma_start3A_185 = tpu.memref_slice %arg11[%dma_start3A_183, %dma_start3A_184] : memref<10240x64xf32, #tpu.memory_space<vmem_shared>> -> memref<10240x64xf32, #tpu.memory_space<vmem_shared>>
        tpu.enqueue_indirect_dma source(%dma_start3A_179 : memref<128x64xf32, #tpu.memory_space<vmem>>) target(%dma_start3A_185 : memref<10240x64xf32, #tpu.memory_space<vmem_shared>>) offsets(%dma_start3A_182 : memref<128xi32, #tpu.memory_space<vmem>>) semaphore(%run_scoped3A : memref<!tpu.dma_semaphore, #tpu.memory_space<semaphore_mem>>) {add = true}
        %dma_wait3A_186 = arith.constant 0 : i32
        %dma_wait3A_187 = arith.constant 0 : i32
        %dma_wait3A_188 = tpu.memref_slice %arg9[%dma_wait3A_186, %dma_wait3A_187] : memref<512x64xf32, #tpu.memory_space<vmem>> -> memref<128x64xf32, #tpu.memory_space<vmem>>
        %dma_wait3A_189 = arith.constant 0 : i32
        %dma_wait3A_190 = tpu.memref_slice %arg8[%add3A_147, %dma_wait3A_189] : memref<80x128xi32, #tpu.memory_space<vmem>> -> memref<1x128xi32, #tpu.memory_space<vmem>>
        %dma_wait3A_191 = tpu.memref_squeeze %dma_wait3A_190 : memref<1x128xi32, #tpu.memory_space<vmem>> -> memref<128xi32, #tpu.memory_space<vmem>>
        %dma_wait3A_192 = arith.constant 0 : i32
        %dma_wait3A_193 = arith.constant 0 : i32
        %dma_wait3A_194 = tpu.memref_slice %arg11[%dma_wait3A_192, %dma_wait3A_193] : memref<10240x64xf32, #tpu.memory_space<vmem_shared>> -> memref<10240x64xf32, #tpu.memory_space<vmem_shared>>
        tpu.wait_indirect_dma semaphore(%run_scoped3A : memref<!tpu.dma_semaphore, #tpu.memory_space<semaphore_mem>>) src(%dma_wait3A_188 : memref<128x64xf32, #tpu.memory_space<vmem>>) dst(%dma_wait3A_194 : memref<10240x64xf32, #tpu.memory_space<vmem_shared>>)
        tpu.yield
      }) : () -> ()
      %mul3A_148 = arith.constant 4 : i32
      %mul3A_149 = arith.muli %scan3A_56, %mul3A_148 : i32
      %add3A_150 = arith.constant 1 : i32
      %add3A_151 = arith.addi %mul3A_149, %add3A_150 : i32
      "tpu.region"() ({
        %run_scoped3A = tpu.sem_alloc : memref<!tpu.dma_semaphore, #tpu.memory_space<semaphore_mem>>
        %dma_start3A_177 = arith.constant 128 : i32
        %dma_start3A_178 = arith.constant 0 : i32
        %dma_start3A_179 = tpu.memref_slice %arg9[%dma_start3A_177, %dma_start3A_178] : memref<512x64xf32, #tpu.memory_space<vmem>> -> memref<128x64xf32, #tpu.memory_space<vmem>>
        %dma_start3A_180 = arith.constant 0 : i32
        %dma_start3A_181 = tpu.memref_slice %arg8[%add3A_151, %dma_start3A_180] : memref<80x128xi32, #tpu.memory_space<vmem>> -> memref<1x128xi32, #tpu.memory_space<vmem>>
        %dma_start3A_182 = tpu.memref_squeeze %dma_start3A_181 : memref<1x128xi32, #tpu.memory_space<vmem>> -> memref<128xi32, #tpu.memory_space<vmem>>
        %dma_start3A_183 = arith.constant 0 : i32
        %dma_start3A_184 = arith.constant 0 : i32
        %dma_start3A_185 = tpu.memref_slice %arg11[%dma_start3A_183, %dma_start3A_184] : memref<10240x64xf32, #tpu.memory_space<vmem_shared>> -> memref<10240x64xf32, #tpu.memory_space<vmem_shared>>
        tpu.enqueue_indirect_dma source(%dma_start3A_179 : memref<128x64xf32, #tpu.memory_space<vmem>>) target(%dma_start3A_185 : memref<10240x64xf32, #tpu.memory_space<vmem_shared>>) offsets(%dma_start3A_182 : memref<128xi32, #tpu.memory_space<vmem>>) semaphore(%run_scoped3A : memref<!tpu.dma_semaphore, #tpu.memory_space<semaphore_mem>>) {add = true}
        %dma_wait3A_186 = arith.constant 128 : i32
        %dma_wait3A_187 = arith.constant 0 : i32
        %dma_wait3A_188 = tpu.memref_slice %arg9[%dma_wait3A_186, %dma_wait3A_187] : memref<512x64xf32, #tpu.memory_space<vmem>> -> memref<128x64xf32, #tpu.memory_space<vmem>>
        %dma_wait3A_189 = arith.constant 0 : i32
        %dma_wait3A_190 = tpu.memref_slice %arg8[%add3A_151, %dma_wait3A_189] : memref<80x128xi32, #tpu.memory_space<vmem>> -> memref<1x128xi32, #tpu.memory_space<vmem>>
        %dma_wait3A_191 = tpu.memref_squeeze %dma_wait3A_190 : memref<1x128xi32, #tpu.memory_space<vmem>> -> memref<128xi32, #tpu.memory_space<vmem>>
        %dma_wait3A_192 = arith.constant 0 : i32
        %dma_wait3A_193 = arith.constant 0 : i32
        %dma_wait3A_194 = tpu.memref_slice %arg11[%dma_wait3A_192, %dma_wait3A_193] : memref<10240x64xf32, #tpu.memory_space<vmem_shared>> -> memref<10240x64xf32, #tpu.memory_space<vmem_shared>>
        tpu.wait_indirect_dma semaphore(%run_scoped3A : memref<!tpu.dma_semaphore, #tpu.memory_space<semaphore_mem>>) src(%dma_wait3A_188 : memref<128x64xf32, #tpu.memory_space<vmem>>) dst(%dma_wait3A_194 : memref<10240x64xf32, #tpu.memory_space<vmem_shared>>)
        tpu.yield
      }) : () -> ()
      %mul3A_152 = arith.constant 4 : i32
      %mul3A_153 = arith.muli %scan3A_56, %mul3A_152 : i32
      %add3A_154 = arith.constant 2 : i32
      %add3A_155 = arith.addi %mul3A_153, %add3A_154 : i32
      "tpu.region"() ({
        %run_scoped3A = tpu.sem_alloc : memref<!tpu.dma_semaphore, #tpu.memory_space<semaphore_mem>>
        %dma_start3A_177 = arith.constant 256 : i32
        %dma_start3A_178 = arith.constant 0 : i32
        %dma_start3A_179 = tpu.memref_slice %arg9[%dma_start3A_177, %dma_start3A_178] : memref<512x64xf32, #tpu.memory_space<vmem>> -> memref<128x64xf32, #tpu.memory_space<vmem>>
        %dma_start3A_180 = arith.constant 0 : i32
        %dma_start3A_181 = tpu.memref_slice %arg8[%add3A_155, %dma_start3A_180] : memref<80x128xi32, #tpu.memory_space<vmem>> -> memref<1x128xi32, #tpu.memory_space<vmem>>
        %dma_start3A_182 = tpu.memref_squeeze %dma_start3A_181 : memref<1x128xi32, #tpu.memory_space<vmem>> -> memref<128xi32, #tpu.memory_space<vmem>>
        %dma_start3A_183 = arith.constant 0 : i32
        %dma_start3A_184 = arith.constant 0 : i32
        %dma_start3A_185 = tpu.memref_slice %arg11[%dma_start3A_183, %dma_start3A_184] : memref<10240x64xf32, #tpu.memory_space<vmem_shared>> -> memref<10240x64xf32, #tpu.memory_space<vmem_shared>>
        tpu.enqueue_indirect_dma source(%dma_start3A_179 : memref<128x64xf32, #tpu.memory_space<vmem>>) target(%dma_start3A_185 : memref<10240x64xf32, #tpu.memory_space<vmem_shared>>) offsets(%dma_start3A_182 : memref<128xi32, #tpu.memory_space<vmem>>) semaphore(%run_scoped3A : memref<!tpu.dma_semaphore, #tpu.memory_space<semaphore_mem>>) {add = true}
        %dma_wait3A_186 = arith.constant 256 : i32
        %dma_wait3A_187 = arith.constant 0 : i32
        %dma_wait3A_188 = tpu.memref_slice %arg9[%dma_wait3A_186, %dma_wait3A_187] : memref<512x64xf32, #tpu.memory_space<vmem>> -> memref<128x64xf32, #tpu.memory_space<vmem>>
        %dma_wait3A_189 = arith.constant 0 : i32
        %dma_wait3A_190 = tpu.memref_slice %arg8[%add3A_155, %dma_wait3A_189] : memref<80x128xi32, #tpu.memory_space<vmem>> -> memref<1x128xi32, #tpu.memory_space<vmem>>
        %dma_wait3A_191 = tpu.memref_squeeze %dma_wait3A_190 : memref<1x128xi32, #tpu.memory_space<vmem>> -> memref<128xi32, #tpu.memory_space<vmem>>
        %dma_wait3A_192 = arith.constant 0 : i32
        %dma_wait3A_193 = arith.constant 0 : i32
        %dma_wait3A_194 = tpu.memref_slice %arg11[%dma_wait3A_192, %dma_wait3A_193] : memref<10240x64xf32, #tpu.memory_space<vmem_shared>> -> memref<10240x64xf32, #tpu.memory_space<vmem_shared>>
        tpu.wait_indirect_dma semaphore(%run_scoped3A : memref<!tpu.dma_semaphore, #tpu.memory_space<semaphore_mem>>) src(%dma_wait3A_188 : memref<128x64xf32, #tpu.memory_space<vmem>>) dst(%dma_wait3A_194 : memref<10240x64xf32, #tpu.memory_space<vmem_shared>>)
        tpu.yield
      }) : () -> ()
      %mul3A_156 = arith.constant 4 : i32
      %mul3A_157 = arith.muli %scan3A_56, %mul3A_156 : i32
      %add3A_158 = arith.constant 3 : i32
      %add3A_159 = arith.addi %mul3A_157, %add3A_158 : i32
      "tpu.region"() ({
        %run_scoped3A = tpu.sem_alloc : memref<!tpu.dma_semaphore, #tpu.memory_space<semaphore_mem>>
        %dma_start3A_177 = arith.constant 384 : i32
        %dma_start3A_178 = arith.constant 0 : i32
        %dma_start3A_179 = tpu.memref_slice %arg9[%dma_start3A_177, %dma_start3A_178] : memref<512x64xf32, #tpu.memory_space<vmem>> -> memref<128x64xf32, #tpu.memory_space<vmem>>
        %dma_start3A_180 = arith.constant 0 : i32
        %dma_start3A_181 = tpu.memref_slice %arg8[%add3A_159, %dma_start3A_180] : memref<80x128xi32, #tpu.memory_space<vmem>> -> memref<1x128xi32, #tpu.memory_space<vmem>>
        %dma_start3A_182 = tpu.memref_squeeze %dma_start3A_181 : memref<1x128xi32, #tpu.memory_space<vmem>> -> memref<128xi32, #tpu.memory_space<vmem>>
        %dma_start3A_183 = arith.constant 0 : i32
        %dma_start3A_184 = arith.constant 0 : i32
        %dma_start3A_185 = tpu.memref_slice %arg11[%dma_start3A_183, %dma_start3A_184] : memref<10240x64xf32, #tpu.memory_space<vmem_shared>> -> memref<10240x64xf32, #tpu.memory_space<vmem_shared>>
        tpu.enqueue_indirect_dma source(%dma_start3A_179 : memref<128x64xf32, #tpu.memory_space<vmem>>) target(%dma_start3A_185 : memref<10240x64xf32, #tpu.memory_space<vmem_shared>>) offsets(%dma_start3A_182 : memref<128xi32, #tpu.memory_space<vmem>>) semaphore(%run_scoped3A : memref<!tpu.dma_semaphore, #tpu.memory_space<semaphore_mem>>) {add = true}
        %dma_wait3A_186 = arith.constant 384 : i32
        %dma_wait3A_187 = arith.constant 0 : i32
        %dma_wait3A_188 = tpu.memref_slice %arg9[%dma_wait3A_186, %dma_wait3A_187] : memref<512x64xf32, #tpu.memory_space<vmem>> -> memref<128x64xf32, #tpu.memory_space<vmem>>
        %dma_wait3A_189 = arith.constant 0 : i32
        %dma_wait3A_190 = tpu.memref_slice %arg8[%add3A_159, %dma_wait3A_189] : memref<80x128xi32, #tpu.memory_space<vmem>> -> memref<1x128xi32, #tpu.memory_space<vmem>>
        %dma_wait3A_191 = tpu.memref_squeeze %dma_wait3A_190 : memref<1x128xi32, #tpu.memory_space<vmem>> -> memref<128xi32, #tpu.memory_space<vmem>>
        %dma_wait3A_192 = arith.constant 0 : i32
        %dma_wait3A_193 = arith.constant 0 : i32
        %dma_wait3A_194 = tpu.memref_slice %arg11[%dma_wait3A_192, %dma_wait3A_193] : memref<10240x64xf32, #tpu.memory_space<vmem_shared>> -> memref<10240x64xf32, #tpu.memory_space<vmem_shared>>
        tpu.wait_indirect_dma semaphore(%run_scoped3A : memref<!tpu.dma_semaphore, #tpu.memory_space<semaphore_mem>>) src(%dma_wait3A_188 : memref<128x64xf32, #tpu.memory_space<vmem>>) dst(%dma_wait3A_194 : memref<10240x64xf32, #tpu.memory_space<vmem_shared>>)
        tpu.yield
      }) : () -> ()
      %mul3A_160 = arith.constant 4 : i32
      %mul3A_161 = arith.muli %scan3A_56, %mul3A_160 : i32
      %add3A_162 = arith.constant 0 : i32
      %add3A_163 = arith.addi %mul3A_161, %add3A_162 : i32
      "tpu.region"() ({
        %run_scoped3A = tpu.sem_alloc : memref<!tpu.dma_semaphore, #tpu.memory_space<semaphore_mem>>
        %dma_start3A_177 = arith.constant 0 : i32
        %dma_start3A_178 = tpu.memref_slice %arg8[%add3A_163, %dma_start3A_177] : memref<80x128xi32, #tpu.memory_space<vmem>> -> memref<1x128xi32, #tpu.memory_space<vmem>>
        %dma_start3A_179 = tpu.memref_squeeze %dma_start3A_178 : memref<1x128xi32, #tpu.memory_space<vmem>> -> memref<128xi32, #tpu.memory_space<vmem>>
        %dma_start3A_180 = arith.constant 0 : i32
        %dma_start3A_181 = arith.constant 0 : i32
        %dma_start3A_182 = tpu.memref_slice %arg15[%dma_start3A_180, %dma_start3A_181] : memref<10240x16xf32, #tpu.memory_space<vmem_shared>> -> memref<10240x16xf32, #tpu.memory_space<vmem_shared>>
        tpu.enqueue_indirect_dma source(%arg13 : memref<128x16xf32, #tpu.memory_space<vmem>>) target(%dma_start3A_182 : memref<10240x16xf32, #tpu.memory_space<vmem_shared>>) offsets(%dma_start3A_179 : memref<128xi32, #tpu.memory_space<vmem>>) semaphore(%run_scoped3A : memref<!tpu.dma_semaphore, #tpu.memory_space<semaphore_mem>>) {add = true}
        %dma_wait3A_183 = arith.constant 0 : i32
        %dma_wait3A_184 = tpu.memref_slice %arg8[%add3A_163, %dma_wait3A_183] : memref<80x128xi32, #tpu.memory_space<vmem>> -> memref<1x128xi32, #tpu.memory_space<vmem>>
        %dma_wait3A_185 = tpu.memref_squeeze %dma_wait3A_184 : memref<1x128xi32, #tpu.memory_space<vmem>> -> memref<128xi32, #tpu.memory_space<vmem>>
        %dma_wait3A_186 = arith.constant 0 : i32
        %dma_wait3A_187 = arith.constant 0 : i32
        %dma_wait3A_188 = tpu.memref_slice %arg15[%dma_wait3A_186, %dma_wait3A_187] : memref<10240x16xf32, #tpu.memory_space<vmem_shared>> -> memref<10240x16xf32, #tpu.memory_space<vmem_shared>>
        tpu.wait_indirect_dma semaphore(%run_scoped3A : memref<!tpu.dma_semaphore, #tpu.memory_space<semaphore_mem>>) src(%arg13 : memref<128x16xf32, #tpu.memory_space<vmem>>) dst(%dma_wait3A_188 : memref<10240x16xf32, #tpu.memory_space<vmem_shared>>)
        tpu.yield
      }) : () -> ()
      %mul3A_164 = arith.constant 4 : i32
      %mul3A_165 = arith.muli %scan3A_56, %mul3A_164 : i32
      %add3A_166 = arith.constant 1 : i32
      %add3A_167 = arith.addi %mul3A_165, %add3A_166 : i32
      "tpu.region"() ({
        %run_scoped3A = tpu.sem_alloc : memref<!tpu.dma_semaphore, #tpu.memory_space<semaphore_mem>>
        %dma_start3A_177 = arith.constant 0 : i32
        %dma_start3A_178 = tpu.memref_slice %arg8[%add3A_167, %dma_start3A_177] : memref<80x128xi32, #tpu.memory_space<vmem>> -> memref<1x128xi32, #tpu.memory_space<vmem>>
        %dma_start3A_179 = tpu.memref_squeeze %dma_start3A_178 : memref<1x128xi32, #tpu.memory_space<vmem>> -> memref<128xi32, #tpu.memory_space<vmem>>
        %dma_start3A_180 = arith.constant 0 : i32
        %dma_start3A_181 = arith.constant 0 : i32
        %dma_start3A_182 = tpu.memref_slice %arg15[%dma_start3A_180, %dma_start3A_181] : memref<10240x16xf32, #tpu.memory_space<vmem_shared>> -> memref<10240x16xf32, #tpu.memory_space<vmem_shared>>
        tpu.enqueue_indirect_dma source(%arg13 : memref<128x16xf32, #tpu.memory_space<vmem>>) target(%dma_start3A_182 : memref<10240x16xf32, #tpu.memory_space<vmem_shared>>) offsets(%dma_start3A_179 : memref<128xi32, #tpu.memory_space<vmem>>) semaphore(%run_scoped3A : memref<!tpu.dma_semaphore, #tpu.memory_space<semaphore_mem>>) {add = true}
        %dma_wait3A_183 = arith.constant 0 : i32
        %dma_wait3A_184 = tpu.memref_slice %arg8[%add3A_167, %dma_wait3A_183] : memref<80x128xi32, #tpu.memory_space<vmem>> -> memref<1x128xi32, #tpu.memory_space<vmem>>
        %dma_wait3A_185 = tpu.memref_squeeze %dma_wait3A_184 : memref<1x128xi32, #tpu.memory_space<vmem>> -> memref<128xi32, #tpu.memory_space<vmem>>
        %dma_wait3A_186 = arith.constant 0 : i32
        %dma_wait3A_187 = arith.constant 0 : i32
        %dma_wait3A_188 = tpu.memref_slice %arg15[%dma_wait3A_186, %dma_wait3A_187] : memref<10240x16xf32, #tpu.memory_space<vmem_shared>> -> memref<10240x16xf32, #tpu.memory_space<vmem_shared>>
        tpu.wait_indirect_dma semaphore(%run_scoped3A : memref<!tpu.dma_semaphore, #tpu.memory_space<semaphore_mem>>) src(%arg13 : memref<128x16xf32, #tpu.memory_space<vmem>>) dst(%dma_wait3A_188 : memref<10240x16xf32, #tpu.memory_space<vmem_shared>>)
        tpu.yield
      }) : () -> ()
      %mul3A_168 = arith.constant 4 : i32
      %mul3A_169 = arith.muli %scan3A_56, %mul3A_168 : i32
      %add3A_170 = arith.constant 2 : i32
      %add3A_171 = arith.addi %mul3A_169, %add3A_170 : i32
      "tpu.region"() ({
        %run_scoped3A = tpu.sem_alloc : memref<!tpu.dma_semaphore, #tpu.memory_space<semaphore_mem>>
        %dma_start3A_177 = arith.constant 0 : i32
        %dma_start3A_178 = tpu.memref_slice %arg8[%add3A_171, %dma_start3A_177] : memref<80x128xi32, #tpu.memory_space<vmem>> -> memref<1x128xi32, #tpu.memory_space<vmem>>
        %dma_start3A_179 = tpu.memref_squeeze %dma_start3A_178 : memref<1x128xi32, #tpu.memory_space<vmem>> -> memref<128xi32, #tpu.memory_space<vmem>>
        %dma_start3A_180 = arith.constant 0 : i32
        %dma_start3A_181 = arith.constant 0 : i32
        %dma_start3A_182 = tpu.memref_slice %arg15[%dma_start3A_180, %dma_start3A_181] : memref<10240x16xf32, #tpu.memory_space<vmem_shared>> -> memref<10240x16xf32, #tpu.memory_space<vmem_shared>>
        tpu.enqueue_indirect_dma source(%arg13 : memref<128x16xf32, #tpu.memory_space<vmem>>) target(%dma_start3A_182 : memref<10240x16xf32, #tpu.memory_space<vmem_shared>>) offsets(%dma_start3A_179 : memref<128xi32, #tpu.memory_space<vmem>>) semaphore(%run_scoped3A : memref<!tpu.dma_semaphore, #tpu.memory_space<semaphore_mem>>) {add = true}
        %dma_wait3A_183 = arith.constant 0 : i32
        %dma_wait3A_184 = tpu.memref_slice %arg8[%add3A_171, %dma_wait3A_183] : memref<80x128xi32, #tpu.memory_space<vmem>> -> memref<1x128xi32, #tpu.memory_space<vmem>>
        %dma_wait3A_185 = tpu.memref_squeeze %dma_wait3A_184 : memref<1x128xi32, #tpu.memory_space<vmem>> -> memref<128xi32, #tpu.memory_space<vmem>>
        %dma_wait3A_186 = arith.constant 0 : i32
        %dma_wait3A_187 = arith.constant 0 : i32
        %dma_wait3A_188 = tpu.memref_slice %arg15[%dma_wait3A_186, %dma_wait3A_187] : memref<10240x16xf32, #tpu.memory_space<vmem_shared>> -> memref<10240x16xf32, #tpu.memory_space<vmem_shared>>
        tpu.wait_indirect_dma semaphore(%run_scoped3A : memref<!tpu.dma_semaphore, #tpu.memory_space<semaphore_mem>>) src(%arg13 : memref<128x16xf32, #tpu.memory_space<vmem>>) dst(%dma_wait3A_188 : memref<10240x16xf32, #tpu.memory_space<vmem_shared>>)
        tpu.yield
      }) : () -> ()
      %mul3A_172 = arith.constant 4 : i32
      %mul3A_173 = arith.muli %scan3A_56, %mul3A_172 : i32
      %add3A_174 = arith.constant 3 : i32
      %add3A_175 = arith.addi %mul3A_173, %add3A_174 : i32
      "tpu.region"() ({
        %run_scoped3A = tpu.sem_alloc : memref<!tpu.dma_semaphore, #tpu.memory_space<semaphore_mem>>
        %dma_start3A_177 = arith.constant 0 : i32
        %dma_start3A_178 = tpu.memref_slice %arg8[%add3A_175, %dma_start3A_177] : memref<80x128xi32, #tpu.memory_space<vmem>> -> memref<1x128xi32, #tpu.memory_space<vmem>>
        %dma_start3A_179 = tpu.memref_squeeze %dma_start3A_178 : memref<1x128xi32, #tpu.memory_space<vmem>> -> memref<128xi32, #tpu.memory_space<vmem>>
        %dma_start3A_180 = arith.constant 0 : i32
        %dma_start3A_181 = arith.constant 0 : i32
        %dma_start3A_182 = tpu.memref_slice %arg15[%dma_start3A_180, %dma_start3A_181] : memref<10240x16xf32, #tpu.memory_space<vmem_shared>> -> memref<10240x16xf32, #tpu.memory_space<vmem_shared>>
        tpu.enqueue_indirect_dma source(%arg13 : memref<128x16xf32, #tpu.memory_space<vmem>>) target(%dma_start3A_182 : memref<10240x16xf32, #tpu.memory_space<vmem_shared>>) offsets(%dma_start3A_179 : memref<128xi32, #tpu.memory_space<vmem>>) semaphore(%run_scoped3A : memref<!tpu.dma_semaphore, #tpu.memory_space<semaphore_mem>>) {add = true}
        %dma_wait3A_183 = arith.constant 0 : i32
        %dma_wait3A_184 = tpu.memref_slice %arg8[%add3A_175, %dma_wait3A_183] : memref<80x128xi32, #tpu.memory_space<vmem>> -> memref<1x128xi32, #tpu.memory_space<vmem>>
        %dma_wait3A_185 = tpu.memref_squeeze %dma_wait3A_184 : memref<1x128xi32, #tpu.memory_space<vmem>> -> memref<128xi32, #tpu.memory_space<vmem>>
        %dma_wait3A_186 = arith.constant 0 : i32
        %dma_wait3A_187 = arith.constant 0 : i32
        %dma_wait3A_188 = tpu.memref_slice %arg15[%dma_wait3A_186, %dma_wait3A_187] : memref<10240x16xf32, #tpu.memory_space<vmem_shared>> -> memref<10240x16xf32, #tpu.memory_space<vmem_shared>>
        tpu.wait_indirect_dma semaphore(%run_scoped3A : memref<!tpu.dma_semaphore, #tpu.memory_space<semaphore_mem>>) src(%arg13 : memref<128x16xf32, #tpu.memory_space<vmem>>) dst(%dma_wait3A_188 : memref<10240x16xf32, #tpu.memory_space<vmem_shared>>)
        tpu.yield
      }) : () -> ()
      %scan3A_176 = arith.constant 0 : i32
      scf.yield %scan3A_176 : i32
    }
    %scan3A_52 = arith.constant 20 : i32
    %barrier3A_53 = arith.constant 0 : index
    tpu.barrier barrier_id(%barrier3A_53)
    %mul3A_54 = arith.constant 640 : i32
    %mul3A_55 = arith.muli %arg1, %mul3A_54 : i32
    "tpu.region"() ({
      %run_scoped3A = tpu.sem_alloc : memref<!tpu.dma_semaphore, #tpu.memory_space<semaphore_mem>>
      %dma_start3A = arith.constant 0 : i32
      %dma_start3A_56 = tpu.memref_slice %arg5[%arg0, %mul3A_55, %dma_start3A] : memref<2x10240x64xf32, #tpu.memory_space<hbm>> -> memref<1x640x64xf32, #tpu.memory_space<hbm>>
      %dma_start3A_57 = tpu.memref_squeeze %dma_start3A_56 : memref<1x640x64xf32, #tpu.memory_space<hbm>> -> memref<640x64xf32, #tpu.memory_space<hbm>>
      %dma_start3A_58 = arith.constant 0 : i32
      %dma_start3A_59 = tpu.memref_slice %arg11[%mul3A_55, %dma_start3A_58] : memref<10240x64xf32, #tpu.memory_space<vmem_shared>> -> memref<640x64xf32, #tpu.memory_space<vmem_shared>>
      tpu.enqueue_dma source(%dma_start3A_59 : memref<640x64xf32, #tpu.memory_space<vmem_shared>>) target(%dma_start3A_57 : memref<640x64xf32, #tpu.memory_space<hbm>>) target_semaphore(%run_scoped3A : memref<!tpu.dma_semaphore, #tpu.memory_space<semaphore_mem>>)
      %dma_wait3A = arith.constant 0 : i32
      %dma_wait3A_60 = tpu.memref_slice %arg5[%arg0, %mul3A_55, %dma_wait3A] : memref<2x10240x64xf32, #tpu.memory_space<hbm>> -> memref<1x640x64xf32, #tpu.memory_space<hbm>>
      %dma_wait3A_61 = tpu.memref_squeeze %dma_wait3A_60 : memref<1x640x64xf32, #tpu.memory_space<hbm>> -> memref<640x64xf32, #tpu.memory_space<hbm>>
      %dma_wait3A_62 = arith.constant 0 : i32
      %dma_wait3A_63 = tpu.memref_slice %arg11[%mul3A_55, %dma_wait3A_62] : memref<10240x64xf32, #tpu.memory_space<vmem_shared>> -> memref<640x64xf32, #tpu.memory_space<vmem_shared>>
      tpu.wait_dma2 semaphore(%run_scoped3A : memref<!tpu.dma_semaphore, #tpu.memory_space<semaphore_mem>>) src(%dma_wait3A_63 : memref<640x64xf32, #tpu.memory_space<vmem_shared>>) dst(%dma_wait3A_61 : memref<640x64xf32, #tpu.memory_space<hbm>>)
      tpu.yield
    }) : () -> ()
    "tpu.region"() ({
      %run_scoped3A = tpu.sem_alloc : memref<!tpu.dma_semaphore, #tpu.memory_space<semaphore_mem>>
      %dma_start3A = arith.constant 0 : i32
      %dma_start3A_56 = tpu.memref_slice %arg6[%arg0, %mul3A_55, %dma_start3A] : memref<2x10240x16xf32, #tpu.memory_space<hbm>> -> memref<1x640x16xf32, #tpu.memory_space<hbm>>
      %dma_start3A_57 = tpu.memref_squeeze %dma_start3A_56 : memref<1x640x16xf32, #tpu.memory_space<hbm>> -> memref<640x16xf32, #tpu.memory_space<hbm>>
      %dma_start3A_58 = arith.constant 0 : i32
      %dma_start3A_59 = tpu.memref_slice %arg15[%mul3A_55, %dma_start3A_58] : memref<10240x16xf32, #tpu.memory_space<vmem_shared>> -> memref<640x16xf32, #tpu.memory_space<vmem_shared>>
      tpu.enqueue_dma source(%dma_start3A_59 : memref<640x16xf32, #tpu.memory_space<vmem_shared>>) target(%dma_start3A_57 : memref<640x16xf32, #tpu.memory_space<hbm>>) target_semaphore(%run_scoped3A : memref<!tpu.dma_semaphore, #tpu.memory_space<semaphore_mem>>)
      %dma_wait3A = arith.constant 0 : i32
      %dma_wait3A_60 = tpu.memref_slice %arg6[%arg0, %mul3A_55, %dma_wait3A] : memref<2x10240x16xf32, #tpu.memory_space<hbm>> -> memref<1x640x16xf32, #tpu.memory_space<hbm>>
      %dma_wait3A_61 = tpu.memref_squeeze %dma_wait3A_60 : memref<1x640x16xf32, #tpu.memory_space<hbm>> -> memref<640x16xf32, #tpu.memory_space<hbm>>
      %dma_wait3A_62 = arith.constant 0 : i32
      %dma_wait3A_63 = tpu.memref_slice %arg15[%mul3A_55, %dma_wait3A_62] : memref<10240x16xf32, #tpu.memory_space<vmem_shared>> -> memref<640x16xf32, #tpu.memory_space<vmem_shared>>
      tpu.wait_dma2 semaphore(%run_scoped3A : memref<!tpu.dma_semaphore, #tpu.memory_space<semaphore_mem>>) src(%dma_wait3A_63 : memref<640x16xf32, #tpu.memory_space<vmem_shared>>) dst(%dma_wait3A_61 : memref<640x16xf32, #tpu.memory_space<hbm>>)
      tpu.yield
    }) : () -> ()
    return
  }
}

module attributes {stable_mosaic.version = 14 : i64} {
  func.func @body(%arg0: i32, %arg1: memref<2x2000x64xf32, #tpu.memory_space<vmem>>, %arg2: memref<2x2000x16xf32, #tpu.memory_space<vmem>>, %arg3: memref<2000x128xf32, #tpu.memory_space<vmem>>, %arg4: memref<128x128xf32, #tpu.memory_space<vmem>>, %arg5: memref<1x128xf32, #tpu.memory_space<vmem>>, %arg6: memref<128x128xf32, #tpu.memory_space<vmem>>, %arg7: memref<2000x128xf32, #tpu.memory_space<vmem>>) attributes {dimension_semantics = [#tpu.dimension_semantics<arbitrary>], iteration_bounds = array<i64: 5>, scalar_prefetch = 0 : i64, scratch_operands = 0 : i64, tpu.core_type = #tpu.core_type<tc>, window_params = [{transform_indices = @transform_0, window_bounds = array<i64: 2, 2000, 64>}, {transform_indices = @transform_1, window_bounds = array<i64: 2, 2000, 16>}, {transform_indices = @transform_2, window_bounds = array<i64: 2000, 128>}, {pipeline_mode = #tpu.pipeline_mode<synchronous>, transform_indices = @transform_3, window_bounds = array<i64: 128, 128>}, {pipeline_mode = #tpu.pipeline_mode<synchronous>, transform_indices = @transform_4, window_bounds = array<i64: 1, 128>}, {pipeline_mode = #tpu.pipeline_mode<synchronous>, transform_indices = @transform_5, window_bounds = array<i64: 128, 128>}, {transform_indices = @transform_6, window_bounds = array<i64: 2000, 128>}]} {
    %get3A = arith.constant 0 : index
    %get3A_0 = arith.constant 0 : index
    %get3A_1 = arith.constant 0 : index
    %get3A_2 = vector.load %arg2[%get3A, %get3A_0, %get3A_1] : memref<2x2000x16xf32, #tpu.memory_space<vmem>>, vector<1x2000x16xf32>
    %get3A_3 = vector.shape_cast %get3A_2 : vector<1x2000x16xf32> to vector<2000x16xf32>
    %slice3A = vector.extract_strided_slice %get3A_3 {offsets = [0, 0], sizes = [2000, 1], strides = [1, 1]} : vector<2000x16xf32> to vector<2000x1xf32>
    %get3A_4 = arith.constant 1 : index
    %get3A_5 = arith.constant 0 : index
    %get3A_6 = arith.constant 0 : index
    %get3A_7 = vector.load %arg2[%get3A_4, %get3A_5, %get3A_6] : memref<2x2000x16xf32, #tpu.memory_space<vmem>>, vector<1x2000x16xf32>
    %get3A_8 = vector.shape_cast %get3A_7 : vector<1x2000x16xf32> to vector<2000x16xf32>
    %slice3A_9 = vector.extract_strided_slice %get3A_8 {offsets = [0, 0], sizes = [2000, 1], strides = [1, 1]} : vector<2000x16xf32> to vector<2000x1xf32>
    %add3A = arith.addf %slice3A, %slice3A_9 : vector<2000x1xf32>
    %max3A = arith.constant 1.000000e+00 : f32
    %max3A_10 = vector.broadcast %max3A : f32 to vector<2000x1xf32>
    %max3A_11 = arith.maximumf %add3A, %max3A_10 : vector<2000x1xf32>
    %get3A_12 = arith.constant 0 : index
    %get3A_13 = arith.constant 0 : index
    %get3A_14 = arith.constant 0 : index
    %get3A_15 = vector.load %arg1[%get3A_12, %get3A_13, %get3A_14] : memref<2x2000x64xf32, #tpu.memory_space<vmem>>, vector<1x2000x64xf32>
    %get3A_16 = vector.shape_cast %get3A_15 : vector<1x2000x64xf32> to vector<2000x64xf32>
    %div3A = vector.broadcast %max3A_11 : vector<2000x1xf32> to vector<2000x64xf32>
    %div3A_17 = arith.divf %get3A_16, %div3A : vector<2000x64xf32>
    %get3A_18 = arith.constant 0 : index
    %get3A_19 = arith.constant 0 : index
    %get3A_20 = vector.load %arg4[%get3A_18, %get3A_19] : memref<128x128xf32, #tpu.memory_space<vmem>>, vector<64x128xf32>
    %dot_general3A = arith.constant dense<0.000000e+00> : vector<2000x128xf32>
    %dot_general3A_21 = tpu.matmul %div3A_17, %get3A_20, %dot_general3A {dimension_numbers = #tpu.dot_dimension_numbers<[1], [0], [0], [1], [0, 0, 1, 1], [], []>, transpose_lhs_hint = false} : vector<2000x64xf32>, vector<64x128xf32>, vector<2000x128xf32> -> vector<2000x128xf32>
    %get3A_22 = arith.constant 1 : index
    %get3A_23 = arith.constant 0 : index
    %get3A_24 = arith.constant 0 : index
    %get3A_25 = vector.load %arg1[%get3A_22, %get3A_23, %get3A_24] : memref<2x2000x64xf32, #tpu.memory_space<vmem>>, vector<1x2000x64xf32>
    %get3A_26 = vector.shape_cast %get3A_25 : vector<1x2000x64xf32> to vector<2000x64xf32>
    %div3A_27 = vector.broadcast %max3A_11 : vector<2000x1xf32> to vector<2000x64xf32>
    %div3A_28 = arith.divf %get3A_26, %div3A_27 : vector<2000x64xf32>
    %get3A_29 = arith.constant 64 : index
    %get3A_30 = arith.constant 0 : index
    %get3A_31 = vector.load %arg4[%get3A_29, %get3A_30] : memref<128x128xf32, #tpu.memory_space<vmem>>, vector<64x128xf32>
    %dot_general3A_32 = arith.constant dense<0.000000e+00> : vector<2000x128xf32>
    %dot_general3A_33 = tpu.matmul %div3A_28, %get3A_31, %dot_general3A_32 {dimension_numbers = #tpu.dot_dimension_numbers<[1], [0], [0], [1], [0, 0, 1, 1], [], []>, transpose_lhs_hint = false} : vector<2000x64xf32>, vector<64x128xf32>, vector<2000x128xf32> -> vector<2000x128xf32>
    %add3A_34 = arith.addf %dot_general3A_21, %dot_general3A_33 : vector<2000x128xf32>
    %get3A_35 = arith.constant 0 : index
    %get3A_36 = arith.constant 0 : index
    %get3A_37 = vector.load %arg5[%get3A_35, %get3A_36] : memref<1x128xf32, #tpu.memory_space<vmem>>, vector<1x128xf32>
    %add3A_38 = vector.broadcast %get3A_37 : vector<1x128xf32> to vector<2000x128xf32>
    %add3A_39 = arith.addf %add3A_34, %add3A_38 : vector<2000x128xf32>
    %get3A_40 = arith.constant 0 : index
    %get3A_41 = arith.constant 0 : index
    %get3A_42 = vector.load %arg3[%get3A_40, %get3A_41] : memref<2000x128xf32, #tpu.memory_space<vmem>>, vector<2000x128xf32>
    %get3A_43 = arith.constant 0 : index
    %get3A_44 = arith.constant 0 : index
    %get3A_45 = vector.load %arg6[%get3A_43, %get3A_44] : memref<128x128xf32, #tpu.memory_space<vmem>>, vector<128x128xf32>
    %dot_general3A_46 = arith.constant dense<0.000000e+00> : vector<2000x128xf32>
    %dot_general3A_47 = tpu.matmul %get3A_42, %get3A_45, %dot_general3A_46 {dimension_numbers = #tpu.dot_dimension_numbers<[1], [0], [0], [1], [0, 0, 1, 1], [], []>, transpose_lhs_hint = false} : vector<2000x128xf32>, vector<128x128xf32>, vector<2000x128xf32> -> vector<2000x128xf32>
    %add3A_48 = arith.addf %add3A_39, %dot_general3A_47 : vector<2000x128xf32>
    %max3A_49 = arith.constant 0.000000e+00 : f32
    %max3A_50 = vector.broadcast %max3A_49 : f32 to vector<2000x128xf32>
    %max3A_51 = arith.maximumf %add3A_48, %max3A_50 : vector<2000x128xf32>
    %swap3A = arith.constant 0 : index
    %swap3A_52 = arith.constant 0 : index
    %swap3A_53 = vector.load %arg7[%swap3A, %swap3A_52] : memref<2000x128xf32, #tpu.memory_space<vmem>>, vector<2000x128xf32>
    tpu.vector_store %arg7[%swap3A, %swap3A_52], %max3A_51 {strides = array<i32>} : memref<2000x128xf32, #tpu.memory_space<vmem>>, vector<2000x128xf32>,
    return
  }
  func.func @transform_0(%arg0: i32) -> (i32, i32, i32) {
    %c0_i32 = arith.constant 0 : i32
    %c0_i32_0 = arith.constant 0 : i32
    %c0_i32_1 = arith.constant 0 : i32
    return %c0_i32, %arg0, %c0_i32_0 : i32, i32, i32
  }
  func.func @transform_1(%arg0: i32) -> (i32, i32, i32) {
    %c0_i32 = arith.constant 0 : i32
    %c0_i32_0 = arith.constant 0 : i32
    %c0_i32_1 = arith.constant 0 : i32
    return %c0_i32, %arg0, %c0_i32_0 : i32, i32, i32
  }
  func.func @transform_2(%arg0: i32) -> (i32, i32) {
    %c0_i32 = arith.constant 0 : i32
    %c0_i32_0 = arith.constant 0 : i32
    return %arg0, %c0_i32 : i32, i32
  }
  func.func @transform_3(%arg0: i32) -> (i32, i32) {
    %c0_i32 = arith.constant 0 : i32
    %c0_i32_0 = arith.constant 0 : i32
    %c0_i32_1 = arith.constant 0 : i32
    return %c0_i32, %c0_i32_0 : i32, i32
  }
  func.func @transform_4(%arg0: i32) -> (i32, i32) {
    %c0_i32 = arith.constant 0 : i32
    %c0_i32_0 = arith.constant 0 : i32
    %c0_i32_1 = arith.constant 0 : i32
    return %c0_i32, %c0_i32_0 : i32, i32
  }
  func.func @transform_5(%arg0: i32) -> (i32, i32) {
    %c0_i32 = arith.constant 0 : i32
    %c0_i32_0 = arith.constant 0 : i32
    %c0_i32_1 = arith.constant 0 : i32
    return %c0_i32, %c0_i32_0 : i32, i32
  }
  func.func @transform_6(%arg0: i32) -> (i32, i32) {
    %c0_i32 = arith.constant 0 : i32
    %c0_i32_0 = arith.constant 0 : i32
    return %arg0, %c0_i32 : i32, i32
  }
}

module attributes {stable_mosaic.version = 14 : i64} {
  func.func @body(%arg0: i32, %arg1: memref<2x2000x64xf32, #tpu.memory_space<vmem>>, %arg2: memref<2x2000x16xf32, #tpu.memory_space<vmem>>, %arg3: memref<2000x128xf32, #tpu.memory_space<vmem>>, %arg4: memref<128x128xf32, #tpu.memory_space<vmem>>, %arg5: memref<1x128xf32, #tpu.memory_space<vmem>>, %arg6: memref<128x128xf32, #tpu.memory_space<vmem>>, %arg7: memref<2000x128xf32, #tpu.memory_space<vmem>>) attributes {dimension_semantics = [#tpu.dimension_semantics<arbitrary>], iteration_bounds = array<i64: 5>, scalar_prefetch = 0 : i64, scratch_operands = 0 : i64, tpu.core_type = #tpu.core_type<tc>, window_params = [{transform_indices = @transform_0, window_bounds = array<i64: 2, 2000, 64>}, {transform_indices = @transform_1, window_bounds = array<i64: 2, 2000, 16>}, {transform_indices = @transform_2, window_bounds = array<i64: 2000, 128>}, {pipeline_mode = #tpu.pipeline_mode<synchronous>, transform_indices = @transform_3, window_bounds = array<i64: 128, 128>}, {pipeline_mode = #tpu.pipeline_mode<synchronous>, transform_indices = @transform_4, window_bounds = array<i64: 1, 128>}, {pipeline_mode = #tpu.pipeline_mode<synchronous>, transform_indices = @transform_5, window_bounds = array<i64: 128, 128>}, {transform_indices = @transform_6, window_bounds = array<i64: 2000, 128>}]} {
    %get3A = arith.constant 0 : index
    %get3A_0 = arith.constant 0 : index
    %get3A_1 = arith.constant 0 : index
    %get3A_2 = vector.load %arg2[%get3A, %get3A_0, %get3A_1] : memref<2x2000x16xf32, #tpu.memory_space<vmem>>, vector<1x2000x16xf32>
    %get3A_3 = vector.shape_cast %get3A_2 : vector<1x2000x16xf32> to vector<2000x16xf32>
    %slice3A = vector.extract_strided_slice %get3A_3 {offsets = [0, 0], sizes = [2000, 1], strides = [1, 1]} : vector<2000x16xf32> to vector<2000x1xf32>
    %get3A_4 = arith.constant 1 : index
    %get3A_5 = arith.constant 0 : index
    %get3A_6 = arith.constant 0 : index
    %get3A_7 = vector.load %arg2[%get3A_4, %get3A_5, %get3A_6] : memref<2x2000x16xf32, #tpu.memory_space<vmem>>, vector<1x2000x16xf32>
    %get3A_8 = vector.shape_cast %get3A_7 : vector<1x2000x16xf32> to vector<2000x16xf32>
    %slice3A_9 = vector.extract_strided_slice %get3A_8 {offsets = [0, 0], sizes = [2000, 1], strides = [1, 1]} : vector<2000x16xf32> to vector<2000x1xf32>
    %add3A = arith.addf %slice3A, %slice3A_9 : vector<2000x1xf32>
    %max3A = arith.constant 1.000000e+00 : f32
    %max3A_10 = vector.broadcast %max3A : f32 to vector<2000x1xf32>
    %max3A_11 = arith.maximumf %add3A, %max3A_10 : vector<2000x1xf32>
    %get3A_12 = arith.constant 0 : index
    %get3A_13 = arith.constant 0 : index
    %get3A_14 = arith.constant 0 : index
    %get3A_15 = vector.load %arg1[%get3A_12, %get3A_13, %get3A_14] : memref<2x2000x64xf32, #tpu.memory_space<vmem>>, vector<1x2000x64xf32>
    %get3A_16 = vector.shape_cast %get3A_15 : vector<1x2000x64xf32> to vector<2000x64xf32>
    %div3A = vector.broadcast %max3A_11 : vector<2000x1xf32> to vector<2000x64xf32>
    %div3A_17 = arith.divf %get3A_16, %div3A : vector<2000x64xf32>
    %get3A_18 = arith.constant 0 : index
    %get3A_19 = arith.constant 0 : index
    %get3A_20 = vector.load %arg4[%get3A_18, %get3A_19] : memref<128x128xf32, #tpu.memory_space<vmem>>, vector<64x128xf32>
    %dot_general3A = arith.constant dense<0.000000e+00> : vector<2000x128xf32>
    %dot_general3A_21 = tpu.matmul %div3A_17, %get3A_20, %dot_general3A {dimension_numbers = #tpu.dot_dimension_numbers<[1], [0], [0], [1], [0, 0, 1, 1], [], []>, transpose_lhs_hint = false} : vector<2000x64xf32>, vector<64x128xf32>, vector<2000x128xf32> -> vector<2000x128xf32>
    %get3A_22 = arith.constant 1 : index
    %get3A_23 = arith.constant 0 : index
    %get3A_24 = arith.constant 0 : index
    %get3A_25 = vector.load %arg1[%get3A_22, %get3A_23, %get3A_24] : memref<2x2000x64xf32, #tpu.memory_space<vmem>>, vector<1x2000x64xf32>
    %get3A_26 = vector.shape_cast %get3A_25 : vector<1x2000x64xf32> to vector<2000x64xf32>
    %div3A_27 = vector.broadcast %max3A_11 : vector<2000x1xf32> to vector<2000x64xf32>
    %div3A_28 = arith.divf %get3A_26, %div3A_27 : vector<2000x64xf32>
    %get3A_29 = arith.constant 64 : index
    %get3A_30 = arith.constant 0 : index
    %get3A_31 = vector.load %arg4[%get3A_29, %get3A_30] : memref<128x128xf32, #tpu.memory_space<vmem>>, vector<64x128xf32>
    %dot_general3A_32 = arith.constant dense<0.000000e+00> : vector<2000x128xf32>
    %dot_general3A_33 = tpu.matmul %div3A_28, %get3A_31, %dot_general3A_32 {dimension_numbers = #tpu.dot_dimension_numbers<[1], [0], [0], [1], [0, 0, 1, 1], [], []>, transpose_lhs_hint = false} : vector<2000x64xf32>, vector<64x128xf32>, vector<2000x128xf32> -> vector<2000x128xf32>
    %add3A_34 = arith.addf %dot_general3A_21, %dot_general3A_33 : vector<2000x128xf32>
    %get3A_35 = arith.constant 0 : index
    %get3A_36 = arith.constant 0 : index
    %get3A_37 = vector.load %arg5[%get3A_35, %get3A_36] : memref<1x128xf32, #tpu.memory_space<vmem>>, vector<1x128xf32>
    %add3A_38 = vector.broadcast %get3A_37 : vector<1x128xf32> to vector<2000x128xf32>
    %add3A_39 = arith.addf %add3A_34, %add3A_38 : vector<2000x128xf32>
    %get3A_40 = arith.constant 0 : index
    %get3A_41 = arith.constant 0 : index
    %get3A_42 = vector.load %arg3[%get3A_40, %get3A_41] : memref<2000x128xf32, #tpu.memory_space<vmem>>, vector<2000x128xf32>
    %get3A_43 = arith.constant 0 : index
    %get3A_44 = arith.constant 0 : index
    %get3A_45 = vector.load %arg6[%get3A_43, %get3A_44] : memref<128x128xf32, #tpu.memory_space<vmem>>, vector<128x128xf32>
    %dot_general3A_46 = arith.constant dense<0.000000e+00> : vector<2000x128xf32>
    %dot_general3A_47 = tpu.matmul %get3A_42, %get3A_45, %dot_general3A_46 {dimension_numbers = #tpu.dot_dimension_numbers<[1], [0], [0], [1], [0, 0, 1, 1], [], []>, transpose_lhs_hint = false} : vector<2000x128xf32>, vector<128x128xf32>, vector<2000x128xf32> -> vector<2000x128xf32>
    %add3A_48 = arith.addf %add3A_39, %dot_general3A_47 : vector<2000x128xf32>
    %swap3A = arith.constant 0 : index
    %swap3A_49 = arith.constant 0 : index
    %swap3A_50 = vector.load %arg7[%swap3A, %swap3A_49] : memref<2000x128xf32, #tpu.memory_space<vmem>>, vector<2000x128xf32>
    tpu.vector_store %arg7[%swap3A, %swap3A_49], %add3A_48 {strides = array<i32>} : memref<2000x128xf32, #tpu.memory_space<vmem>>, vector<2000x128xf32>,
    return
  }
  func.func @transform_0(%arg0: i32) -> (i32, i32, i32) {
    %c0_i32 = arith.constant 0 : i32
    %c0_i32_0 = arith.constant 0 : i32
    %c0_i32_1 = arith.constant 0 : i32
    return %c0_i32, %arg0, %c0_i32_0 : i32, i32, i32
  }
  func.func @transform_1(%arg0: i32) -> (i32, i32, i32) {
    %c0_i32 = arith.constant 0 : i32
    %c0_i32_0 = arith.constant 0 : i32
    %c0_i32_1 = arith.constant 0 : i32
    return %c0_i32, %arg0, %c0_i32_0 : i32, i32, i32
  }
  func.func @transform_2(%arg0: i32) -> (i32, i32) {
    %c0_i32 = arith.constant 0 : i32
    %c0_i32_0 = arith.constant 0 : i32
    return %arg0, %c0_i32 : i32, i32
  }
  func.func @transform_3(%arg0: i32) -> (i32, i32) {
    %c0_i32 = arith.constant 0 : i32
    %c0_i32_0 = arith.constant 0 : i32
    %c0_i32_1 = arith.constant 0 : i32
    return %c0_i32, %c0_i32_0 : i32, i32
  }
  func.func @transform_4(%arg0: i32) -> (i32, i32) {
    %c0_i32 = arith.constant 0 : i32
    %c0_i32_0 = arith.constant 0 : i32
    %c0_i32_1 = arith.constant 0 : i32
    return %c0_i32, %c0_i32_0 : i32, i32
  }
  func.func @transform_5(%arg0: i32) -> (i32, i32) {
    %c0_i32 = arith.constant 0 : i32
    %c0_i32_0 = arith.constant 0 : i32
    %c0_i32_1 = arith.constant 0 : i32
    return %c0_i32, %c0_i32_0 : i32, i32
  }
  func.func @transform_6(%arg0: i32) -> (i32, i32) {
    %c0_i32 = arith.constant 0 : i32
    %c0_i32_0 = arith.constant 0 : i32
    return %arg0, %c0_i32 : i32, i32
  }
}

</mosaic_0001>

<sc_bundles>
// kernel: kernel.6.cloned.1.call-start
scs
__scs_entry_jumppad:
0x0: {  	(pc) =	sbr.rel $0x88, $3  }
0x1: {  	(tag) =	ssettag $0x0;
	lr =	simm.s32 $0x1  }
0x2: {  	[smem:$0x3F99] =	sst lr;
	_ =	strace $0xD0000000  }
0x3: {  	_ = 	snop  }
0x4: {  	_ = 	snop  }
0x5: {  	_ = 	snop  }
0x6: {  	_ = 	snop  }
0x7: {  	_ = 	snop  }
__scs_overlays_trampoline_lowered:
0x8: {  	[smem:$0x3FA8] =	sst s0  }
0x9: {  	[smem:$0x3FA9] =	sst s1  }
0xa: {  	[smem:$0x3FAA] =	sst s2  }
0xb: {  	[smem:$0x3FAB] =	sst s3  }
0xc: {  	[smem:$0x3FAC] =	sst s4  }
0xd: {  	[smem:$0x3FAD] =	sst s5  }
0xe: {  	[smem:$0x3FAE] =	sst s6  }
0xf: {  	[smem:$0x3FAF] =	sst s7  }
0x10: {  	[smem:$0x3FB0] =	sst s8  }
0x11: {  	[smem:$0x3FB1] =	sst s9;
	s0 =	simm.s32 @!p0 $0x0  }
0x12: {  	s1 =	sld [smem:$0x3F97];
	s0 =	simm.s32 @p0 $0x1  }
0x13: {  	[smem:$0x3FB2] =	sst s0;
	s0 =	simm.s32 @!p1 $0x0  }
0x14: {  	s2 =	sld [smem:$0x3F96];
	s0 =	simm.s32 @p1 $0x1  }
0x15: {  	[smem:$0x3FB3] =	sst s0;
	s0 =	simm.s32 @!p2 $0x0  }
0x16: {  	s3 =	sld [smem:$0x3FDB];
	s0 =	simm.s32 @p2 $0x1  }
0x17: {  	s4 =	simm.s32 $0x1BF5;
	[smem:$0x3FB5] =	sst s0  }
0x18: {  	s0 =	sld [smem:$0x3F98];
	_ =	swait.ge [sflag:s4], $0x0  }
0x19: {  	s7 =	sld [smem:$0x3F99]  }
0x1a: {  	s8 =	sadd.s32 $0xFFFFE003, lr  }
0x1b: {  	s9 =	sadd.s32 $0xFFFFFEF7, lr;
	s5 =	simm.s32 $0xFFFFFFFF;
	p2 =	slt.u32 s8, $0xFFFFF086  }
0x1c: {  	p1 =	slt.u32 s9, $0xF7A;
	s5 =	simm.s32 @!p2 $0x0  }
0x1d: {  	s5 =	simm.s32 @p1 $0x1;
	p0 =	seq.s32 s7, s2  }
0x1e: {  	s7 =	smul.u32 @!p0 $0xF7A, s2;
	p2 =	seq.s32 @!p0 s5, $0x0  }
0x1f: {  	s9 =	smul.u32 $0xF7A, s1;
	s8 =	simm.s32 @!p0 $0x1BF5;
	p2 =	por !p2, p0  }
0x20: {  	[sflag:s8] =	ssyncset.s32 @!p0 $0xFFFFF086;
	s6 =	sadd.s32 @!p0 s3, s7;
	s7 =	simm.s32 @!p0 $0x108  }
0x21: {  	s3 =	sadd.s32 s3, s9;
	s6 =	sadd.s32 @!p0 $0x88, s6;
	s7 =	simm.s32 @p2 $0x1082  }
0x22: {  	[simem:s7], [sflag:s8] =	dma.local @!p0 [hbm:s6], $0xF7A  }
0x23: {  	s9 =	sor.u32 $0xD0000000, s2;
	s6 =	simm.s32 $0x108;
	_ =	swait.ge @!p0 [sflag:s8], $0x0  }
0x24: {  	s3 =	sadd.s32 $0x88, s3;
	s6 =	simm.s32 @!p1 $0x1082;
	[sflag:s4] =	ssyncset.s32 $0xFFFFF086  }
0x25: {  	[simem:s6], [sflag:s4] =	dma.local [hbm:s3], $0xF7A  }
0x26: {  	[smem:$0x3F99] =	sst s1;
	(tag) =	ssettag s2;
	_ =	strace s9  }
0x27: {  	s1 =	sld [smem:$0x3FA9]  }
0x28: {  	s2 =	sld [smem:$0x3FAA]  }
0x29: {  	s4 =	sld [smem:$0x3FAC]  }
0x2a: {  	p0 =	seq.s32 s5, $0x0;
	s5 =	sld [smem:$0x3FAD]  }
0x2b: {  	s6 =	sld [smem:$0x3FAE]  }
0x2c: {  	s7 =	sld [smem:$0x3FAF]  }
0x2d: {  	s3 =	simm.s32 $0x108;
	s8 =	sld [smem:$0x3FB0]  }
0x2e: {  	s3 =	simm.s32 @!p0 $0x1082;
	s9 =	sld [smem:$0x3FB1]  }
0x2f: {  	lr =	sadd.s32 s0, s3;
	s0 =	sld [smem:$0x3FA8]  }
0x30: {  	s3 =	sld [smem:$0x3FAB]  }
0x31: {  	[smem:$0x3FB4] =	sst s10  }
0x32: {  	s10 =	sld [smem:$0x3FB2];
	_ =	sdelay $0x3  }
0x33: {  	p0 =	seq.s32 s10, $0x1;
	s10 =	sld [smem:$0x3FB4];
	_ =	sdelay $0x3  }
0x34: {  	[smem:$0x3FB4] =	sst s10  }
0x35: {  	s10 =	sld [smem:$0x3FB3];
	_ =	sdelay $0x3  }
0x36: {  	p1 =	seq.s32 s10, $0x1;
	s10 =	sld [smem:$0x3FB4];
	_ =	sdelay $0x3  }
0x37: {  	[smem:$0x3FB4] =	sst s10  }
0x38: {  	s10 =	sld [smem:$0x3FB5]  }
0x39: {  	_ = 	snop;
	(pc) =	sbr.ind lr, $3  }
0x3a: {  	_ = 	snop  }
0x3b: {  	_ = 	snop  }
0x3c: {  	p2 =	seq.s32 s10, $0x1;
	s10 =	sld [smem:$0x3FB4]  }
0x3d: {  	_ =	shalt  }
0x3e: {  	_ =	shalt  }
0x3f: {  	_ =	shalt  }
0x40: {  	_ =	shalt  }
0x41: {  	_ =	shalt  }
0x42: {  	_ =	shalt  }
0x43: {  	_ =	shalt  }
0x44: {  	_ =	shalt  }
0x45: {  	_ =	shalt  }
0x46: {  	_ =	shalt  }
0x47: {  	_ =	shalt  }
0x48: {  	_ =	shalt  }
0x49: {  	_ =	shalt  }
0x4a: {  	_ =	shalt  }
0x4b: {  	_ =	shalt  }
0x4c: {  	_ =	shalt  }
0x4d: {  	_ =	shalt  }
0x4e: {  	_ =	shalt  }
0x4f: {  	_ =	shalt  }
0x50: {  	_ =	shalt  }
0x51: {  	_ =	shalt  }
0x52: {  	_ =	shalt  }
0x53: {  	_ =	shalt  }
0x54: {  	_ =	shalt  }
0x55: {  	_ =	shalt  }
0x56: {  	_ =	shalt  }
0x57: {  	_ =	shalt  }
0x58: {  	_ =	shalt  }
0x59: {  	_ =	shalt  }
0x5a: {  	_ =	shalt  }
0x5b: {  	_ =	shalt  }
0x5c: {  	_ =	shalt  }
0x5d: {  	_ =	shalt  }
0x5e: {  	_ =	shalt  }
0x5f: {  	_ =	shalt  }
0x60: {  	_ =	shalt  }
0x61: {  	_ =	shalt  }
0x62: {  	_ =	shalt  }
0x63: {  	_ =	shalt  }
0x64: {  	_ =	shalt  }
0x65: {  	_ =	shalt  }
0x66: {  	_ =	shalt  }
0x67: {  	_ =	shalt  }
0x68: {  	_ =	shalt  }
0x69: {  	_ =	shalt  }
0x6a: {  	_ =	shalt  }
0x6b: {  	_ =	shalt  }
0x6c: {  	_ =	shalt  }
0x6d: {  	_ =	shalt  }
0x6e: {  	_ =	shalt  }
0x6f: {  	_ =	shalt  }
0x70: {  	_ =	shalt  }
0x71: {  	_ =	shalt  }
0x72: {  	_ =	shalt  }
0x73: {  	_ =	shalt  }
0x74: {  	_ =	shalt  }
0x75: {  	_ =	shalt  }
0x76: {  	_ =	shalt  }
0x77: {  	_ =	shalt  }
0x78: {  	_ =	shalt  }
0x79: {  	_ =	shalt  }
0x7a: {  	_ =	shalt  }
0x7b: {  	_ =	shalt  }
0x7c: {  	_ =	shalt  }
0x7d: {  	_ =	shalt  }
0x7e: {  	_ =	shalt  }
0x7f: {  	_ =	shalt  }
0x80: {  	_ =	shalt  }
0x81: {  	_ =	shalt  }
0x82: {  	_ =	shalt  }
0x83: {  	_ =	shalt  }
0x84: {  	_ =	shalt  }
0x85: {  	_ =	shalt  }
0x86: {  	_ =	shalt  }
0x87: {  	_ =	shalt  }
.Lfunc_end0:
.L_simem_size_0:
called_computation_lowered:
.L_overlay_start_0:
0x88: {  	s2 =	sld [smem:$0x3FD9]  }
0x89: {  	s3 =	sld [smem:$0x3FFE];
	_ =	sdelay $0x1  }
0x8a: {  	s1 =	srdreg.scid  }
0x8b: {  	s0 =	sand.u32 $0x1, s1  }
0x8c: {  	s17 =	sshll.u32 s0, $0xA;
	s2 =	sadd.s32 s3, s2  }
0x8d: {  	s2 =	sadd.s32 s2, s17  }
0x8e: {  	[smem:$0x3FC0] =	sst s2  }
0x8f: {  	_ = 	snop  }
0x90: {  	s2 =	sld [smem:$0x3FD0];
	(tm) =	ssettm $0x1  }
0x91: {  	s18 =	sld [smem:$0x3FFB];
	_ =	sdelay $0x3  }
0x92: {  	_ =	strace s18  }
0x93: {  	s3 =	sld [smem:$0x3FFC];
	_ =	sdelay $0x3  }
0x94: {  	_ =	strace s3  }
0x95: {  	s3 =	sld [smem:$0x3FFD];
	_ =	sdelay $0x3  }
0x96: {  	_ =	strace s3  }
0x97: {  	_ =	strace $0x8FFFFFFF  }
0x98: {  	s19 =	sld [smem:$0x3FDB];
	_ =	sdelay $0x1  }
0x99: {  	s4 =	simm.s32 $_scs_section_size  }
0x9a: {  	s5 =	simm.s32 $_size__tile_overlayer_lowered;
	s6 =	simm.s32 $_tile_overlayer_lowered  }
0x9b: {  	s22 =	simm.s32 $0x1BFF;
	s21 =	sshll.u32 s6, $0x1;
	s3 =	sadd.s32 s4, s19  }
0x9c: {  	s7 =	simm.s32 $0x0;
	s20 =	sshll.u32 s5, $0x1;
	s5 =	sadd.s32 s21, s3  }
0x9d: {  	[timem:s7], [sflag:s22] =	dma.local [hbm:s5], s20  }
0x9e: {  	_ =	swait.ge [sflag:s22], s20  }
0x9f: {  	s4 =	ssub.s32 $0x0, s20;
	[sflag:s22] =	ssyncset.done $0x0  }
0xa0: {  	[sflag:s22] =	ssyncadd.s32 s4;
	_ =	sdelay $0x1  }
0xa1: {  	s23 =	simm.s32 $0x1B8B  }
0xa2: {  	_ =	swait.ge [sflag:s23], $0x1  }
0xa3: {  	[sflag:s23] =	ssyncset.done $0x0  }
0xa4: {  	s25 =	simm.s32 $0x1B8E;
	s24 =	sld [smem:$0x3FFE];
	[sflag:s23] =	ssyncadd.s32 $0xFFFFFFFF  }
0xa5: {  	s26 =	simm.s32 $execute0_lowered;
	[smem:$0x3FD2] =	sst s25  }
0xa6: {  	s5 =	sshll.u32 s26, $0x1;
	_ =	strace $0x80000046;
	[dreg:$0x1] =	wrdreg $0xFFFFFFFF  }
0xa7: {  	s28 =	simm.s32 $_size_execute0_lowered;
	s3 =	sadd.s32 s3, s5;
	[dreg:$0x0] =	wrdreg $0x0  }
0xa8: {  	s5 =	sshll.u32 s28, $0x1;
	[dreg:$0x2] =	wrdreg s3  }
0xa9: {  	[dreg:$0x3] =	wrdreg s5  }
0xaa: {  	[dreg:$0x4] =	wrdreg $0xC0  }
0xab: {  	_ =	task [dreg:s7], $0x5FFFF  }
0xac: {  	[dreg:$0x1] =	wrdreg $0xFFFFFFFF  }
0xad: {  	[dreg:$0x0] =	wrdreg $0x60  }
0xae: {  	[dreg:$0x2] =	wrdreg s24  }
0xaf: {  	[dreg:$0x3] =	wrdreg s2  }
0xb0: {  	[dreg:$0x4] =	wrdreg $0xF0000  }
0xb1: {  	[dreg:$0x5] =	wrdreg $0x1A0000  }
0xb2: {  	[dreg:$0x6] =	wrdreg $0x9  }
0xb3: {  	_ =	task.clear_ibuf [dreg:s7], $0x7FFFF;
	_ =	strace $0x90000046  }
0xb4: {  	s29 =	simm.s32 $0x9;
	_ =	strace $0x80000048  }
0xb5: {  	_ =	swait.ge [sflag:s29], $0x1  }
0xb6: {  	[sflag:s29] =	ssyncadd.s32 $0xFFFFFFFF  }
0xb7: {  	_ =	strace $0x90000048  }
0xb8: {  	_ =	sfence  }
0xb9: {  	s30 =	sld [smem:$0x0];
	_ =	sdelay $0x2  }
0xba: {  	s31 =	sshll.u32 s1, $0xD;
	s1 =	sshrl.u32 s1, $0x2  }
0xbb: {  	s3 =	sand.u32 $0x4000, s31;
	s1 =	sadd.s32 s1, s30  }
0xbc: {  	s0 =	sor.u32 s3, s0;
	s1 =	sshll.u32 s1, $0x11  }
0xbd: {  	s0 =	sor.u32 s1, s0  }
0xbe: {  	s0 =	sadd.s32 $0x8F2B, s0  }
0xbf: {  	[sflag:s0] =	ssyncadd.remote.s32 $0x1  }
0xc0: {  	_ =	sfence.sel $0xFFFF  }
0xc1: {  	[dreg:$0x0] =	wrdreg $0xFFFFFFFF;
	(pc) =	sbr.abs _section_cstart, $3  }
0xc2: {  	[dreg:$0x1] =	wrdreg $0xFFFFFFFF  }
0xc3: {  	_ =	task.clear_ibuf [dreg:s7], $0x2FFFF;
	_ =	strace $0x9FFFFFFF  }
0xc4: {  	(tm) =	ssettm $0x7FFFFFFF  }
0xc5: {  	_ =	shalt  }
tec
execute0_lowered:
.L_overlay_start_1:
0x0: {  	(tag) =	ssettag $0x1  }
0x1: {  	s0 =	rddreg [dreg:$0x0]  }
0x2: {  	s1 =	rddreg [dreg:$0x1];
	s13 =	stileid.u32  }
0x3: {  	s2 =	srdreg.scid;
	s7 =	smul.u32 $0x5000, s13  }
0x4: {  	s3 =	rddreg [dreg:$0x2];
	s8 =	smul.u32 $0xA000, s13  }
0x5: {  	s4 =	rddreg [dreg:$0x3];
	s10 =	smul.u32 $0x2800, s13  }
0x6: {  	s5 =	simm.s32 $0x0;
	s2 =	sand.u32 $0x1, s2;
	s26 =	smul.u32 $0x280, s13  }
0x7: {  	s28 =	simm.s32 $0x80;
	s29 =	simm.s32 $0x5000;
	s6 =	smul.u32 $0x50000, s2  }
0x8: {  	s30 =	simm.s32 $0x7000;
	s31 =	simm.s32 $0x9000;
	s9 =	smul.u32 $0xA0000, s2  }
0x9: {  	[smem:$0x7FF] =	sst s5;
	s11 =	smul.u32 $0x28000, s2;
	s2 =	ssub.s32 $0x2, s2  }
0xa: {  	_ =	strace $0x80000047;
	s15 =	sshrl.u32 s2, $0x1;
	s16 =	sadd.s32 $0x80, s26  }
0xb: {  	s13 =	sadd.s32 $0x100, s26;
	s6 =	sadd.s32 s7, s6;
	s7 =	sshrl.u32 s7, $0x3  }
0xc: {  	s9 =	sadd.s32 s8, s9;
	s25 =	sadd.s32 s10, s11;
	s2 =	ssub.s32 s2, s15  }
0xd: {  	s17 =	sshll.u32 s16, $0x6;
	s18 =	sshll.u32 s13, $0x6;
	s15 =	sadd.s32 $0x200, s26  }
0xe: {  	s11 =	sadd.s32 s10, s4;
	s23 =	sshll.u32 s13, $0x4;
	s6 =	sshrl.u32 s6, $0x3  }
0xf: {  	s7 =	sadd.s32 s7, s0;
	s24 =	sshrl.u32 s9, $0x3;
	s14 =	sshrl.u32 s25, $0x3  }
0x10: {  	s21 =	sshll.u32 s15, $0x6;
	s9 =	sshll.u32 s16, $0x4;
	s25 =	sshll.u32 s15, $0x4  }
0x11: {  	s12 =	sadd.s32 s6, s0;
	s20 =	sadd.s32 s24, s0;
	s0 =	sadd.s32 s14, s0  }
0x12: {  	s6 =	sadd.s32 s8, s3;
	s8 =	sadd.s32 s17, s3;
	s14 =	sadd.s32 $0x180, s26  }
0x13: {  	s22 =	sadd.s32 s9, s4;
	s15 =	sadd.s32 s25, s4;
	s17 =	sadd.s32 $0x15E00, s7  }
0x14: {  	s25 =	simm.s32 $0x19800;
	[dreg:$0x5] =	wrdreg s8;
	s8 =	sadd.s32 s18, s3  }
0x15: {  	s19 =	sshll.u32 s14, $0x6;
	[dreg:$0x9] =	wrdreg s22;
	s24 =	sshll.u32 s14, $0x4  }
0x16: {  	s16 =	sadd.s32 $0x1E00, s12;
	s18 =	sadd.s32 $0x2300, s12;
	s20 =	sadd.s32 $0x29E00, s20  }
0x17: {  	s22 =	smax.u32 s2, $0x1;
	s2 =	simm.s32 $0xB000;
	[dreg:$0x6] =	wrdreg s8  }
0x18: {  	s8 =	sadd.s32 s19, s3;
	s26 =	sadd.s32 s24, s4;
	s19 =	sadd.s32 $0x16300, s7  }
0x19: {  	s24 =	simm.s32 $0x2;
	s7 =	simm.s32 $0x19000;
	[dreg:$0x7] =	wrdreg s8  }
0x1a: {  	s8 =	sadd.s32 s21, s3;
	[dreg:$0xb] =	wrdreg s26;
	s21 =	sadd.s32 $0x1FE00, s0  }
0x1b: {  	v0 =	vimm.f32 $0.0e+00;
	vm0 =	vcmask $0x300;
	s26 =	simm.s32 $0x2800;
	[dreg:$0x8] =	wrdreg s8;
	s8 =	sadd.s32 s23, s4  }
0x1c: {  	v1 =	vsel vm0, $0x3F000000, v0;
	s0 =	simm.s32 $0x1;
	s23 =	simm.s32 $0xD000;
	[dreg:$0xa] =	wrdreg s8  }
.LBB2_1:
0x1d: {  	s9 =	simm.s32 $0x100;
	s8 =	simm.s32 $0x0  }
.LBB2_2:
0x1e: {  	p0 =	sne.s32 s9, $0x7F00;
	[tilespmem:s8+$0xD030] =	vst v0;
	s10 =	smov.u32 s9;
	s9 =	sadd.s32 $0x100, s9  }
.Ltmp0:
0x1f: {  	[tilespmem:s8+$0xD020] =	vst v0;
	(pc) =	sbr.rel @p0 .LBB2_2-.Ltmp0, $3  }
0x20: {  	[tilespmem:s8+$0xD000] =	vst v0  }
0x21: {  	[tilespmem:s8+$0xD010] =	vst v0;
	_ =	sdelay $0x1  }
0x22: {  	s8 =	sshra.s32 s10, $0x2  }
0x23: {  	[tilespmem:s8+$0xD030] =	vst v0  }
0x24: {  	[tilespmem:s8+$0xD020] =	vst v0  }
0x25: {  	[tilespmem:s8+$0xD000] =	vst v0  }
0x26: {  	[tilespmem:s8+$0xD010] =	vst v0  }
0x27: {  	[spmem:s6] =	stream.linear.scatter [tilespmem:s23], [sflag:$0x2], $0x2000, $0x38;
	[tilespmem:$0x1C800] =	vst v63  }
0x28: {  	_ =	swait.ge [sflag:s24], $0x2000  }
0x29: {  	[sflag:s24] =	ssyncset.done $0x0  }
0x2a: {  	s10 =	rddreg [dreg:$0x5];
	[sflag:s24] =	ssyncadd.s32 $0xFFFFE000  }
0x2b: {  	[spmem:s10] =	stream.linear.scatter [tilespmem:s23], [sflag:$0x2], $0x2000, $0x38;
	[tilespmem:$0x1C800] =	vst v63  }
0x2c: {  	_ =	swait.ge [sflag:s24], $0x2000  }
0x2d: {  	[sflag:s24] =	ssyncset.done $0x0  }
0x2e: {  	s12 =	rddreg [dreg:$0x6];
	[sflag:s24] =	ssyncadd.s32 $0xFFFFE000  }
0x2f: {  	[spmem:s12] =	stream.linear.scatter [tilespmem:s23], [sflag:$0x2], $0x2000, $0x38;
	[tilespmem:$0x1C800] =	vst v63  }
0x30: {  	_ =	swait.ge [sflag:s24], $0x2000  }
0x31: {  	[sflag:s24] =	ssyncset.done $0x0  }
0x32: {  	s13 =	rddreg [dreg:$0x7];
	[sflag:s24] =	ssyncadd.s32 $0xFFFFE000  }
0x33: {  	[spmem:s13] =	stream.linear.scatter [tilespmem:s23], [sflag:$0x2], $0x2000, $0x38;
	[tilespmem:$0x1C800] =	vst v63  }
0x34: {  	_ =	swait.ge [sflag:s24], $0x2000  }
0x35: {  	[sflag:s24] =	ssyncset.done $0x0  }
0x36: {  	s14 =	rddreg [dreg:$0x8];
	[sflag:s24] =	ssyncadd.s32 $0xFFFFE000  }
0x37: {  	[spmem:s14] =	stream.linear.scatter [tilespmem:s23], [sflag:$0x2], $0x2000, $0x38;
	[tilespmem:$0x1C800] =	vst v63  }
0x38: {  	_ =	swait.ge [sflag:s24], $0x2000  }
0x39: {  	[sflag:s24] =	ssyncset.done $0x0  }
0x3a: {  	s8 =	simm.s32 $0x40;
	s9 =	simm.s32 $0x0;
	[sflag:s24] =	ssyncadd.s32 $0xFFFFE000  }
.LBB2_4:
0x3b: {  	p0 =	sne.s32 s8, $0x1FC0;
	[tilespmem:s9+$0x19000] =	vst v1;
	s10 =	smov.u32 s8;
	s8 =	sadd.s32 $0x40, s8  }
.Ltmp1:
0x3c: {  	[tilespmem:s9+$0x19800] =	vst v0;
	(pc) =	sbr.rel @p0 .LBB2_4-.Ltmp1, $2  }
0x3d: {  	_ =	sdelay $0x2  }
0x3e: {  	s9 =	sshra.s32 s10, $0x2  }
0x3f: {  	[tilespmem:s9+$0x19000] =	vst v1  }
0x40: {  	[tilespmem:s9+$0x19800] =	vst v0  }
0x41: {  	[spmem:s11] =	stream.linear.scatter [tilespmem:s25], [sflag:$0x2], $0x800, $0x38;
	[tilespmem:$0x1C800] =	vst v63  }
0x42: {  	_ =	swait.ge [sflag:s24], $0x800  }
0x43: {  	[sflag:s24] =	ssyncset.done $0x0  }
0x44: {  	s8 =	rddreg [dreg:$0x9];
	[sflag:s24] =	ssyncadd.s32 $0xFFFFF800  }
0x45: {  	[spmem:s8] =	stream.linear.scatter [tilespmem:s25], [sflag:$0x2], $0x800, $0x38;
	[tilespmem:$0x1C800] =	vst v63  }
0x46: {  	_ =	swait.ge [sflag:s24], $0x800  }
0x47: {  	[sflag:s24] =	ssyncset.done $0x0  }
0x48: {  	s10 =	rddreg [dreg:$0xa];
	[sflag:s24] =	ssyncadd.s32 $0xFFFFF800  }
0x49: {  	[spmem:s10] =	stream.linear.scatter [tilespmem:s25], [sflag:$0x2], $0x800, $0x38;
	[tilespmem:$0x1C800] =	vst v63  }
0x4a: {  	_ =	swait.ge [sflag:s24], $0x800  }
0x4b: {  	[sflag:s24] =	ssyncset.done $0x0  }
0x4c: {  	s12 =	rddreg [dreg:$0xb];
	[sflag:s24] =	ssyncadd.s32 $0xFFFFF800  }
0x4d: {  	[spmem:s12] =	stream.linear.scatter [tilespmem:s25], [sflag:$0x2], $0x800, $0x38;
	[tilespmem:$0x1C800] =	vst v63  }
0x4e: {  	_ =	swait.ge [sflag:s24], $0x800  }
0x4f: {  	[sflag:s24] =	ssyncset.done $0x0  }
0x50: {  	[sflag:s24] =	ssyncadd.s32 $0xFFFFF800  }
0x51: {  	[spmem:s15] =	stream.linear.scatter [tilespmem:s25], [sflag:$0x2], $0x800, $0x38;
	[tilespmem:$0x1C800] =	vst v63  }
0x52: {  	_ =	swait.ge [sflag:s24], $0x800  }
0x53: {  	[sflag:s24] =	ssyncset.done $0x0  }
0x54: {  	[sflag:s24] =	ssyncadd.s32 $0xFFFFF800  }
0x55: {  	s13 =	simm.s32 $0x0;
	[bflag:$0x0] =	sbarrier.arrive $0xFFFF  }
0x56: {  	[tilespmem:s13], [sflag:$0x2] =	stream.linear.gather [hbm4b:s16+s13], $0x2800, $0x38;
	[tilespmem:$0x1C800] =	vst v63  }
0x57: {  	_ =	swait.ge [sflag:s24], $0x2800  }
0x58: {  	[sflag:s24] =	ssyncset.done $0x0  }
0x59: {  	[sflag:s24] =	ssyncadd.s32 $0xFFFFD800  }
0x5a: {  	[tilespmem:s26], [sflag:$0x2] =	stream.linear.gather [hbm4b:s17+s13], $0x2800, $0x38;
	[tilespmem:$0x1C800] =	vst v63  }
0x5b: {  	_ =	swait.ge [sflag:s24], $0x2800  }
0x5c: {  	[sflag:s24] =	ssyncset.done $0x0  }
0x5d: {  	s14 =	simm.s32 $0x0;
	[sflag:s24] =	ssyncadd.s32 $0xFFFFD800  }
0x5e: {  	[tilespmem:s29], [sflag:$0x1] =	stream.indirect.gather [hbm4b:s1+s28], $0x40, s14, s28, $0xb8;
	[tilespmem:$0x1C800] =	vst v63  }
0x5f: {  	s9 =	simm.s32 $0x80  }
0x60: {  	[tilespmem:s30], [sflag:$0x1] =	stream.indirect.gather [hbm4b:s1+s28], $0x40, s9, s28, $0xb8;
	[tilespmem:$0x1C800] =	vst v63  }
0x61: {  	s10 =	simm.s32 $0x100  }
0x62: {  	[tilespmem:s31], [sflag:$0x1] =	stream.indirect.gather [hbm4b:s1+s28], $0x40, s10, s28, $0xb8;
	[tilespmem:$0x1C800] =	vst v63  }
0x63: {  	s12 =	simm.s32 $0x180  }
0x64: {  	[tilespmem:s2], [sflag:$0x1] =	stream.indirect.gather [hbm4b:s1+s28], $0x40, s12, s28, $0xb8;
	[tilespmem:$0x1C800] =	vst v63  }
0x65: {  	_ =	swait.ge [sflag:s0], $0x2000  }
0x66: {  	[sflag:s0] =	ssyncset.done $0x0  }
0x67: {  	[sflag:s0] =	ssyncadd.s32 $0xFFFFE000  }
0x68: {  	_ =	swait.ge [sflag:s0], $0x2000  }
0x69: {  	[sflag:s0] =	ssyncset.done $0x0  }
0x6a: {  	[sflag:s0] =	ssyncadd.s32 $0xFFFFE000  }
0x6b: {  	_ =	swait.ge [sflag:s0], $0x2000  }
0x6c: {  	[sflag:s0] =	ssyncset.done $0x0  }
0x6d: {  	[sflag:s0] =	ssyncadd.s32 $0xFFFFE000  }
0x6e: {  	_ =	swait.ge [sflag:s0], $0x2000  }
0x6f: {  	[sflag:s0] =	ssyncset.done $0x0  }
0x70: {  	s13 =	simm.s32 $0x2800;
	[sflag:s0] =	ssyncadd.s32 $0xFFFFE000  }
0x71: {  	[spmem:s3] =	stream.indirect.scatter.add.f32 [tilespmem:s29], [sflag:$0x2], $0x40, s13, s28, $0xb8;
	[tilespmem:$0x1C800] =	vst v63  }
0x72: {  	_ =	swait.ge [sflag:s24], $0x2000  }
0x73: {  	[sflag:s24] =	ssyncset.done $0x0  }
0x74: {  	s14 =	simm.s32 $0x2880;
	[sflag:s24] =	ssyncadd.s32 $0xFFFFE000  }
0x75: {  	[spmem:s3] =	stream.indirect.scatter.add.f32 [tilespmem:s30], [sflag:$0x2], $0x40, s14, s28, $0xb8;
	[tilespmem:$0x1C800] =	vst v63  }
0x76: {  	_ =	swait.ge [sflag:s24], $0x2000  }
0x77: {  	[sflag:s24] =	ssyncset.done $0x0  }
0x78: {  	s10 =	simm.s32 $0x2900;
	[sflag:s24] =	ssyncadd.s32 $0xFFFFE000  }
0x79: {  	[spmem:s3] =	stream.indirect.scatter.add.f32 [tilespmem:s31], [sflag:$0x2], $0x40, s10, s28, $0xb8;
	[tilespmem:$0x1C800] =	vst v63  }
0x7a: {  	_ =	swait.ge [sflag:s24], $0x2000  }
0x7b: {  	[sflag:s24] =	ssyncset.done $0x0  }
0x7c: {  	s12 =	simm.s32 $0x2980;
	[sflag:s24] =	ssyncadd.s32 $0xFFFFE000  }
0x7d: {  	[spmem:s3] =	stream.indirect.scatter.add.f32 [tilespmem:s2], [sflag:$0x2], $0x40, s12, s28, $0xb8;
	[tilespmem:$0x1C800] =	vst v63  }
0x7e: {  	_ =	swait.ge [sflag:s24], $0x2000  }
0x7f: {  	[sflag:s24] =	ssyncset.done $0x0  }
0x80: {  	[sflag:s24] =	ssyncadd.s32 $0xFFFFE000  }
0x81: {  	[spmem:s4] =	stream.indirect.scatter.add.f32 [tilespmem:s7], [sflag:$0x2], $0x10, s13, s28, $0xb8;
	[tilespmem:$0x1C800] =	vst v63  }
0x82: {  	_ =	swait.ge [sflag:s24], $0x800  }
0x83: {  	[sflag:s24] =	ssyncset.done $0x0  }
0x84: {  	[sflag:s24] =	ssyncadd.s32 $0xFFFFF800  }
0x85: {  	[spmem:s4] =	stream.indirect.scatter.add.f32 [tilespmem:s7], [sflag:$0x2], $0x10, s14, s28, $0xb8;
	[tilespmem:$0x1C800] =	vst v63  }
0x86: {  	_ =	swait.ge [sflag:s24], $0x800  }
0x87: {  	[sflag:s24] =	ssyncset.done $0x0  }
0x88: {  	[sflag:s24] =	ssyncadd.s32 $0xFFFFF800  }
0x89: {  	[spmem:s4] =	stream.indirect.scatter.add.f32 [tilespmem:s7], [sflag:$0x2], $0x10, s10, s28, $0xb8;
	[tilespmem:$0x1C800] =	vst v63  }
0x8a: {  	_ =	swait.ge [sflag:s24], $0x800  }
0x8b: {  	[sflag:s24] =	ssyncset.done $0x0  }
0x8c: {  	[sflag:s24] =	ssyncadd.s32 $0xFFFFF800  }
0x8d: {  	[spmem:s4] =	stream.indirect.scatter.add.f32 [tilespmem:s7], [sflag:$0x2], $0x10, s12, s28, $0xb8;
	[tilespmem:$0x1C800] =	vst v63  }
0x8e: {  	_ =	swait.ge [sflag:s24], $0x800  }
0x8f: {  	s8 =	simm.s32 $0x800;
	s9 =	simm.s32 $0x1000;
	[sflag:s24] =	ssyncset.done $0x0  }
.LBB2_6:
0x90: {  	s10 =	sshra.s32 s8, $0x2  }
0x91: {  	[sflag:s24] =	ssyncadd.s32 $0xFFFFF800;
	s8 =	smov.u32 s9;
	s12 =	sadd.s32 $0x800, s9  }
0x92: {  	[tilespmem:s29], [sflag:$0x1] =	stream.indirect.gather [hbm4b:s1+s28], $0x40, s10, s28, $0xb8;
	[tilespmem:$0x1C800] =	vst v63  }
0x93: {  	p0 =	sne.s32 s9, $0x9800;
	s9 =	sadd.s32 $0x80, s10  }
0x94: {  	[tilespmem:s30], [sflag:$0x1] =	stream.indirect.gather [hbm4b:s1+s28], $0x40, s9, s28, $0xb8;
	[tilespmem:$0x1C800] =	vst v63  }
0x95: {  	s9 =	sadd.s32 $0x100, s10  }
0x96: {  	[tilespmem:s31], [sflag:$0x1] =	stream.indirect.gather [hbm4b:s1+s28], $0x40, s9, s28, $0xb8;
	[tilespmem:$0x1C800] =	vst v63  }
0x97: {  	s9 =	sadd.s32 $0x180, s10  }
0x98: {  	[tilespmem:s2], [sflag:$0x1] =	stream.indirect.gather [hbm4b:s1+s28], $0x40, s9, s28, $0xb8;
	[tilespmem:$0x1C800] =	vst v63  }
0x99: {  	_ =	swait.ge [sflag:s0], $0x2000  }
0x9a: {  	[sflag:s0] =	ssyncset.done $0x0  }
0x9b: {  	[sflag:s0] =	ssyncadd.s32 $0xFFFFE000  }
0x9c: {  	_ =	swait.ge [sflag:s0], $0x2000  }
0x9d: {  	[sflag:s0] =	ssyncset.done $0x0  }
0x9e: {  	[sflag:s0] =	ssyncadd.s32 $0xFFFFE000  }
0x9f: {  	_ =	swait.ge [sflag:s0], $0x2000  }
0xa0: {  	[sflag:s0] =	ssyncset.done $0x0  }
0xa1: {  	[sflag:s0] =	ssyncadd.s32 $0xFFFFE000  }
0xa2: {  	_ =	swait.ge [sflag:s0], $0x2000  }
0xa3: {  	[sflag:s0] =	ssyncset.done $0x0  }
0xa4: {  	s9 =	sadd.s32 $0x2800, s10;
	[sflag:s0] =	ssyncadd.s32 $0xFFFFE000  }
0xa5: {  	[spmem:s3] =	stream.indirect.scatter.add.f32 [tilespmem:s29], [sflag:$0x2], $0x40, s9, s28, $0xb8;
	[tilespmem:$0x1C800] =	vst v63  }
0xa6: {  	_ =	swait.ge [sflag:s24], $0x2000  }
0xa7: {  	[sflag:s24] =	ssyncset.done $0x0  }
0xa8: {  	s13 =	sadd.s32 $0x2880, s10;
	[sflag:s24] =	ssyncadd.s32 $0xFFFFE000  }
0xa9: {  	[spmem:s3] =	stream.indirect.scatter.add.f32 [tilespmem:s30], [sflag:$0x2], $0x40, s13, s28, $0xb8;
	[tilespmem:$0x1C800] =	vst v63  }
0xaa: {  	_ =	swait.ge [sflag:s24], $0x2000  }
0xab: {  	[sflag:s24] =	ssyncset.done $0x0  }
0xac: {  	s14 =	sadd.s32 $0x2900, s10;
	[sflag:s24] =	ssyncadd.s32 $0xFFFFE000  }
0xad: {  	[spmem:s3] =	stream.indirect.scatter.add.f32 [tilespmem:s31], [sflag:$0x2], $0x40, s14, s28, $0xb8;
	[tilespmem:$0x1C800] =	vst v63  }
0xae: {  	_ =	swait.ge [sflag:s24], $0x2000  }
0xaf: {  	[sflag:s24] =	ssyncset.done $0x0  }
0xb0: {  	s10 =	sadd.s32 $0x2980, s10;
	[sflag:s24] =	ssyncadd.s32 $0xFFFFE000  }
0xb1: {  	[spmem:s3] =	stream.indirect.scatter.add.f32 [tilespmem:s2], [sflag:$0x2], $0x40, s10, s28, $0xb8;
	[tilespmem:$0x1C800] =	vst v63  }
0xb2: {  	_ =	swait.ge [sflag:s24], $0x2000  }
0xb3: {  	[sflag:s24] =	ssyncset.done $0x0  }
0xb4: {  	[sflag:s24] =	ssyncadd.s32 $0xFFFFE000  }
0xb5: {  	[spmem:s4] =	stream.indirect.scatter.add.f32 [tilespmem:s7], [sflag:$0x2], $0x10, s9, s28, $0xb8;
	[tilespmem:$0x1C800] =	vst v63  }
0xb6: {  	_ =	swait.ge [sflag:s24], $0x800  }
0xb7: {  	[sflag:s24] =	ssyncset.done $0x0  }
0xb8: {  	[sflag:s24] =	ssyncadd.s32 $0xFFFFF800  }
0xb9: {  	[spmem:s4] =	stream.indirect.scatter.add.f32 [tilespmem:s7], [sflag:$0x2], $0x10, s13, s28, $0xb8;
	[tilespmem:$0x1C800] =	vst v63  }
0xba: {  	_ =	swait.ge [sflag:s24], $0x800  }
0xbb: {  	[sflag:s24] =	ssyncset.done $0x0  }
0xbc: {  	[sflag:s24] =	ssyncadd.s32 $0xFFFFF800  }
0xbd: {  	[spmem:s4] =	stream.indirect.scatter.add.f32 [tilespmem:s7], [sflag:$0x2], $0x10, s14, s28, $0xb8;
	[tilespmem:$0x1C800] =	vst v63  }
0xbe: {  	_ =	swait.ge [sflag:s24], $0x800  }
.Ltmp2:
0xbf: {  	[sflag:s24] =	ssyncset.done $0x0;
	(pc) =	sbr.rel @p0 .LBB2_6-.Ltmp2, $4  }
0xc0: {  	[sflag:s24] =	ssyncadd.s32 $0xFFFFF800  }
0xc1: {  	[spmem:s4] =	stream.indirect.scatter.add.f32 [tilespmem:s7], [sflag:$0x2], $0x10, s10, s28, $0xb8;
	[tilespmem:$0x1C800] =	vst v63  }
0xc2: {  	_ =	swait.ge [sflag:s24], $0x800  }
0xc3: {  	s9 =	smov.u32 s12;
	[sflag:s24] =	ssyncset.done $0x0  }
0xc4: {  	s8 =	sshra.s32 s8, $0x2;
	[sflag:s24] =	ssyncadd.s32 $0xFFFFF800  }
0xc5: {  	[tilespmem:s29], [sflag:$0x1] =	stream.indirect.gather [hbm4b:s1+s28], $0x40, s8, s28, $0xb8;
	[tilespmem:$0x1C800] =	vst v63  }
0xc6: {  	s9 =	sadd.s32 $0x80, s8  }
0xc7: {  	[tilespmem:s30], [sflag:$0x1] =	stream.indirect.gather [hbm4b:s1+s28], $0x40, s9, s28, $0xb8;
	[tilespmem:$0x1C800] =	vst v63  }
0xc8: {  	s12 =	sadd.s32 $0x100, s8  }
0xc9: {  	[tilespmem:s31], [sflag:$0x1] =	stream.indirect.gather [hbm4b:s1+s28], $0x40, s12, s28, $0xb8;
	[tilespmem:$0x1C800] =	vst v63  }
0xca: {  	s13 =	sadd.s32 $0x180, s8  }
0xcb: {  	[tilespmem:s2], [sflag:$0x1] =	stream.indirect.gather [hbm4b:s1+s28], $0x40, s13, s28, $0xb8;
	[tilespmem:$0x1C800] =	vst v63  }
0xcc: {  	_ =	swait.ge [sflag:s0], $0x2000  }
0xcd: {  	[sflag:s0] =	ssyncset.done $0x0  }
0xce: {  	[sflag:s0] =	ssyncadd.s32 $0xFFFFE000  }
0xcf: {  	_ =	swait.ge [sflag:s0], $0x2000  }
0xd0: {  	[sflag:s0] =	ssyncset.done $0x0  }
0xd1: {  	[sflag:s0] =	ssyncadd.s32 $0xFFFFE000  }
0xd2: {  	_ =	swait.ge [sflag:s0], $0x2000  }
0xd3: {  	[sflag:s0] =	ssyncset.done $0x0  }
0xd4: {  	[sflag:s0] =	ssyncadd.s32 $0xFFFFE000  }
0xd5: {  	_ =	swait.ge [sflag:s0], $0x2000  }
0xd6: {  	[sflag:s0] =	ssyncset.done $0x0  }
0xd7: {  	s14 =	sadd.s32 $0x2800, s8;
	[sflag:s0] =	ssyncadd.s32 $0xFFFFE000  }
0xd8: {  	[spmem:s3] =	stream.indirect.scatter.add.f32 [tilespmem:s29], [sflag:$0x2], $0x40, s14, s28, $0xb8;
	[tilespmem:$0x1C800] =	vst v63  }
0xd9: {  	_ =	swait.ge [sflag:s24], $0x2000  }
0xda: {  	[sflag:s24] =	ssyncset.done $0x0  }
0xdb: {  	s10 =	sadd.s32 $0x2880, s8;
	[sflag:s24] =	ssyncadd.s32 $0xFFFFE000  }
0xdc: {  	[spmem:s3] =	stream.indirect.scatter.add.f32 [tilespmem:s30], [sflag:$0x2], $0x40, s10, s28, $0xb8;
	[tilespmem:$0x1C800] =	vst v63  }
0xdd: {  	_ =	swait.ge [sflag:s24], $0x2000  }
0xde: {  	[sflag:s24] =	ssyncset.done $0x0  }
0xdf: {  	s12 =	sadd.s32 $0x2900, s8;
	[sflag:s24] =	ssyncadd.s32 $0xFFFFE000  }
0xe0: {  	[spmem:s3] =	stream.indirect.scatter.add.f32 [tilespmem:s31], [sflag:$0x2], $0x40, s12, s28, $0xb8;
	[tilespmem:$0x1C800] =	vst v63  }
0xe1: {  	_ =	swait.ge [sflag:s24], $0x2000  }
0xe2: {  	[sflag:s24] =	ssyncset.done $0x0  }
0xe3: {  	s8 =	sadd.s32 $0x2980, s8;
	[sflag:s24] =	ssyncadd.s32 $0xFFFFE000  }
0xe4: {  	[spmem:s3] =	stream.indirect.scatter.add.f32 [tilespmem:s2], [sflag:$0x2], $0x40, s8, s28, $0xb8;
	[tilespmem:$0x1C800] =	vst v63  }
0xe5: {  	_ =	swait.ge [sflag:s24], $0x2000  }
0xe6: {  	[sflag:s24] =	ssyncset.done $0x0  }
0xe7: {  	[sflag:s24] =	ssyncadd.s32 $0xFFFFE000  }
0xe8: {  	[spmem:s4] =	stream.indirect.scatter.add.f32 [tilespmem:s7], [sflag:$0x2], $0x10, s14, s28, $0xb8;
	[tilespmem:$0x1C800] =	vst v63  }
0xe9: {  	_ =	swait.ge [sflag:s24], $0x800  }
0xea: {  	[sflag:s24] =	ssyncset.done $0x0  }
0xeb: {  	[sflag:s24] =	ssyncadd.s32 $0xFFFFF800  }
0xec: {  	[spmem:s4] =	stream.indirect.scatter.add.f32 [tilespmem:s7], [sflag:$0x2], $0x10, s10, s28, $0xb8;
	[tilespmem:$0x1C800] =	vst v63  }
0xed: {  	_ =	swait.ge [sflag:s24], $0x800  }
0xee: {  	[sflag:s24] =	ssyncset.done $0x0  }
0xef: {  	[sflag:s24] =	ssyncadd.s32 $0xFFFFF800  }
0xf0: {  	[spmem:s4] =	stream.indirect.scatter.add.f32 [tilespmem:s7], [sflag:$0x2], $0x10, s12, s28, $0xb8;
	[tilespmem:$0x1C800] =	vst v63  }
0xf1: {  	_ =	swait.ge [sflag:s24], $0x800  }
0xf2: {  	[sflag:s24] =	ssyncset.done $0x0  }
0xf3: {  	[sflag:s24] =	ssyncadd.s32 $0xFFFFF800  }
0xf4: {  	[spmem:s4] =	stream.indirect.scatter.add.f32 [tilespmem:s7], [sflag:$0x2], $0x10, s8, s28, $0xb8;
	[tilespmem:$0x1C800] =	vst v63  }
0xf5: {  	_ =	swait.ge [sflag:s24], $0x800  }
0xf6: {  	[sflag:s24] =	ssyncset.done $0x0  }
0xf7: {  	s10 =	simm.s32 $0x0;
	[sflag:s24] =	ssyncadd.s32 $0xFFFFF800  }
0xf8: {  	[tilespmem:s10], [sflag:$0x2] =	stream.linear.gather [hbm4b:s18+s10], $0x2800, $0x38;
	[tilespmem:$0x1C800] =	vst v63  }
0xf9: {  	_ =	swait.ge [sflag:s24], $0x2800  }
0xfa: {  	[sflag:s24] =	ssyncset.done $0x0  }
0xfb: {  	[sflag:s24] =	ssyncadd.s32 $0xFFFFD800  }
0xfc: {  	[tilespmem:s26], [sflag:$0x2] =	stream.linear.gather [hbm4b:s19+s10], $0x2800, $0x38;
	[tilespmem:$0x1C800] =	vst v63  }
0xfd: {  	_ =	swait.ge [sflag:s24], $0x2800  }
0xfe: {  	[sflag:s24] =	ssyncset.done $0x0  }
0xff: {  	s12 =	simm.s32 $0x0;
	[sflag:s24] =	ssyncadd.s32 $0xFFFFD800  }
0x100: {  	[tilespmem:s29], [sflag:$0x1] =	stream.indirect.gather [hbm4b:s1+s28], $0x40, s12, s28, $0xb8;
	[tilespmem:$0x1C800] =	vst v63  }
0x101: {  	s13 =	simm.s32 $0x80  }
0x102: {  	[tilespmem:s30], [sflag:$0x1] =	stream.indirect.gather [hbm4b:s1+s28], $0x40, s13, s28, $0xb8;
	[tilespmem:$0x1C800] =	vst v63  }
0x103: {  	s14 =	simm.s32 $0x100  }
0x104: {  	[tilespmem:s31], [sflag:$0x1] =	stream.indirect.gather [hbm4b:s1+s28], $0x40, s14, s28, $0xb8;
	[tilespmem:$0x1C800] =	vst v63  }
0x105: {  	s9 =	simm.s32 $0x180  }
0x106: {  	[tilespmem:s2], [sflag:$0x1] =	stream.indirect.gather [hbm4b:s1+s28], $0x40, s9, s28, $0xb8;
	[tilespmem:$0x1C800] =	vst v63  }
0x107: {  	_ =	swait.ge [sflag:s0], $0x2000  }
0x108: {  	[sflag:s0] =	ssyncset.done $0x0  }
0x109: {  	[sflag:s0] =	ssyncadd.s32 $0xFFFFE000  }
0x10a: {  	_ =	swait.ge [sflag:s0], $0x2000  }
0x10b: {  	[sflag:s0] =	ssyncset.done $0x0  }
0x10c: {  	[sflag:s0] =	ssyncadd.s32 $0xFFFFE000  }
0x10d: {  	_ =	swait.ge [sflag:s0], $0x2000  }
0x10e: {  	[sflag:s0] =	ssyncset.done $0x0  }
0x10f: {  	[sflag:s0] =	ssyncadd.s32 $0xFFFFE000  }
0x110: {  	_ =	swait.ge [sflag:s0], $0x2000  }
0x111: {  	[sflag:s0] =	ssyncset.done $0x0  }
0x112: {  	s10 =	simm.s32 $0x2800;
	[sflag:s0] =	ssyncadd.s32 $0xFFFFE000  }
0x113: {  	[spmem:s3] =	stream.indirect.scatter.add.f32 [tilespmem:s29], [sflag:$0x2], $0x40, s10, s28, $0xb8;
	[tilespmem:$0x1C800] =	vst v63  }
0x114: {  	_ =	swait.ge [sflag:s24], $0x2000  }
0x115: {  	[sflag:s24] =	ssyncset.done $0x0  }
0x116: {  	s12 =	simm.s32 $0x2880;
	[sflag:s24] =	ssyncadd.s32 $0xFFFFE000  }
0x117: {  	[spmem:s3] =	stream.indirect.scatter.add.f32 [tilespmem:s30], [sflag:$0x2], $0x40, s12, s28, $0xb8;
	[tilespmem:$0x1C800] =	vst v63  }
0x118: {  	_ =	swait.ge [sflag:s24], $0x2000  }
0x119: {  	[sflag:s24] =	ssyncset.done $0x0  }
0x11a: {  	s13 =	simm.s32 $0x2900;
	[sflag:s24] =	ssyncadd.s32 $0xFFFFE000  }
0x11b: {  	[spmem:s3] =	stream.indirect.scatter.add.f32 [tilespmem:s31], [sflag:$0x2], $0x40, s13, s28, $0xb8;
	[tilespmem:$0x1C800] =	vst v63  }
0x11c: {  	_ =	swait.ge [sflag:s24], $0x2000  }
0x11d: {  	[sflag:s24] =	ssyncset.done $0x0  }
0x11e: {  	s14 =	simm.s32 $0x2980;
	[sflag:s24] =	ssyncadd.s32 $0xFFFFE000  }
0x11f: {  	[spmem:s3] =	stream.indirect.scatter.add.f32 [tilespmem:s2], [sflag:$0x2], $0x40, s14, s28, $0xb8;
	[tilespmem:$0x1C800] =	vst v63  }
0x120: {  	_ =	swait.ge [sflag:s24], $0x2000  }
0x121: {  	[sflag:s24] =	ssyncset.done $0x0  }
0x122: {  	[sflag:s24] =	ssyncadd.s32 $0xFFFFE000  }
0x123: {  	[spmem:s4] =	stream.indirect.scatter.add.f32 [tilespmem:s7], [sflag:$0x2], $0x10, s10, s28, $0xb8;
	[tilespmem:$0x1C800] =	vst v63  }
0x124: {  	_ =	swait.ge [sflag:s24], $0x800  }
0x125: {  	[sflag:s24] =	ssyncset.done $0x0  }
0x126: {  	[sflag:s24] =	ssyncadd.s32 $0xFFFFF800  }
0x127: {  	[spmem:s4] =	stream.indirect.scatter.add.f32 [tilespmem:s7], [sflag:$0x2], $0x10, s12, s28, $0xb8;
	[tilespmem:$0x1C800] =	vst v63  }
0x128: {  	_ =	swait.ge [sflag:s24], $0x800  }
0x129: {  	[sflag:s24] =	ssyncset.done $0x0  }
0x12a: {  	[sflag:s24] =	ssyncadd.s32 $0xFFFFF800  }
0x12b: {  	[spmem:s4] =	stream.indirect.scatter.add.f32 [tilespmem:s7], [sflag:$0x2], $0x10, s13, s28, $0xb8;
	[tilespmem:$0x1C800] =	vst v63  }
0x12c: {  	_ =	swait.ge [sflag:s24], $0x800  }
0x12d: {  	[sflag:s24] =	ssyncset.done $0x0  }
0x12e: {  	[sflag:s24] =	ssyncadd.s32 $0xFFFFF800  }
0x12f: {  	[spmem:s4] =	stream.indirect.scatter.add.f32 [tilespmem:s7], [sflag:$0x2], $0x10, s14, s28, $0xb8;
	[tilespmem:$0x1C800] =	vst v63  }
0x130: {  	_ =	swait.ge [sflag:s24], $0x800  }
0x131: {  	s8 =	simm.s32 $0x800;
	s12 =	simm.s32 $0x1000;
	[sflag:s24] =	ssyncset.done $0x0  }
.LBB2_8:
0x132: {  	s10 =	sshra.s32 s8, $0x2  }
0x133: {  	[sflag:s24] =	ssyncadd.s32 $0xFFFFF800;
	s8 =	smov.u32 s12;
	s9 =	sadd.s32 $0x800, s12  }
0x134: {  	[tilespmem:s29], [sflag:$0x1] =	stream.indirect.gather [hbm4b:s1+s28], $0x40, s10, s28, $0xb8;
	[tilespmem:$0x1C800] =	vst v63  }
0x135: {  	p0 =	sne.s32 s12, $0x9800;
	s12 =	sadd.s32 $0x80, s10  }
0x136: {  	[tilespmem:s30], [sflag:$0x1] =	stream.indirect.gather [hbm4b:s1+s28], $0x40, s12, s28, $0xb8;
	[tilespmem:$0x1C800] =	vst v63  }
0x137: {  	s12 =	sadd.s32 $0x100, s10  }
0x138: {  	[tilespmem:s31], [sflag:$0x1] =	stream.indirect.gather [hbm4b:s1+s28], $0x40, s12, s28, $0xb8;
	[tilespmem:$0x1C800] =	vst v63  }
0x139: {  	s12 =	sadd.s32 $0x180, s10  }
0x13a: {  	[tilespmem:s2], [sflag:$0x1] =	stream.indirect.gather [hbm4b:s1+s28], $0x40, s12, s28, $0xb8;
	[tilespmem:$0x1C800] =	vst v63  }
0x13b: {  	_ =	swait.ge [sflag:s0], $0x2000  }
0x13c: {  	[sflag:s0] =	ssyncset.done $0x0  }
0x13d: {  	[sflag:s0] =	ssyncadd.s32 $0xFFFFE000  }
0x13e: {  	_ =	swait.ge [sflag:s0], $0x2000  }
0x13f: {  	[sflag:s0] =	ssyncset.done $0x0  }
0x140: {  	[sflag:s0] =	ssyncadd.s32 $0xFFFFE000  }
0x141: {  	_ =	swait.ge [sflag:s0], $0x2000  }
0x142: {  	[sflag:s0] =	ssyncset.done $0x0  }
0x143: {  	[sflag:s0] =	ssyncadd.s32 $0xFFFFE000  }
0x144: {  	_ =	swait.ge [sflag:s0], $0x2000  }
0x145: {  	[sflag:s0] =	ssyncset.done $0x0  }
0x146: {  	s12 =	sadd.s32 $0x2800, s10;
	[sflag:s0] =	ssyncadd.s32 $0xFFFFE000  }
0x147: {  	[spmem:s3] =	stream.indirect.scatter.add.f32 [tilespmem:s29], [sflag:$0x2], $0x40, s12, s28, $0xb8;
	[tilespmem:$0x1C800] =	vst v63  }
0x148: {  	_ =	swait.ge [sflag:s24], $0x2000  }
0x149: {  	[sflag:s24] =	ssyncset.done $0x0  }
0x14a: {  	s13 =	sadd.s32 $0x2880, s10;
	[sflag:s24] =	ssyncadd.s32 $0xFFFFE000  }
0x14b: {  	[spmem:s3] =	stream.indirect.scatter.add.f32 [tilespmem:s30], [sflag:$0x2], $0x40, s13, s28, $0xb8;
	[tilespmem:$0x1C800] =	vst v63  }
0x14c: {  	_ =	swait.ge [sflag:s24], $0x2000  }
0x14d: {  	[sflag:s24] =	ssyncset.done $0x0  }
0x14e: {  	s14 =	sadd.s32 $0x2900, s10;
	[sflag:s24] =	ssyncadd.s32 $0xFFFFE000  }
0x14f: {  	[spmem:s3] =	stream.indirect.scatter.add.f32 [tilespmem:s31], [sflag:$0x2], $0x40, s14, s28, $0xb8;
	[tilespmem:$0x1C800] =	vst v63  }
0x150: {  	_ =	swait.ge [sflag:s24], $0x2000  }
0x151: {  	[sflag:s24] =	ssyncset.done $0x0  }
0x152: {  	s10 =	sadd.s32 $0x2980, s10;
	[sflag:s24] =	ssyncadd.s32 $0xFFFFE000  }
0x153: {  	[spmem:s3] =	stream.indirect.scatter.add.f32 [tilespmem:s2], [sflag:$0x2], $0x40, s10, s28, $0xb8;
	[tilespmem:$0x1C800] =	vst v63  }
0x154: {  	_ =	swait.ge [sflag:s24], $0x2000  }
0x155: {  	[sflag:s24] =	ssyncset.done $0x0  }
0x156: {  	[sflag:s24] =	ssyncadd.s32 $0xFFFFE000  }
0x157: {  	[spmem:s4] =	stream.indirect.scatter.add.f32 [tilespmem:s7], [sflag:$0x2], $0x10, s12, s28, $0xb8;
	[tilespmem:$0x1C800] =	vst v63  }
0x158: {  	_ =	swait.ge [sflag:s24], $0x800  }
0x159: {  	[sflag:s24] =	ssyncset.done $0x0  }
0x15a: {  	[sflag:s24] =	ssyncadd.s32 $0xFFFFF800  }
0x15b: {  	[spmem:s4] =	stream.indirect.scatter.add.f32 [tilespmem:s7], [sflag:$0x2], $0x10, s13, s28, $0xb8;
	[tilespmem:$0x1C800] =	vst v63  }
0x15c: {  	_ =	swait.ge [sflag:s24], $0x800  }
0x15d: {  	[sflag:s24] =	ssyncset.done $0x0  }
0x15e: {  	[sflag:s24] =	ssyncadd.s32 $0xFFFFF800  }
0x15f: {  	[spmem:s4] =	stream.indirect.scatter.add.f32 [tilespmem:s7], [sflag:$0x2], $0x10, s14, s28, $0xb8;
	[tilespmem:$0x1C800] =	vst v63  }
0x160: {  	_ =	swait.ge [sflag:s24], $0x800  }
.Ltmp3:
0x161: {  	[sflag:s24] =	ssyncset.done $0x0;
	(pc) =	sbr.rel @p0 .LBB2_8-.Ltmp3, $4  }
0x162: {  	[sflag:s24] =	ssyncadd.s32 $0xFFFFF800  }
0x163: {  	[spmem:s4] =	stream.indirect.scatter.add.f32 [tilespmem:s7], [sflag:$0x2], $0x10, s10, s28, $0xb8;
	[tilespmem:$0x1C800] =	vst v63  }
0x164: {  	_ =	swait.ge [sflag:s24], $0x800  }
0x165: {  	s12 =	smov.u32 s9;
	[sflag:s24] =	ssyncset.done $0x0  }
0x166: {  	s8 =	sshra.s32 s8, $0x2;
	[sflag:s24] =	ssyncadd.s32 $0xFFFFF800  }
0x167: {  	[tilespmem:s29], [sflag:$0x1] =	stream.indirect.gather [hbm4b:s1+s28], $0x40, s8, s28, $0xb8;
	[tilespmem:$0x1C800] =	vst v63  }
0x168: {  	s9 =	sadd.s32 $0x80, s8  }
0x169: {  	[tilespmem:s30], [sflag:$0x1] =	stream.indirect.gather [hbm4b:s1+s28], $0x40, s9, s28, $0xb8;
	[tilespmem:$0x1C800] =	vst v63  }
0x16a: {  	s12 =	sadd.s32 $0x100, s8  }
0x16b: {  	[tilespmem:s31], [sflag:$0x1] =	stream.indirect.gather [hbm4b:s1+s28], $0x40, s12, s28, $0xb8;
	[tilespmem:$0x1C800] =	vst v63  }
0x16c: {  	s13 =	sadd.s32 $0x180, s8  }
0x16d: {  	[tilespmem:s2], [sflag:$0x1] =	stream.indirect.gather [hbm4b:s1+s28], $0x40, s13, s28, $0xb8;
	[tilespmem:$0x1C800] =	vst v63  }
0x16e: {  	_ =	swait.ge [sflag:s0], $0x2000  }
0x16f: {  	[sflag:s0] =	ssyncset.done $0x0  }
0x170: {  	[sflag:s0] =	ssyncadd.s32 $0xFFFFE000  }
0x171: {  	_ =	swait.ge [sflag:s0], $0x2000  }
0x172: {  	[sflag:s0] =	ssyncset.done $0x0  }
0x173: {  	[sflag:s0] =	ssyncadd.s32 $0xFFFFE000  }
0x174: {  	_ =	swait.ge [sflag:s0], $0x2000  }
0x175: {  	[sflag:s0] =	ssyncset.done $0x0  }
0x176: {  	[sflag:s0] =	ssyncadd.s32 $0xFFFFE000  }
0x177: {  	_ =	swait.ge [sflag:s0], $0x2000  }
0x178: {  	[sflag:s0] =	ssyncset.done $0x0  }
0x179: {  	s14 =	sadd.s32 $0x2800, s8;
	[sflag:s0] =	ssyncadd.s32 $0xFFFFE000  }
0x17a: {  	[spmem:s3] =	stream.indirect.scatter.add.f32 [tilespmem:s29], [sflag:$0x2], $0x40, s14, s28, $0xb8;
	[tilespmem:$0x1C800] =	vst v63  }
0x17b: {  	_ =	swait.ge [sflag:s24], $0x2000  }
0x17c: {  	[sflag:s24] =	ssyncset.done $0x0  }
0x17d: {  	s10 =	sadd.s32 $0x2880, s8;
	[sflag:s24] =	ssyncadd.s32 $0xFFFFE000  }
0x17e: {  	[spmem:s3] =	stream.indirect.scatter.add.f32 [tilespmem:s30], [sflag:$0x2], $0x40, s10, s28, $0xb8;
	[tilespmem:$0x1C800] =	vst v63  }
0x17f: {  	_ =	swait.ge [sflag:s24], $0x2000  }
0x180: {  	[sflag:s24] =	ssyncset.done $0x0  }
0x181: {  	s12 =	sadd.s32 $0x2900, s8;
	[sflag:s24] =	ssyncadd.s32 $0xFFFFE000  }
0x182: {  	[spmem:s3] =	stream.indirect.scatter.add.f32 [tilespmem:s31], [sflag:$0x2], $0x40, s12, s28, $0xb8;
	[tilespmem:$0x1C800] =	vst v63  }
0x183: {  	_ =	swait.ge [sflag:s24], $0x2000  }
0x184: {  	[sflag:s24] =	ssyncset.done $0x0  }
0x185: {  	s8 =	sadd.s32 $0x2980, s8;
	[sflag:s24] =	ssyncadd.s32 $0xFFFFE000  }
0x186: {  	[spmem:s3] =	stream.indirect.scatter.add.f32 [tilespmem:s2], [sflag:$0x2], $0x40, s8, s28, $0xb8;
	[tilespmem:$0x1C800] =	vst v63  }
0x187: {  	_ =	swait.ge [sflag:s24], $0x2000  }
0x188: {  	[sflag:s24] =	ssyncset.done $0x0  }
0x189: {  	[sflag:s24] =	ssyncadd.s32 $0xFFFFE000  }
0x18a: {  	[spmem:s4] =	stream.indirect.scatter.add.f32 [tilespmem:s7], [sflag:$0x2], $0x10, s14, s28, $0xb8;
	[tilespmem:$0x1C800] =	vst v63  }
0x18b: {  	_ =	swait.ge [sflag:s24], $0x800  }
0x18c: {  	[sflag:s24] =	ssyncset.done $0x0  }
0x18d: {  	[sflag:s24] =	ssyncadd.s32 $0xFFFFF800  }
0x18e: {  	[spmem:s4] =	stream.indirect.scatter.add.f32 [tilespmem:s7], [sflag:$0x2], $0x10, s10, s28, $0xb8;
	[tilespmem:$0x1C800] =	vst v63  }
0x18f: {  	_ =	swait.ge [sflag:s24], $0x800  }
0x190: {  	[sflag:s24] =	ssyncset.done $0x0  }
0x191: {  	[sflag:s24] =	ssyncadd.s32 $0xFFFFF800  }
0x192: {  	[spmem:s4] =	stream.indirect.scatter.add.f32 [tilespmem:s7], [sflag:$0x2], $0x10, s12, s28, $0xb8;
	[tilespmem:$0x1C800] =	vst v63  }
0x193: {  	_ =	swait.ge [sflag:s24], $0x800  }
0x194: {  	[sflag:s24] =	ssyncset.done $0x0  }
0x195: {  	[sflag:s24] =	ssyncadd.s32 $0xFFFFF800  }
0x196: {  	[spmem:s4] =	stream.indirect.scatter.add.f32 [tilespmem:s7], [sflag:$0x2], $0x10, s8, s28, $0xb8;
	[tilespmem:$0x1C800] =	vst v63  }
0x197: {  	_ =	swait.ge [sflag:s24], $0x800  }
0x198: {  	s12 =	stileid.u32;
	[sflag:s24] =	ssyncset.done $0x0  }
0x199: {  	s8 =	sshll.u32 s12, $0x6;
	[sflag:s24] =	ssyncadd.s32 $0xFFFFF800  }
0x19a: {  	s13 =	sshrl.u32 s6, $0x3;
	s8 =	sor.u32 $0x1C02, s8;
	[bflag:$0x0] =	sbarrier.arrive $0xFFFF  }
0x19b: {  	[hbm:s20], [sflag:s8] =	dma.local [spmem:s13], $0x1400  }
0x19c: {  	s5 =	sadd.s32 $0x1, s5;
	_ =	swait.ge [sflag:s24], $0x1400  }
0x19d: {  	p0 =	sne.s32 s5, s22;
	[sflag:s24] =	ssyncset.done $0x0  }
.Ltmp4:
0x19e: {  	s14 =	sshrl.u32 s11, $0x3;
	[sflag:s24] =	ssyncadd.s32 $0xFFFFEC00;
	(pc) =	sbr.rel @p0 .LBB2_1-.Ltmp4, $4  }
0x19f: {  	[hbm:s21], [sflag:s8] =	dma.local [spmem:s14], $0x500  }
0x1a0: {  	_ =	swait.ge [sflag:s24], $0x500  }
0x1a1: {  	[sflag:s24] =	ssyncset.done $0x0  }
0x1a2: {  	[sflag:s24] =	ssyncadd.s32 $0xFFFFFB00  }
0x1a3: {  	_ =	sfence.sel $0x180000  }
0x1a4: {  	[bflag:$0x0] =	sbarrier.arrive $0xFFFF  }
0x1a5: {  	_ =	strace $0x90000047  }
0x1a6: {  	s0 =	stileid.u32;
	[bflag:$0x2] =	sbarrier.arrive $0xFFFF  }
0x1a7: {  	p0 =	sne.s32 s0, $0x0;
	s0 =	rddreg [dreg:$0x4]  }
0x1a8: {  	s0 =	sadd.s32 @!p0 $0x100000, s0  }
0x1a9: {  	[sflag:s0] =	ssyncadd.tile.s32 @!p0 $0x1;
	_ =	shalt  }
.Lfunc_end2:
_tile_overlayer_lowered:
.L_overlay_start_2:
0x1aa: {  	(tag) =	ssettag $0x2  }
0x1ab: {  	s0 =	rddreg [dreg:$0x0];
	s2 =	stileid.u32  }
0x1ac: {  	s1 =	rddreg [dreg:$0x1];
	p0 =	sne.s32 s2, $0x0  }
0x1ad: {  	s3 =	rddreg [dreg:$0x2];
	[bflag:$0x3] =	sbarrier.arrive $0xFFFF;
	s2 =	simm.s32 @!p0 $0x1C02  }
0x1ae: {  	[timem:s3], [sflag:s2] =	dma.local @!p0 [hbm:s0], s1  }
0x1af: {  	s0 =	simm.s32 @!p0 $0x2  }
0x1b0: {  	_ =	swait.ge @!p0 [sflag:s0], s1  }
0x1b1: {  	s1 =	ssub.s32 @!p0 $0x0, s1;
	[sflag:s0] =	ssyncset.done @!p0 $0x0  }
0x1b2: {  	[sflag:s0] =	ssyncadd.s32 @!p0 s1  }
0x1b3: {  	[bflag:$0x3] =	sbarrier.arrive $0xFFFF  }
0x1b4: {  	_ =	shalt  }

// kernel: kernel.9.cloned.1.call-start
scs
__scs_entry_jumppad:
0x0: {  	(pc) =	sbr.rel $0x88, $3  }
0x1: {  	(tag) =	ssettag $0x0;
	lr =	simm.s32 $0x1  }
0x2: {  	[smem:$0x3F99] =	sst lr;
	_ =	strace $0xD0000000  }
0x3: {  	_ = 	snop  }
0x4: {  	_ = 	snop  }
0x5: {  	_ = 	snop  }
0x6: {  	_ = 	snop  }
0x7: {  	_ = 	snop  }
__scs_overlays_trampoline_lowered:
0x8: {  	[smem:$0x3FA8] =	sst s0  }
0x9: {  	[smem:$0x3FA9] =	sst s1  }
0xa: {  	[smem:$0x3FAA] =	sst s2  }
0xb: {  	[smem:$0x3FAB] =	sst s3  }
0xc: {  	[smem:$0x3FAC] =	sst s4  }
0xd: {  	[smem:$0x3FAD] =	sst s5  }
0xe: {  	[smem:$0x3FAE] =	sst s6  }
0xf: {  	[smem:$0x3FAF] =	sst s7  }
0x10: {  	[smem:$0x3FB0] =	sst s8  }
0x11: {  	[smem:$0x3FB1] =	sst s9;
	s0 =	simm.s32 @!p0 $0x0  }
0x12: {  	s1 =	sld [smem:$0x3F97];
	s0 =	simm.s32 @p0 $0x1  }
0x13: {  	[smem:$0x3FB2] =	sst s0;
	s0 =	simm.s32 @!p1 $0x0  }
0x14: {  	s2 =	sld [smem:$0x3F96];
	s0 =	simm.s32 @p1 $0x1  }
0x15: {  	[smem:$0x3FB3] =	sst s0;
	s0 =	simm.s32 @!p2 $0x0  }
0x16: {  	s3 =	sld [smem:$0x3FDB];
	s0 =	simm.s32 @p2 $0x1  }
0x17: {  	s4 =	simm.s32 $0x1BF5;
	[smem:$0x3FB5] =	sst s0  }
0x18: {  	s0 =	sld [smem:$0x3F98];
	_ =	swait.ge [sflag:s4], $0x0  }
0x19: {  	s7 =	sld [smem:$0x3F99]  }
0x1a: {  	s8 =	sadd.s32 $0xFFFFE003, lr  }
0x1b: {  	s9 =	sadd.s32 $0xFFFFFEF7, lr;
	s5 =	simm.s32 $0xFFFFFFFF;
	p2 =	slt.u32 s8, $0xFFFFF086  }
0x1c: {  	p1 =	slt.u32 s9, $0xF7A;
	s5 =	simm.s32 @!p2 $0x0  }
0x1d: {  	s5 =	simm.s32 @p1 $0x1;
	p0 =	seq.s32 s7, s2  }
0x1e: {  	s7 =	smul.u32 @!p0 $0xF7A, s2;
	p2 =	seq.s32 @!p0 s5, $0x0  }
0x1f: {  	s9 =	smul.u32 $0xF7A, s1;
	s8 =	simm.s32 @!p0 $0x1BF5;
	p2 =	por !p2, p0  }
0x20: {  	[sflag:s8] =	ssyncset.s32 @!p0 $0xFFFFF086;
	s6 =	sadd.s32 @!p0 s3, s7;
	s7 =	simm.s32 @!p0 $0x108  }
0x21: {  	s3 =	sadd.s32 s3, s9;
	s6 =	sadd.s32 @!p0 $0x88, s6;
	s7 =	simm.s32 @p2 $0x1082  }
0x22: {  	[simem:s7], [sflag:s8] =	dma.local @!p0 [hbm:s6], $0xF7A  }
0x23: {  	s9 =	sor.u32 $0xD0000000, s2;
	s6 =	simm.s32 $0x108;
	_ =	swait.ge @!p0 [sflag:s8], $0x0  }
0x24: {  	s3 =	sadd.s32 $0x88, s3;
	s6 =	simm.s32 @!p1 $0x1082;
	[sflag:s4] =	ssyncset.s32 $0xFFFFF086  }
0x25: {  	[simem:s6], [sflag:s4] =	dma.local [hbm:s3], $0xF7A  }
0x26: {  	[smem:$0x3F99] =	sst s1;
	(tag) =	ssettag s2;
	_ =	strace s9  }
0x27: {  	s1 =	sld [smem:$0x3FA9]  }
0x28: {  	s2 =	sld [smem:$0x3FAA]  }
0x29: {  	s4 =	sld [smem:$0x3FAC]  }
0x2a: {  	p0 =	seq.s32 s5, $0x0;
	s5 =	sld [smem:$0x3FAD]  }
0x2b: {  	s6 =	sld [smem:$0x3FAE]  }
0x2c: {  	s7 =	sld [smem:$0x3FAF]  }
0x2d: {  	s3 =	simm.s32 $0x108;
	s8 =	sld [smem:$0x3FB0]  }
0x2e: {  	s3 =	simm.s32 @!p0 $0x1082;
	s9 =	sld [smem:$0x3FB1]  }
0x2f: {  	lr =	sadd.s32 s0, s3;
	s0 =	sld [smem:$0x3FA8]  }
0x30: {  	s3 =	sld [smem:$0x3FAB]  }
0x31: {  	[smem:$0x3FB4] =	sst s10  }
0x32: {  	s10 =	sld [smem:$0x3FB2];
	_ =	sdelay $0x3  }
0x33: {  	p0 =	seq.s32 s10, $0x1;
	s10 =	sld [smem:$0x3FB4];
	_ =	sdelay $0x3  }
0x34: {  	[smem:$0x3FB4] =	sst s10  }
0x35: {  	s10 =	sld [smem:$0x3FB3];
	_ =	sdelay $0x3  }
0x36: {  	p1 =	seq.s32 s10, $0x1;
	s10 =	sld [smem:$0x3FB4];
	_ =	sdelay $0x3  }
0x37: {  	[smem:$0x3FB4] =	sst s10  }
0x38: {  	s10 =	sld [smem:$0x3FB5]  }
0x39: {  	_ = 	snop;
	(pc) =	sbr.ind lr, $3  }
0x3a: {  	_ = 	snop  }
0x3b: {  	_ = 	snop  }
0x3c: {  	p2 =	seq.s32 s10, $0x1;
	s10 =	sld [smem:$0x3FB4]  }
0x3d: {  	_ =	shalt  }
0x3e: {  	_ =	shalt  }
0x3f: {  	_ =	shalt  }
0x40: {  	_ =	shalt  }
0x41: {  	_ =	shalt  }
0x42: {  	_ =	shalt  }
0x43: {  	_ =	shalt  }
0x44: {  	_ =	shalt  }
0x45: {  	_ =	shalt  }
0x46: {  	_ =	shalt  }
0x47: {  	_ =	shalt  }
0x48: {  	_ =	shalt  }
0x49: {  	_ =	shalt  }
0x4a: {  	_ =	shalt  }
0x4b: {  	_ =	shalt  }
0x4c: {  	_ =	shalt  }
0x4d: {  	_ =	shalt  }
0x4e: {  	_ =	shalt  }
0x4f: {  	_ =	shalt  }
0x50: {  	_ =	shalt  }
0x51: {  	_ =	shalt  }
0x52: {  	_ =	shalt  }
0x53: {  	_ =	shalt  }
0x54: {  	_ =	shalt  }
0x55: {  	_ =	shalt  }
0x56: {  	_ =	shalt  }
0x57: {  	_ =	shalt  }
0x58: {  	_ =	shalt  }
0x59: {  	_ =	shalt  }
0x5a: {  	_ =	shalt  }
0x5b: {  	_ =	shalt  }
0x5c: {  	_ =	shalt  }
0x5d: {  	_ =	shalt  }
0x5e: {  	_ =	shalt  }
0x5f: {  	_ =	shalt  }
0x60: {  	_ =	shalt  }
0x61: {  	_ =	shalt  }
0x62: {  	_ =	shalt  }
0x63: {  	_ =	shalt  }
0x64: {  	_ =	shalt  }
0x65: {  	_ =	shalt  }
0x66: {  	_ =	shalt  }
0x67: {  	_ =	shalt  }
0x68: {  	_ =	shalt  }
0x69: {  	_ =	shalt  }
0x6a: {  	_ =	shalt  }
0x6b: {  	_ =	shalt  }
0x6c: {  	_ =	shalt  }
0x6d: {  	_ =	shalt  }
0x6e: {  	_ =	shalt  }
0x6f: {  	_ =	shalt  }
0x70: {  	_ =	shalt  }
0x71: {  	_ =	shalt  }
0x72: {  	_ =	shalt  }
0x73: {  	_ =	shalt  }
0x74: {  	_ =	shalt  }
0x75: {  	_ =	shalt  }
0x76: {  	_ =	shalt  }
0x77: {  	_ =	shalt  }
0x78: {  	_ =	shalt  }
0x79: {  	_ =	shalt  }
0x7a: {  	_ =	shalt  }
0x7b: {  	_ =	shalt  }
0x7c: {  	_ =	shalt  }
0x7d: {  	_ =	shalt  }
0x7e: {  	_ =	shalt  }
0x7f: {  	_ =	shalt  }
0x80: {  	_ =	shalt  }
0x81: {  	_ =	shalt  }
0x82: {  	_ =	shalt  }
0x83: {  	_ =	shalt  }
0x84: {  	_ =	shalt  }
0x85: {  	_ =	shalt  }
0x86: {  	_ =	shalt  }
0x87: {  	_ =	shalt  }
.Lfunc_end0:
.L_simem_size_0:
called_computation.1_lowered:
.L_overlay_start_0:
0x88: {  	s2 =	sld [smem:$0x3FD9]  }
0x89: {  	s3 =	sld [smem:$0x3FFE];
	_ =	sdelay $0x1  }
0x8a: {  	s1 =	srdreg.scid  }
0x8b: {  	s0 =	sand.u32 $0x1, s1  }
0x8c: {  	s17 =	sshll.u32 s0, $0xA;
	s2 =	sadd.s32 s3, s2  }
0x8d: {  	s2 =	sadd.s32 s2, s17  }
0x8e: {  	[smem:$0x3FC0] =	sst s2  }
0x8f: {  	_ = 	snop  }
0x90: {  	s2 =	sld [smem:$0x3FD0];
	(tm) =	ssettm $0x1  }
0x91: {  	s18 =	sld [smem:$0x3FFB];
	_ =	sdelay $0x3  }
0x92: {  	_ =	strace s18  }
0x93: {  	s3 =	sld [smem:$0x3FFC];
	_ =	sdelay $0x3  }
0x94: {  	_ =	strace s3  }
0x95: {  	s3 =	sld [smem:$0x3FFD];
	_ =	sdelay $0x3  }
0x96: {  	_ =	strace s3  }
0x97: {  	_ =	strace $0x8FFFFFFF  }
0x98: {  	s19 =	sld [smem:$0x3FDB];
	_ =	sdelay $0x1  }
0x99: {  	s4 =	simm.s32 $_scs_section_size  }
0x9a: {  	s5 =	simm.s32 $_size__tile_overlayer_lowered;
	s6 =	simm.s32 $_tile_overlayer_lowered  }
0x9b: {  	s22 =	simm.s32 $0x1BFF;
	s21 =	sshll.u32 s6, $0x1;
	s3 =	sadd.s32 s4, s19  }
0x9c: {  	s7 =	simm.s32 $0x0;
	s20 =	sshll.u32 s5, $0x1;
	s5 =	sadd.s32 s21, s3  }
0x9d: {  	[timem:s7], [sflag:s22] =	dma.local [hbm:s5], s20  }
0x9e: {  	_ =	swait.ge [sflag:s22], s20  }
0x9f: {  	s4 =	ssub.s32 $0x0, s20;
	[sflag:s22] =	ssyncset.done $0x0  }
0xa0: {  	[sflag:s22] =	ssyncadd.s32 s4;
	_ =	sdelay $0x1  }
0xa1: {  	s23 =	simm.s32 $0x1B8B  }
0xa2: {  	_ =	swait.ge [sflag:s23], $0x1  }
0xa3: {  	[sflag:s23] =	ssyncset.done $0x0  }
0xa4: {  	s25 =	simm.s32 $0x1B8E;
	s24 =	sld [smem:$0x3FFE];
	[sflag:s23] =	ssyncadd.s32 $0xFFFFFFFF  }
0xa5: {  	s26 =	simm.s32 $execute0_lowered;
	[smem:$0x3FD2] =	sst s25  }
0xa6: {  	s5 =	sshll.u32 s26, $0x1;
	_ =	strace $0x80000049;
	[dreg:$0x1] =	wrdreg $0xFFFFFFFF  }
0xa7: {  	s28 =	simm.s32 $_size_execute0_lowered;
	s3 =	sadd.s32 s3, s5;
	[dreg:$0x0] =	wrdreg $0x0  }
0xa8: {  	s5 =	sshll.u32 s28, $0x1;
	[dreg:$0x2] =	wrdreg s3  }
0xa9: {  	[dreg:$0x3] =	wrdreg s5  }
0xaa: {  	[dreg:$0x4] =	wrdreg $0xC0  }
0xab: {  	_ =	task [dreg:s7], $0x5FFFF  }
0xac: {  	[dreg:$0x1] =	wrdreg $0xFFFFFFFF  }
0xad: {  	[dreg:$0x0] =	wrdreg $0x60  }
0xae: {  	[dreg:$0x2] =	wrdreg s24  }
0xaf: {  	[dreg:$0x3] =	wrdreg s2  }
0xb0: {  	[dreg:$0x4] =	wrdreg $0xF0000  }
0xb1: {  	[dreg:$0x5] =	wrdreg $0x9  }
0xb2: {  	_ =	task.clear_ibuf [dreg:s7], $0x6FFFF;
	_ =	strace $0x90000049  }
0xb3: {  	s29 =	simm.s32 $0x9;
	_ =	strace $0x8000004B  }
0xb4: {  	_ =	swait.ge [sflag:s29], $0x1  }
0xb5: {  	[sflag:s29] =	ssyncadd.s32 $0xFFFFFFFF  }
0xb6: {  	_ =	strace $0x9000004B  }
0xb7: {  	_ =	sfence  }
0xb8: {  	s30 =	sld [smem:$0x0];
	_ =	sdelay $0x2  }
0xb9: {  	s31 =	sshll.u32 s1, $0xD;
	s1 =	sshrl.u32 s1, $0x2  }
0xba: {  	s3 =	sand.u32 $0x4000, s31;
	s1 =	sadd.s32 s1, s30  }
0xbb: {  	s0 =	sor.u32 s3, s0;
	s1 =	sshll.u32 s1, $0x11  }
0xbc: {  	s0 =	sor.u32 s1, s0  }
0xbd: {  	s0 =	sadd.s32 $0x8F2B, s0  }
0xbe: {  	[sflag:s0] =	ssyncadd.remote.s32 $0x1  }
0xbf: {  	_ =	sfence.sel $0xFFFF  }
0xc0: {  	[dreg:$0x0] =	wrdreg $0xFFFFFFFF;
	(pc) =	sbr.abs _section_cstart, $3  }
0xc1: {  	[dreg:$0x1] =	wrdreg $0xFFFFFFFF  }
0xc2: {  	_ =	task.clear_ibuf [dreg:s7], $0x2FFFF;
	_ =	strace $0x9FFFFFFF  }
0xc3: {  	(tm) =	ssettm $0x7FFFFFFF  }
tec
execute0_lowered:
.L_overlay_start_1:
0x0: {  	(tag) =	ssettag $0x1  }
0x1: {  	s5 =	rddreg [dreg:$0x0]  }
0x2: {  	s2 =	rddreg [dreg:$0x1];
	s0 =	srdreg.scid  }
0x3: {  	s3 =	rddreg [dreg:$0x2];
	s1 =	stileid.u32;
	s4 =	simm.s32 $0x0  }
0x4: {  	s16 =	simm.s32 $0xD000;
	s17 =	simm.s32 $0x2;
	s18 =	simm.s32 $0x2800  }
0x5: {  	s19 =	simm.s32 $0x80;
	s20 =	simm.s32 $0x5000;
	s8 =	smul.u32 $0x5000, s1  }
0x6: {  	s21 =	simm.s32 $0x7000;
	s22 =	simm.s32 $0x9000;
	s9 =	smul.u32 $0xA000, s1  }
0x7: {  	s23 =	simm.s32 $0xB000;
	s6 =	sand.u32 $0x1, s0;
	s11 =	smul.u32 $0x28000, s1  }
0x8: {  	s24 =	simm.s32 $0x1;
	s0 =	rddreg [dreg:$0x3];
	s7 =	smul.u32 $0x50000, s6  }
0x9: {  	[smem:$0x7FF] =	sst s4;
	s10 =	smul.u32 $0xA0000, s6;
	s6 =	ssub.s32 $0x2, s6  }
0xa: {  	_ =	strace $0x8000004A;
	s29 =	sshrl.u32 s11, $0x2;
	s30 =	sshrl.u32 s6, $0x1  }
0xb: {  	s7 =	sadd.s32 s8, s7;
	s8 =	sshrl.u32 s8, $0x3;
	s28 =	sadd.s32 s9, s10  }
0xc: {  	s31 =	sadd.s32 s29, s3;
	s15 =	ssub.s32 s6, s30;
	s7 =	sshrl.u32 s7, $0x3  }
0xd: {  	s13 =	sadd.s32 s8, s5;
	s6 =	sadd.s32 $0x2000, s31;
	s8 =	sadd.s32 $0x6000, s31  }
0xe: {  	s15 =	smax.u32 s15, $0x1;
	s12 =	sadd.s32 s7, s5;
	s7 =	sshrl.u32 s28, $0x3  }
0xf: {  	s11 =	sadd.s32 $0x15E00, s13;
	s13 =	sadd.s32 $0x16300, s13;
	s14 =	sadd.s32 s7, s5  }
0x10: {  	s5 =	sadd.s32 s9, s3;
	s7 =	sadd.s32 $0x4000, s31;
	s9 =	sadd.s32 $0x8000, s31  }
0x11: {  	v0 =	vimm.f32 $0.0e+00;
	s10 =	sadd.s32 $0x1E00, s12;
	s12 =	sadd.s32 $0x2300, s12;
	s14 =	sadd.s32 $0x1FE00, s14  }
.LBB2_1:
0x12: {  	s26 =	simm.s32 $0x100;
	s25 =	simm.s32 $0x0  }
.LBB2_2:
0x13: {  	p0 =	sne.s32 s26, $0x7F00;
	[tilespmem:s25+$0xD030] =	vst v0;
	s28 =	smov.u32 s26;
	s26 =	sadd.s32 $0x100, s26  }
.Ltmp0:
0x14: {  	[tilespmem:s25+$0xD020] =	vst v0;
	(pc) =	sbr.rel @p0 .LBB2_2-.Ltmp0, $3  }
0x15: {  	[tilespmem:s25+$0xD000] =	vst v0  }
0x16: {  	[tilespmem:s25+$0xD010] =	vst v0;
	_ =	sdelay $0x1  }
0x17: {  	s25 =	sshra.s32 s28, $0x2  }
0x18: {  	[tilespmem:s25+$0xD030] =	vst v0  }
0x19: {  	[tilespmem:s25+$0xD020] =	vst v0  }
0x1a: {  	[tilespmem:s25+$0xD000] =	vst v0  }
0x1b: {  	[tilespmem:s25+$0xD010] =	vst v0  }
0x1c: {  	[spmem:s5] =	stream.linear.scatter [tilespmem:s16], [sflag:$0x2], $0x2000, $0x38;
	[tilespmem:$0x19000] =	vst v63  }
0x1d: {  	_ =	swait.ge [sflag:s17], $0x2000  }
0x1e: {  	[sflag:s17] =	ssyncset.done $0x0  }
0x1f: {  	[sflag:s17] =	ssyncadd.s32 $0xFFFFE000  }
0x20: {  	[spmem:s6] =	stream.linear.scatter [tilespmem:s16], [sflag:$0x2], $0x2000, $0x38;
	[tilespmem:$0x19000] =	vst v63  }
0x21: {  	_ =	swait.ge [sflag:s17], $0x2000  }
0x22: {  	[sflag:s17] =	ssyncset.done $0x0  }
0x23: {  	[sflag:s17] =	ssyncadd.s32 $0xFFFFE000  }
0x24: {  	[spmem:s7] =	stream.linear.scatter [tilespmem:s16], [sflag:$0x2], $0x2000, $0x38;
	[tilespmem:$0x19000] =	vst v63  }
0x25: {  	_ =	swait.ge [sflag:s17], $0x2000  }
0x26: {  	[sflag:s17] =	ssyncset.done $0x0  }
0x27: {  	[sflag:s17] =	ssyncadd.s32 $0xFFFFE000  }
0x28: {  	[spmem:s8] =	stream.linear.scatter [tilespmem:s16], [sflag:$0x2], $0x2000, $0x38;
	[tilespmem:$0x19000] =	vst v63  }
0x29: {  	_ =	swait.ge [sflag:s17], $0x2000  }
0x2a: {  	[sflag:s17] =	ssyncset.done $0x0  }
0x2b: {  	[sflag:s17] =	ssyncadd.s32 $0xFFFFE000  }
0x2c: {  	[spmem:s9] =	stream.linear.scatter [tilespmem:s16], [sflag:$0x2], $0x2000, $0x38;
	[tilespmem:$0x19000] =	vst v63  }
0x2d: {  	_ =	swait.ge [sflag:s17], $0x2000  }
0x2e: {  	[sflag:s17] =	ssyncset.done $0x0  }
0x2f: {  	[sflag:s17] =	ssyncadd.s32 $0xFFFFE000  }
0x30: {  	s31 =	simm.s32 $0x0;
	[bflag:$0x0] =	sbarrier.arrive $0xFFFF  }
0x31: {  	[tilespmem:s31], [sflag:$0x2] =	stream.linear.gather [hbm4b:s10+s31], $0x2800, $0x38;
	[tilespmem:$0x19000] =	vst v63  }
0x32: {  	_ =	swait.ge [sflag:s17], $0x2800  }
0x33: {  	[sflag:s17] =	ssyncset.done $0x0  }
0x34: {  	[sflag:s17] =	ssyncadd.s32 $0xFFFFD800  }
0x35: {  	[tilespmem:s18], [sflag:$0x2] =	stream.linear.gather [hbm4b:s11+s31], $0x2800, $0x38;
	[tilespmem:$0x19000] =	vst v63  }
0x36: {  	_ =	swait.ge [sflag:s17], $0x2800  }
0x37: {  	[sflag:s17] =	ssyncset.done $0x0  }
0x38: {  	s26 =	simm.s32 $0x0;
	[sflag:s17] =	ssyncadd.s32 $0xFFFFD800  }
0x39: {  	[tilespmem:s20], [sflag:$0x1] =	stream.indirect.gather [hbm4b:s2+s19], $0x40, s26, s19, $0xb8;
	[tilespmem:$0x19000] =	vst v63  }
0x3a: {  	s28 =	simm.s32 $0x80  }
0x3b: {  	[tilespmem:s21], [sflag:$0x1] =	stream.indirect.gather [hbm4b:s2+s19], $0x40, s28, s19, $0xb8;
	[tilespmem:$0x19000] =	vst v63  }
0x3c: {  	s30 =	simm.s32 $0x100  }
0x3d: {  	[tilespmem:s22], [sflag:$0x1] =	stream.indirect.gather [hbm4b:s2+s19], $0x40, s30, s19, $0xb8;
	[tilespmem:$0x19000] =	vst v63  }
0x3e: {  	s31 =	simm.s32 $0x180  }
0x3f: {  	[tilespmem:s23], [sflag:$0x1] =	stream.indirect.gather [hbm4b:s2+s19], $0x40, s31, s19, $0xb8;
	[tilespmem:$0x19000] =	vst v63  }
0x40: {  	_ =	swait.ge [sflag:s24], $0x2000  }
0x41: {  	[sflag:s24] =	ssyncset.done $0x0  }
0x42: {  	[sflag:s24] =	ssyncadd.s32 $0xFFFFE000  }
0x43: {  	_ =	swait.ge [sflag:s24], $0x2000  }
0x44: {  	[sflag:s24] =	ssyncset.done $0x0  }
0x45: {  	[sflag:s24] =	ssyncadd.s32 $0xFFFFE000  }
0x46: {  	_ =	swait.ge [sflag:s24], $0x2000  }
0x47: {  	[sflag:s24] =	ssyncset.done $0x0  }
0x48: {  	[sflag:s24] =	ssyncadd.s32 $0xFFFFE000  }
0x49: {  	_ =	swait.ge [sflag:s24], $0x2000  }
0x4a: {  	[sflag:s24] =	ssyncset.done $0x0  }
0x4b: {  	s26 =	simm.s32 $0x2800;
	[sflag:s24] =	ssyncadd.s32 $0xFFFFE000  }
0x4c: {  	[spmem:s3] =	stream.indirect.scatter.add.f32 [tilespmem:s20], [sflag:$0x2], $0x40, s26, s19, $0xb8;
	[tilespmem:$0x19000] =	vst v63  }
0x4d: {  	_ =	swait.ge [sflag:s17], $0x2000  }
0x4e: {  	[sflag:s17] =	ssyncset.done $0x0  }
0x4f: {  	s28 =	simm.s32 $0x2880;
	[sflag:s17] =	ssyncadd.s32 $0xFFFFE000  }
0x50: {  	[spmem:s3] =	stream.indirect.scatter.add.f32 [tilespmem:s21], [sflag:$0x2], $0x40, s28, s19, $0xb8;
	[tilespmem:$0x19000] =	vst v63  }
0x51: {  	_ =	swait.ge [sflag:s17], $0x2000  }
0x52: {  	[sflag:s17] =	ssyncset.done $0x0  }
0x53: {  	s30 =	simm.s32 $0x2900;
	[sflag:s17] =	ssyncadd.s32 $0xFFFFE000  }
0x54: {  	[spmem:s3] =	stream.indirect.scatter.add.f32 [tilespmem:s22], [sflag:$0x2], $0x40, s30, s19, $0xb8;
	[tilespmem:$0x19000] =	vst v63  }
0x55: {  	_ =	swait.ge [sflag:s17], $0x2000  }
0x56: {  	[sflag:s17] =	ssyncset.done $0x0  }
0x57: {  	s31 =	simm.s32 $0x2980;
	[sflag:s17] =	ssyncadd.s32 $0xFFFFE000  }
0x58: {  	[spmem:s3] =	stream.indirect.scatter.add.f32 [tilespmem:s23], [sflag:$0x2], $0x40, s31, s19, $0xb8;
	[tilespmem:$0x19000] =	vst v63  }
0x59: {  	_ =	swait.ge [sflag:s17], $0x2000  }
0x5a: {  	s25 =	simm.s32 $0x800;
	s29 =	simm.s32 $0x1000;
	[sflag:s17] =	ssyncset.done $0x0  }
.LBB2_4:
0x5b: {  	s28 =	sshra.s32 s25, $0x2  }
0x5c: {  	[sflag:s17] =	ssyncadd.s32 $0xFFFFE000;
	s25 =	smov.u32 s29;
	s26 =	sadd.s32 $0x800, s29  }
0x5d: {  	[tilespmem:s20], [sflag:$0x1] =	stream.indirect.gather [hbm4b:s2+s19], $0x40, s28, s19, $0xb8;
	[tilespmem:$0x19000] =	vst v63  }
0x5e: {  	p0 =	sne.s32 s29, $0x9800;
	s29 =	sadd.s32 $0x80, s28  }
0x5f: {  	[tilespmem:s21], [sflag:$0x1] =	stream.indirect.gather [hbm4b:s2+s19], $0x40, s29, s19, $0xb8;
	[tilespmem:$0x19000] =	vst v63  }
0x60: {  	s29 =	sadd.s32 $0x100, s28  }
0x61: {  	[tilespmem:s22], [sflag:$0x1] =	stream.indirect.gather [hbm4b:s2+s19], $0x40, s29, s19, $0xb8;
	[tilespmem:$0x19000] =	vst v63  }
0x62: {  	s29 =	sadd.s32 $0x180, s28  }
0x63: {  	[tilespmem:s23], [sflag:$0x1] =	stream.indirect.gather [hbm4b:s2+s19], $0x40, s29, s19, $0xb8;
	[tilespmem:$0x19000] =	vst v63  }
0x64: {  	_ =	swait.ge [sflag:s24], $0x2000  }
0x65: {  	[sflag:s24] =	ssyncset.done $0x0  }
0x66: {  	[sflag:s24] =	ssyncadd.s32 $0xFFFFE000  }
0x67: {  	_ =	swait.ge [sflag:s24], $0x2000  }
0x68: {  	[sflag:s24] =	ssyncset.done $0x0  }
0x69: {  	[sflag:s24] =	ssyncadd.s32 $0xFFFFE000  }
0x6a: {  	_ =	swait.ge [sflag:s24], $0x2000  }
0x6b: {  	[sflag:s24] =	ssyncset.done $0x0  }
0x6c: {  	[sflag:s24] =	ssyncadd.s32 $0xFFFFE000  }
0x6d: {  	_ =	swait.ge [sflag:s24], $0x2000  }
0x6e: {  	[sflag:s24] =	ssyncset.done $0x0  }
0x6f: {  	s29 =	sadd.s32 $0x2800, s28;
	[sflag:s24] =	ssyncadd.s32 $0xFFFFE000  }
0x70: {  	[spmem:s3] =	stream.indirect.scatter.add.f32 [tilespmem:s20], [sflag:$0x2], $0x40, s29, s19, $0xb8;
	[tilespmem:$0x19000] =	vst v63  }
0x71: {  	_ =	swait.ge [sflag:s17], $0x2000  }
0x72: {  	[sflag:s17] =	ssyncset.done $0x0  }
0x73: {  	s29 =	sadd.s32 $0x2880, s28;
	[sflag:s17] =	ssyncadd.s32 $0xFFFFE000  }
0x74: {  	[spmem:s3] =	stream.indirect.scatter.add.f32 [tilespmem:s21], [sflag:$0x2], $0x40, s29, s19, $0xb8;
	[tilespmem:$0x19000] =	vst v63  }
0x75: {  	_ =	swait.ge [sflag:s17], $0x2000  }
0x76: {  	[sflag:s17] =	ssyncset.done $0x0  }
0x77: {  	s29 =	sadd.s32 $0x2900, s28;
	[sflag:s17] =	ssyncadd.s32 $0xFFFFE000  }
0x78: {  	[spmem:s3] =	stream.indirect.scatter.add.f32 [tilespmem:s22], [sflag:$0x2], $0x40, s29, s19, $0xb8;
	[tilespmem:$0x19000] =	vst v63  }
0x79: {  	_ =	swait.ge [sflag:s17], $0x2000  }
.Ltmp1:
0x7a: {  	[sflag:s17] =	ssyncset.done $0x0;
	(pc) =	sbr.rel @p0 .LBB2_4-.Ltmp1, $4  }
0x7b: {  	s28 =	sadd.s32 $0x2980, s28;
	[sflag:s17] =	ssyncadd.s32 $0xFFFFE000  }
0x7c: {  	[spmem:s3] =	stream.indirect.scatter.add.f32 [tilespmem:s23], [sflag:$0x2], $0x40, s28, s19, $0xb8;
	[tilespmem:$0x19000] =	vst v63  }
0x7d: {  	_ =	swait.ge [sflag:s17], $0x2000  }
0x7e: {  	s29 =	smov.u32 s26;
	[sflag:s17] =	ssyncset.done $0x0  }
0x7f: {  	s25 =	sshra.s32 s25, $0x2;
	[sflag:s17] =	ssyncadd.s32 $0xFFFFE000  }
0x80: {  	[tilespmem:s20], [sflag:$0x1] =	stream.indirect.gather [hbm4b:s2+s19], $0x40, s25, s19, $0xb8;
	[tilespmem:$0x19000] =	vst v63  }
0x81: {  	s26 =	sadd.s32 $0x80, s25  }
0x82: {  	[tilespmem:s21], [sflag:$0x1] =	stream.indirect.gather [hbm4b:s2+s19], $0x40, s26, s19, $0xb8;
	[tilespmem:$0x19000] =	vst v63  }
0x83: {  	s28 =	sadd.s32 $0x100, s25  }
0x84: {  	[tilespmem:s22], [sflag:$0x1] =	stream.indirect.gather [hbm4b:s2+s19], $0x40, s28, s19, $0xb8;
	[tilespmem:$0x19000] =	vst v63  }
0x85: {  	s30 =	sadd.s32 $0x180, s25  }
0x86: {  	[tilespmem:s23], [sflag:$0x1] =	stream.indirect.gather [hbm4b:s2+s19], $0x40, s30, s19, $0xb8;
	[tilespmem:$0x19000] =	vst v63  }
0x87: {  	_ =	swait.ge [sflag:s24], $0x2000  }
0x88: {  	[sflag:s24] =	ssyncset.done $0x0  }
0x89: {  	[sflag:s24] =	ssyncadd.s32 $0xFFFFE000  }
0x8a: {  	_ =	swait.ge [sflag:s24], $0x2000  }
0x8b: {  	[sflag:s24] =	ssyncset.done $0x0  }
0x8c: {  	[sflag:s24] =	ssyncadd.s32 $0xFFFFE000  }
0x8d: {  	_ =	swait.ge [sflag:s24], $0x2000  }
0x8e: {  	[sflag:s24] =	ssyncset.done $0x0  }
0x8f: {  	[sflag:s24] =	ssyncadd.s32 $0xFFFFE000  }
0x90: {  	_ =	swait.ge [sflag:s24], $0x2000  }
0x91: {  	[sflag:s24] =	ssyncset.done $0x0  }
0x92: {  	s31 =	sadd.s32 $0x2800, s25;
	[sflag:s24] =	ssyncadd.s32 $0xFFFFE000  }
0x93: {  	[spmem:s3] =	stream.indirect.scatter.add.f32 [tilespmem:s20], [sflag:$0x2], $0x40, s31, s19, $0xb8;
	[tilespmem:$0x19000] =	vst v63  }
0x94: {  	_ =	swait.ge [sflag:s17], $0x2000  }
0x95: {  	[sflag:s17] =	ssyncset.done $0x0  }
0x96: {  	s28 =	sadd.s32 $0x2880, s25;
	[sflag:s17] =	ssyncadd.s32 $0xFFFFE000  }
0x97: {  	[spmem:s3] =	stream.indirect.scatter.add.f32 [tilespmem:s21], [sflag:$0x2], $0x40, s28, s19, $0xb8;
	[tilespmem:$0x19000] =	vst v63  }
0x98: {  	_ =	swait.ge [sflag:s17], $0x2000  }
0x99: {  	[sflag:s17] =	ssyncset.done $0x0  }
0x9a: {  	s30 =	sadd.s32 $0x2900, s25;
	[sflag:s17] =	ssyncadd.s32 $0xFFFFE000  }
0x9b: {  	[spmem:s3] =	stream.indirect.scatter.add.f32 [tilespmem:s22], [sflag:$0x2], $0x40, s30, s19, $0xb8;
	[tilespmem:$0x19000] =	vst v63  }
0x9c: {  	_ =	swait.ge [sflag:s17], $0x2000  }
0x9d: {  	[sflag:s17] =	ssyncset.done $0x0  }
0x9e: {  	s25 =	sadd.s32 $0x2980, s25;
	[sflag:s17] =	ssyncadd.s32 $0xFFFFE000  }
0x9f: {  	[spmem:s3] =	stream.indirect.scatter.add.f32 [tilespmem:s23], [sflag:$0x2], $0x40, s25, s19, $0xb8;
	[tilespmem:$0x19000] =	vst v63  }
0xa0: {  	_ =	swait.ge [sflag:s17], $0x2000  }
0xa1: {  	[sflag:s17] =	ssyncset.done $0x0  }
0xa2: {  	s31 =	simm.s32 $0x0;
	[sflag:s17] =	ssyncadd.s32 $0xFFFFE000  }
0xa3: {  	[tilespmem:s31], [sflag:$0x2] =	stream.linear.gather [hbm4b:s12+s31], $0x2800, $0x38;
	[tilespmem:$0x19000] =	vst v63  }
0xa4: {  	_ =	swait.ge [sflag:s17], $0x2800  }
0xa5: {  	[sflag:s17] =	ssyncset.done $0x0  }
0xa6: {  	[sflag:s17] =	ssyncadd.s32 $0xFFFFD800  }
0xa7: {  	[tilespmem:s18], [sflag:$0x2] =	stream.linear.gather [hbm4b:s13+s31], $0x2800, $0x38;
	[tilespmem:$0x19000] =	vst v63  }
0xa8: {  	_ =	swait.ge [sflag:s17], $0x2800  }
0xa9: {  	[sflag:s17] =	ssyncset.done $0x0  }
0xaa: {  	s26 =	simm.s32 $0x0;
	[sflag:s17] =	ssyncadd.s32 $0xFFFFD800  }
0xab: {  	[tilespmem:s20], [sflag:$0x1] =	stream.indirect.gather [hbm4b:s2+s19], $0x40, s26, s19, $0xb8;
	[tilespmem:$0x19000] =	vst v63  }
0xac: {  	s28 =	simm.s32 $0x80  }
0xad: {  	[tilespmem:s21], [sflag:$0x1] =	stream.indirect.gather [hbm4b:s2+s19], $0x40, s28, s19, $0xb8;
	[tilespmem:$0x19000] =	vst v63  }
0xae: {  	s30 =	simm.s32 $0x100  }
0xaf: {  	[tilespmem:s22], [sflag:$0x1] =	stream.indirect.gather [hbm4b:s2+s19], $0x40, s30, s19, $0xb8;
	[tilespmem:$0x19000] =	vst v63  }
0xb0: {  	s31 =	simm.s32 $0x180  }
0xb1: {  	[tilespmem:s23], [sflag:$0x1] =	stream.indirect.gather [hbm4b:s2+s19], $0x40, s31, s19, $0xb8;
	[tilespmem:$0x19000] =	vst v63  }
0xb2: {  	_ =	swait.ge [sflag:s24], $0x2000  }
0xb3: {  	[sflag:s24] =	ssyncset.done $0x0  }
0xb4: {  	[sflag:s24] =	ssyncadd.s32 $0xFFFFE000  }
0xb5: {  	_ =	swait.ge [sflag:s24], $0x2000  }
0xb6: {  	[sflag:s24] =	ssyncset.done $0x0  }
0xb7: {  	[sflag:s24] =	ssyncadd.s32 $0xFFFFE000  }
0xb8: {  	_ =	swait.ge [sflag:s24], $0x2000  }
0xb9: {  	[sflag:s24] =	ssyncset.done $0x0  }
0xba: {  	[sflag:s24] =	ssyncadd.s32 $0xFFFFE000  }
0xbb: {  	_ =	swait.ge [sflag:s24], $0x2000  }
0xbc: {  	[sflag:s24] =	ssyncset.done $0x0  }
0xbd: {  	s26 =	simm.s32 $0x2800;
	[sflag:s24] =	ssyncadd.s32 $0xFFFFE000  }
0xbe: {  	[spmem:s3] =	stream.indirect.scatter.add.f32 [tilespmem:s20], [sflag:$0x2], $0x40, s26, s19, $0xb8;
	[tilespmem:$0x19000] =	vst v63  }
0xbf: {  	_ =	swait.ge [sflag:s17], $0x2000  }
0xc0: {  	[sflag:s17] =	ssyncset.done $0x0  }
0xc1: {  	s28 =	simm.s32 $0x2880;
	[sflag:s17] =	ssyncadd.s32 $0xFFFFE000  }
0xc2: {  	[spmem:s3] =	stream.indirect.scatter.add.f32 [tilespmem:s21], [sflag:$0x2], $0x40, s28, s19, $0xb8;
	[tilespmem:$0x19000] =	vst v63  }
0xc3: {  	_ =	swait.ge [sflag:s17], $0x2000  }
0xc4: {  	[sflag:s17] =	ssyncset.done $0x0  }
0xc5: {  	s30 =	simm.s32 $0x2900;
	[sflag:s17] =	ssyncadd.s32 $0xFFFFE000  }
0xc6: {  	[spmem:s3] =	stream.indirect.scatter.add.f32 [tilespmem:s22], [sflag:$0x2], $0x40, s30, s19, $0xb8;
	[tilespmem:$0x19000] =	vst v63  }
0xc7: {  	_ =	swait.ge [sflag:s17], $0x2000  }
0xc8: {  	[sflag:s17] =	ssyncset.done $0x0  }
0xc9: {  	s31 =	simm.s32 $0x2980;
	[sflag:s17] =	ssyncadd.s32 $0xFFFFE000  }
0xca: {  	[spmem:s3] =	stream.indirect.scatter.add.f32 [tilespmem:s23], [sflag:$0x2], $0x40, s31, s19, $0xb8;
	[tilespmem:$0x19000] =	vst v63  }
0xcb: {  	_ =	swait.ge [sflag:s17], $0x2000  }
0xcc: {  	s29 =	simm.s32 $0x1000;
	s25 =	simm.s32 $0x800;
	[sflag:s17] =	ssyncset.done $0x0  }
.LBB2_6:
0xcd: {  	s28 =	sshra.s32 s25, $0x2  }
0xce: {  	[sflag:s17] =	ssyncadd.s32 $0xFFFFE000;
	s25 =	smov.u32 s29;
	s26 =	sadd.s32 $0x800, s29  }
0xcf: {  	[tilespmem:s20], [sflag:$0x1] =	stream.indirect.gather [hbm4b:s2+s19], $0x40, s28, s19, $0xb8;
	[tilespmem:$0x19000] =	vst v63  }
0xd0: {  	p0 =	sne.s32 s29, $0x9800;
	s29 =	sadd.s32 $0x80, s28  }
0xd1: {  	[tilespmem:s21], [sflag:$0x1] =	stream.indirect.gather [hbm4b:s2+s19], $0x40, s29, s19, $0xb8;
	[tilespmem:$0x19000] =	vst v63  }
0xd2: {  	s29 =	sadd.s32 $0x100, s28  }
0xd3: {  	[tilespmem:s22], [sflag:$0x1] =	stream.indirect.gather [hbm4b:s2+s19], $0x40, s29, s19, $0xb8;
	[tilespmem:$0x19000] =	vst v63  }
0xd4: {  	s29 =	sadd.s32 $0x180, s28  }
0xd5: {  	[tilespmem:s23], [sflag:$0x1] =	stream.indirect.gather [hbm4b:s2+s19], $0x40, s29, s19, $0xb8;
	[tilespmem:$0x19000] =	vst v63  }
0xd6: {  	_ =	swait.ge [sflag:s24], $0x2000  }
0xd7: {  	[sflag:s24] =	ssyncset.done $0x0  }
0xd8: {  	[sflag:s24] =	ssyncadd.s32 $0xFFFFE000  }
0xd9: {  	_ =	swait.ge [sflag:s24], $0x2000  }
0xda: {  	[sflag:s24] =	ssyncset.done $0x0  }
0xdb: {  	[sflag:s24] =	ssyncadd.s32 $0xFFFFE000  }
0xdc: {  	_ =	swait.ge [sflag:s24], $0x2000  }
0xdd: {  	[sflag:s24] =	ssyncset.done $0x0  }
0xde: {  	[sflag:s24] =	ssyncadd.s32 $0xFFFFE000  }
0xdf: {  	_ =	swait.ge [sflag:s24], $0x2000  }
0xe0: {  	[sflag:s24] =	ssyncset.done $0x0  }
0xe1: {  	s29 =	sadd.s32 $0x2800, s28;
	[sflag:s24] =	ssyncadd.s32 $0xFFFFE000  }
0xe2: {  	[spmem:s3] =	stream.indirect.scatter.add.f32 [tilespmem:s20], [sflag:$0x2], $0x40, s29, s19, $0xb8;
	[tilespmem:$0x19000] =	vst v63  }
0xe3: {  	_ =	swait.ge [sflag:s17], $0x2000  }
0xe4: {  	[sflag:s17] =	ssyncset.done $0x0  }
0xe5: {  	s29 =	sadd.s32 $0x2880, s28;
	[sflag:s17] =	ssyncadd.s32 $0xFFFFE000  }
0xe6: {  	[spmem:s3] =	stream.indirect.scatter.add.f32 [tilespmem:s21], [sflag:$0x2], $0x40, s29, s19, $0xb8;
	[tilespmem:$0x19000] =	vst v63  }
0xe7: {  	_ =	swait.ge [sflag:s17], $0x2000  }
0xe8: {  	[sflag:s17] =	ssyncset.done $0x0  }
0xe9: {  	s29 =	sadd.s32 $0x2900, s28;
	[sflag:s17] =	ssyncadd.s32 $0xFFFFE000  }
0xea: {  	[spmem:s3] =	stream.indirect.scatter.add.f32 [tilespmem:s22], [sflag:$0x2], $0x40, s29, s19, $0xb8;
	[tilespmem:$0x19000] =	vst v63  }
0xeb: {  	_ =	swait.ge [sflag:s17], $0x2000  }
.Ltmp2:
0xec: {  	[sflag:s17] =	ssyncset.done $0x0;
	(pc) =	sbr.rel @p0 .LBB2_6-.Ltmp2, $4  }
0xed: {  	s28 =	sadd.s32 $0x2980, s28;
	[sflag:s17] =	ssyncadd.s32 $0xFFFFE000  }
0xee: {  	[spmem:s3] =	stream.indirect.scatter.add.f32 [tilespmem:s23], [sflag:$0x2], $0x40, s28, s19, $0xb8;
	[tilespmem:$0x19000] =	vst v63  }
0xef: {  	_ =	swait.ge [sflag:s17], $0x2000  }
0xf0: {  	s29 =	smov.u32 s26;
	[sflag:s17] =	ssyncset.done $0x0  }
0xf1: {  	s25 =	sshra.s32 s25, $0x2;
	[sflag:s17] =	ssyncadd.s32 $0xFFFFE000  }
0xf2: {  	[tilespmem:s20], [sflag:$0x1] =	stream.indirect.gather [hbm4b:s2+s19], $0x40, s25, s19, $0xb8;
	[tilespmem:$0x19000] =	vst v63  }
0xf3: {  	s26 =	sadd.s32 $0x80, s25  }
0xf4: {  	[tilespmem:s21], [sflag:$0x1] =	stream.indirect.gather [hbm4b:s2+s19], $0x40, s26, s19, $0xb8;
	[tilespmem:$0x19000] =	vst v63  }
0xf5: {  	s29 =	sadd.s32 $0x100, s25  }
0xf6: {  	[tilespmem:s22], [sflag:$0x1] =	stream.indirect.gather [hbm4b:s2+s19], $0x40, s29, s19, $0xb8;
	[tilespmem:$0x19000] =	vst v63  }
0xf7: {  	s30 =	sadd.s32 $0x180, s25  }
0xf8: {  	[tilespmem:s23], [sflag:$0x1] =	stream.indirect.gather [hbm4b:s2+s19], $0x40, s30, s19, $0xb8;
	[tilespmem:$0x19000] =	vst v63  }
0xf9: {  	_ =	swait.ge [sflag:s24], $0x2000  }
0xfa: {  	[sflag:s24] =	ssyncset.done $0x0  }
0xfb: {  	[sflag:s24] =	ssyncadd.s32 $0xFFFFE000  }
0xfc: {  	_ =	swait.ge [sflag:s24], $0x2000  }
0xfd: {  	[sflag:s24] =	ssyncset.done $0x0  }
0xfe: {  	[sflag:s24] =	ssyncadd.s32 $0xFFFFE000  }
0xff: {  	_ =	swait.ge [sflag:s24], $0x2000  }
0x100: {  	[sflag:s24] =	ssyncset.done $0x0  }
0x101: {  	[sflag:s24] =	ssyncadd.s32 $0xFFFFE000  }
0x102: {  	_ =	swait.ge [sflag:s24], $0x2000  }
0x103: {  	[sflag:s24] =	ssyncset.done $0x0  }
0x104: {  	s31 =	sadd.s32 $0x2800, s25;
	[sflag:s24] =	ssyncadd.s32 $0xFFFFE000  }
0x105: {  	[spmem:s3] =	stream.indirect.scatter.add.f32 [tilespmem:s20], [sflag:$0x2], $0x40, s31, s19, $0xb8;
	[tilespmem:$0x19000] =	vst v63  }
0x106: {  	_ =	swait.ge [sflag:s17], $0x2000  }
0x107: {  	[sflag:s17] =	ssyncset.done $0x0  }
0x108: {  	s28 =	sadd.s32 $0x2880, s25;
	[sflag:s17] =	ssyncadd.s32 $0xFFFFE000  }
0x109: {  	[spmem:s3] =	stream.indirect.scatter.add.f32 [tilespmem:s21], [sflag:$0x2], $0x40, s28, s19, $0xb8;
	[tilespmem:$0x19000] =	vst v63  }
0x10a: {  	_ =	swait.ge [sflag:s17], $0x2000  }
0x10b: {  	[sflag:s17] =	ssyncset.done $0x0  }
0x10c: {  	s29 =	sadd.s32 $0x2900, s25;
	[sflag:s17] =	ssyncadd.s32 $0xFFFFE000  }
0x10d: {  	[spmem:s3] =	stream.indirect.scatter.add.f32 [tilespmem:s22], [sflag:$0x2], $0x40, s29, s19, $0xb8;
	[tilespmem:$0x19000] =	vst v63  }
0x10e: {  	_ =	swait.ge [sflag:s17], $0x2000  }
0x10f: {  	[sflag:s17] =	ssyncset.done $0x0  }
0x110: {  	s25 =	sadd.s32 $0x2980, s25;
	[sflag:s17] =	ssyncadd.s32 $0xFFFFE000  }
0x111: {  	[spmem:s3] =	stream.indirect.scatter.add.f32 [tilespmem:s23], [sflag:$0x2], $0x40, s25, s19, $0xb8;
	[tilespmem:$0x19000] =	vst v63  }
0x112: {  	s4 =	sadd.s32 $0x1, s4;
	_ =	swait.ge [sflag:s17], $0x2000  }
0x113: {  	p0 =	sne.s32 s4, s15;
	[sflag:s17] =	ssyncset.done $0x0  }
0x114: {  	s30 =	sshll.u32 s1, $0x6;
	s31 =	sshrl.u32 s5, $0x3;
	[sflag:s17] =	ssyncadd.s32 $0xFFFFE000  }
.Ltmp3:
0x115: {  	s25 =	sor.u32 $0x1C02, s30;
	[bflag:$0x0] =	sbarrier.arrive $0xFFFF;
	(pc) =	sbr.rel @p0 .LBB2_1-.Ltmp3, $4  }
0x116: {  	[hbm:s14], [sflag:s25] =	dma.local [spmem:s31], $0x1400  }
0x117: {  	_ =	swait.ge [sflag:s17], $0x1400  }
0x118: {  	[sflag:s17] =	ssyncset.done $0x0  }
0x119: {  	[sflag:s17] =	ssyncadd.s32 $0xFFFFEC00  }
0x11a: {  	_ =	sfence.sel $0x180000  }
0x11b: {  	[bflag:$0x0] =	sbarrier.arrive $0xFFFF  }
0x11c: {  	p0 =	sne.s32 s1, $0x0;
	_ =	strace $0x9000004A  }
0x11d: {  	s0 =	sadd.s32 @!p0 $0x100000, s0;
	[bflag:$0x2] =	sbarrier.arrive $0xFFFF  }
0x11e: {  	[sflag:s0] =	ssyncadd.tile.s32 @!p0 $0x1;
	_ =	shalt  }
.Lfunc_end2:
_tile_overlayer_lowered:
.L_overlay_start_2:
0x11f: {  	(tag) =	ssettag $0x2  }
0x120: {  	s0 =	rddreg [dreg:$0x0];
	s2 =	stileid.u32  }
0x121: {  	s1 =	rddreg [dreg:$0x1];
	p0 =	sne.s32 s2, $0x0  }
0x122: {  	s3 =	rddreg [dreg:$0x2];
	[bflag:$0x3] =	sbarrier.arrive $0xFFFF;
	s2 =	simm.s32 @!p0 $0x1C02  }
0x123: {  	[timem:s3], [sflag:s2] =	dma.local @!p0 [hbm:s0], s1  }
0x124: {  	s0 =	simm.s32 @!p0 $0x2  }
0x125: {  	_ =	swait.ge @!p0 [sflag:s0], s1  }
0x126: {  	s1 =	ssub.s32 @!p0 $0x0, s1;
	[sflag:s0] =	ssyncset.done @!p0 $0x0  }
0x127: {  	[sflag:s0] =	ssyncadd.s32 @!p0 s1  }
0x128: {  	[bflag:$0x3] =	sbarrier.arrive $0xFFFF  }
0x129: {  	_ =	shalt  }

</sc_bundles>
